<compile_context>
chip_gen: v7x
topology: tpu7x:2x2x1
jax: 0.10.2.dev20260603
libtpu: 0.0.44.dev20260713+nightly
codegen_flags: <defaults>
</compile_context>

<pallas_src>
import functools

import jax
import jax.numpy as jnp
from jax import lax
from jax.experimental import pallas as pl
from jax.experimental.pallas import tpu as pltpu
from jax.experimental.pallas import tpu_sc as plsc

_NC = 2
_NS = 16
_NW = _NC * _NS
_CHUNK = 128


def _f32(shape):
    return jax.ShapeDtypeStruct(shape, jnp.float32)


def _off(base, i, chunk=_CHUNK):
    return pl.ds(pl.multiple_of(base + i * chunk, 8), chunk)




def _make_deg_kernel(K, N, W=128):
    npad = ((N + 8 * _NS - 1) // (8 * _NS)) * (8 * _NS)
    rpt = npad // _NS
    mesh = plsc.VectorSubcoreMesh(core_axis_name="c", subcore_axis_name="s")

    assert K % 2 == 1

    @functools.partial(
        pl.kernel,
        out_type=_f32((_NC, npad, W)),
        mesh=mesh,
        scratch_types=[
            pltpu.VMEM((_CHUNK,), jnp.int32),
            pltpu.VMEM((_CHUNK,), jnp.int32),
            pltpu.VMEM((_CHUNK, W), jnp.float32),
            pltpu.VMEM_SHARED((npad, W), jnp.float32),
            pltpu.SemaphoreType.DMA,
            pltpu.SemaphoreType.DMA,
        ],
    )
    def deg_kernel(dst_h, ones_h, zrows_h, out_h, di0, di1, ones_v, acc,
                   ss0, ss1):
        cid = lax.axis_index("c")
        sid = lax.axis_index("s")
        wid = sid * _NC + cid
        base = wid * (K * _CHUNK)
        pltpu.sync_copy(ones_h, ones_v)
        pltpu.sync_copy(zrows_h, acc.at[pl.ds(sid * rpt, rpt)])
        plsc.subcore_barrier()

        pltpu.sync_copy(dst_h.at[_off(base, 0)], di0)
        pltpu.async_copy(ones_v, acc.at[di0], ss0, add=True)

        def pair(j, carry):
            a = 2 * j + 1
            pltpu.sync_copy(dst_h.at[_off(base, a)], di1)
            pltpu.async_copy(ones_v, acc.at[di1], ss1, add=True)
            pltpu.make_async_copy(ones_v, acc.at[di0], ss0).wait()
            pltpu.sync_copy(dst_h.at[_off(base, a + 1)], di0)
            pltpu.async_copy(ones_v, acc.at[di0], ss0, add=True)
            pltpu.make_async_copy(ones_v, acc.at[di1], ss1).wait()
            return carry

        lax.fori_loop(0, (K - 1) // 2, pair, 0)
        pltpu.make_async_copy(ones_v, acc.at[di0], ss0).wait()
        plsc.subcore_barrier()
        pltpu.sync_copy(
            acc.at[pl.ds(sid * rpt, rpt)],
            out_h.at[cid, pl.ds(sid * rpt, rpt)],
        )

    return deg_kernel


def _make_agg_kernel(K, N, D):
    npad = ((N + 8 * _NS - 1) // (8 * _NS)) * (8 * _NS)
    rpt = npad // _NS
    mesh = plsc.VectorSubcoreMesh(core_axis_name="c", subcore_axis_name="s")
    assert K % 3 == 0

    @functools.partial(
        pl.kernel,
        out_type=_f32((_NC, npad, D)),
        mesh=mesh,
        scratch_types=[
            pltpu.VMEM((_CHUNK,), jnp.int32),
            pltpu.VMEM((_CHUNK,), jnp.int32),
            pltpu.VMEM((_CHUNK,), jnp.int32),
            pltpu.VMEM((_CHUNK,), jnp.int32),
            pltpu.VMEM((_CHUNK,), jnp.int32),
            pltpu.VMEM((_CHUNK,), jnp.int32),
            pltpu.VMEM((_CHUNK, D), jnp.float32),
            pltpu.VMEM((_CHUNK, D), jnp.float32),
            pltpu.VMEM((_CHUNK, D), jnp.float32),
            pltpu.VMEM_SHARED((npad, D), jnp.float32),
            pltpu.SemaphoreType.DMA,
            pltpu.SemaphoreType.DMA,
            pltpu.SemaphoreType.DMA,
            pltpu.SemaphoreType.DMA,
            pltpu.SemaphoreType.DMA,
            pltpu.SemaphoreType.DMA,
        ],
    )
    def agg_kernel(table_h, src_h, dst_h, zrows_h, out_h,
                   si0, si1, si2, di0, di1, di2, rows0, rows1, rows2, acc,
                   sg0, sg1, sg2, ss0, ss1, ss2):
        cid = lax.axis_index("c")
        sid = lax.axis_index("s")
        wid = sid * _NC + cid
        base = wid * (K * _CHUNK)
        pltpu.sync_copy(zrows_h, acc.at[pl.ds(sid * rpt, rpt)])
        plsc.subcore_barrier()

        pltpu.sync_copy(src_h.at[_off(base, 0)], si0)
        pltpu.sync_copy(dst_h.at[_off(base, 0)], di0)
        pltpu.async_copy(table_h.at[si0], rows0, sg0)
        pltpu.sync_copy(src_h.at[_off(base, 1)], si1)
        pltpu.sync_copy(dst_h.at[_off(base, 1)], di1)
        pltpu.async_copy(table_h.at[si1], rows1, sg1)

        k3 = K // 3

        def ring(j, carry):
            c = 3 * j
            pltpu.make_async_copy(table_h.at[si0], rows0, sg0).wait()
            pltpu.async_copy(rows0, acc.at[di0], ss0, add=True)

            @pl.when(j > 0)
            def _():
                pltpu.make_async_copy(rows2, acc.at[di2], ss2).wait()

            pltpu.sync_copy(src_h.at[_off(base, c + 2)], si2)
            pltpu.sync_copy(dst_h.at[_off(base, c + 2)], di2)
            pltpu.async_copy(table_h.at[si2], rows2, sg2)

            pltpu.make_async_copy(table_h.at[si1], rows1, sg1).wait()
            pltpu.async_copy(rows1, acc.at[di1], ss1, add=True)

            @pl.when(j < k3 - 1)
            def _():
                pltpu.make_async_copy(rows0, acc.at[di0], ss0).wait()
                pltpu.sync_copy(src_h.at[_off(base, c + 3)], si0)
                pltpu.sync_copy(dst_h.at[_off(base, c + 3)], di0)
                pltpu.async_copy(table_h.at[si0], rows0, sg0)

            pltpu.make_async_copy(table_h.at[si2], rows2, sg2).wait()
            pltpu.async_copy(rows2, acc.at[di2], ss2, add=True)

            @pl.when(j < k3 - 1)
            def _():
                pltpu.make_async_copy(rows1, acc.at[di1], ss1).wait()
                pltpu.sync_copy(src_h.at[_off(base, c + 4)], si1)
                pltpu.sync_copy(dst_h.at[_off(base, c + 4)], di1)
                pltpu.async_copy(table_h.at[si1], rows1, sg1)

            return carry

        lax.fori_loop(0, k3, ring, 0)
        pltpu.make_async_copy(rows0, acc.at[di0], ss0).wait()
        pltpu.make_async_copy(rows1, acc.at[di1], ss1).wait()
        pltpu.make_async_copy(rows2, acc.at[di2], ss2).wait()
        plsc.subcore_barrier()
        pltpu.sync_copy(
            acc.at[pl.ds(sid * rpt, rpt)],
            out_h.at[cid, pl.ds(sid * rpt, rpt)],
        )

    return agg_kernel




def _bn_relu(conv, g, be):
    m = jnp.mean(conv, axis=0)
    v = jnp.var(conv, axis=0)
    return jnp.maximum((conv - m) / jnp.sqrt(v + 1e-5) * g + be, 0.0)


def _tc_a(degp, x, W0):
    N, D = x.shape

    def body(degp_r, x_r, w_r, dinv_r, u0_r, t0_r):
        deg = degp_r[0, :N, 0:1] + degp_r[1, :N, 0:1] + 1.0
        dinv = lax.rsqrt(deg)
        u0 = jnp.dot(x_r[...], w_r[...], preferred_element_type=jnp.float32)
        dinv_r[...] = dinv
        u0_r[...] = u0
        t0_r[...] = u0 * dinv

    return pl.pallas_call(
        body, out_shape=(_f32((N, 1)), _f32((N, D)), _f32((N, D)))
    )(degp, x, W0)


def _tc_b(s0, u0, dinv, b0, g0, be0, W1):
    N, D = u0.shape

    def body(s_r, u_r, dinv_r, b_r, g_r, be_r, w_r, h0_r, u1_r, t1_r):
        dinv = dinv_r[...]
        conv = dinv * (s_r[0, :N] + s_r[1, :N]) + dinv * dinv * u_r[...] + b_r[...]
        h0 = _bn_relu(conv, g_r[...], be_r[...])
        u1 = jnp.dot(h0, w_r[...], preferred_element_type=jnp.float32)
        h0_r[...] = h0
        u1_r[...] = u1
        t1_r[...] = u1 * dinv

    return pl.pallas_call(
        body, out_shape=(_f32((N, D)), _f32((N, D)), _f32((N, D)))
    )(s0, u0, dinv, b0, g0, be0, W1)


def _tc_c(s1, u1, h0, dinv, b1, g1, be1, Wt, bt):
    N, D = u1.shape

    def body(s_r, u_r, h0_r, dinv_r, b_r, g_r, be_r, wt_r, bt_r,
             h1_r, t_r, t2_r):
        dinv = dinv_r[...]
        conv = dinv * (s_r[0, :N] + s_r[1, :N]) + dinv * dinv * u_r[...] + b_r[...]
        h1 = _bn_relu(conv, g_r[...], be_r[...]) + h0_r[...]
        tt = jnp.dot(h1, wt_r[...], preferred_element_type=jnp.float32)
        t_r[...] = jax.nn.sigmoid(tt + bt_r[...])
        h1_r[...] = h1
        t2_r[...] = h1 * dinv

    return pl.pallas_call(
        body, out_shape=(_f32((N, D)), _f32((N, 1)), _f32((N, D)))
    )(s1, u1, h0, dinv, b1, g1, be1, Wt, bt)


def _tc_d(s2, h1, dinv, Wm, bm, Wv, bv, eps):
    N, D = h1.shape
    Z = Wm.shape[1]

    def body(s_r, h1_r, dinv_r, wm_r, bm_r, wv_r, bv_r, eps_r,
             qz_r, qm_r, qs_r):
        dinv = dinv_r[...]
        aggh = dinv * (s_r[0, :N] + s_r[1, :N]) + dinv * dinv * h1_r[...]
        q_m = jnp.dot(aggh, wm_r[...], preferred_element_type=jnp.float32) + bm_r[...]
        q_s = jnp.dot(aggh, wv_r[...], preferred_element_type=jnp.float32) + bv_r[...]
        std = jax.nn.softplus(q_s) + 1e-6
        qm_r[...] = q_m
        qs_r[...] = q_s
        qz_r[...] = q_m + std * eps_r[...]

    return pl.pallas_call(
        body, out_shape=(_f32((N, Z)), _f32((N, Z)), _f32((N, Z)))
    )(s2, h1, dinv, Wm, bm, Wv, bv, eps)




def kernel(x, edge_index, W0, b0, g0, be0, W1, b1, g1, be1,
           Wm, bm, Wv, bv, Wt, bt, eps):
    N, D = x.shape
    E = edge_index.shape[1]
    k_chunks = -(-E // (_NW * _CHUNK))
    while k_chunks % 3 or k_chunks % 2 == 0:
        k_chunks += 1
    e_pad = _NW * k_chunks * _CHUNK - E
    npad = ((N + 8 * _NS - 1) // (8 * _NS)) * (8 * _NS)
    pad_ids = jnp.arange(e_pad, dtype=jnp.int32)
    src = jnp.concatenate(
        [edge_index[0].astype(jnp.int32), pad_ids % N]
    )
    dst = jnp.concatenate(
        [edge_index[1].astype(jnp.int32), N + pad_ids % (npad - N)]
    )

    ones_c = jnp.ones((_CHUNK, 128), jnp.float32)
    zrows = jnp.zeros((npad // _NS, D), jnp.float32)

    deg_fn = _make_deg_kernel(k_chunks, N)
    agg_fn = _make_agg_kernel(k_chunks, N, D)

    degp = deg_fn(dst, ones_c, zrows)
    dinv, u0, t0 = _tc_a(degp, x, W0)
    s0 = agg_fn(t0, src, dst, zrows)
    h0, u1, t1 = _tc_b(s0, u0, dinv, b0, g0, be0, W1)
    s1 = agg_fn(t1, src, dst, zrows)
    h1, t, t2 = _tc_c(s1, u1, h0, dinv, b1, g1, be1, Wt, bt)
    s2 = agg_fn(t2, src, dst, zrows)
    q_z, q_m, q_s = _tc_d(s2, h1, dinv, Wm, bm, Wv, bv, eps)
    return (q_z, q_m, q_s, t)

# --- scband reference (transcript-rebuilt; emitter-appended) ---
"""Pipeline reference for scband-godevae-r-43336220016766 (READ-ONLY COPY).

The authoritative reference and input builder live on the scoring server;
editing this copy changes nothing except your own understanding.
"""

import jax, jax.numpy as jnp
import numpy as np

N = 10000
E = 320000
D_IN = 128
D_H = 128
D_Z = 32


def glorot(key, shape):
    lim = jnp.sqrt(6.0 / (shape[0] + shape[1]))
    return jax.random.uniform(key, shape, minval=-lim, maxval=lim, dtype=jnp.float32)


def setup_inputs(seed: int = 0):
    key = jax.random.key(seed)
    ks = jax.random.split(key, 10)
    x = jax.random.normal(ks[0], (N, D_IN), dtype=jnp.float32)
    edge_index = jax.random.randint(ks[1], (2, E), 0, N)
    W0 = glorot(ks[2], (D_IN, D_H)); b0 = jnp.zeros((D_H,), jnp.float32)
    g0 = jnp.ones((D_H,), jnp.float32); be0 = jnp.zeros((D_H,), jnp.float32)
    W1 = glorot(ks[3], (D_H, D_H)); b1 = jnp.zeros((D_H,), jnp.float32)
    g1 = jnp.ones((D_H,), jnp.float32); be1 = jnp.zeros((D_H,), jnp.float32)
    Wm = glorot(ks[4], (D_H, D_Z)); bm = jnp.zeros((D_Z,), jnp.float32)
    Wv = glorot(ks[5], (D_H, D_Z)); bv = jnp.zeros((D_Z,), jnp.float32)
    Wt = glorot(ks[6], (D_H, 1)); bt = jnp.zeros((1,), jnp.float32)
    eps = jax.random.normal(ks[7], (N, D_Z), dtype=jnp.float32)
    return {"x": x, "edge_index": edge_index, "W0": W0, "b0": b0, "g0": g0, "be0": be0,
            "W1": W1, "b1": b1, "g1": g1, "be1": be1, "Wm": Wm, "bm": bm,
            "Wv": Wv, "bv": bv, "Wt": Wt, "bt": bt, "eps": eps}


def _build_norm(edge_index):
    # GCN normalization with added self-loops: D^{-1/2} (A + I) D^{-1/2}
    loop = jnp.arange(N)
    src = jnp.concatenate([edge_index[0], loop])
    dst = jnp.concatenate([edge_index[1], loop])
    deg = jax.ops.segment_sum(jnp.ones_like(src, dtype=jnp.float32), dst, num_segments=N)
    dinv = jnp.where(deg > 0, 1.0 / jnp.sqrt(deg), 0.0)
    norm = dinv[src] * dinv[dst]
    return src, dst, norm


def _gcn(x, W, b, src, dst, norm):
    h = x @ W
    msg = h[src] * norm[:, None]
    out = jax.ops.segment_sum(msg, dst, num_segments=N)
    return out + b


def _bn(x, g, b):
    m = jnp.mean(x, axis=0)
    v = jnp.var(x, axis=0)
    return (x - m) / jnp.sqrt(v + 1e-5) * g + b


def reference(x, edge_index, W0, b0, g0, be0, W1, b1, g1, be1, Wm, bm, Wv, bv, Wt, bt, eps):
    src, dst, norm = _build_norm(edge_index)
    # layer 0: conv -> bn -> relu (dropout is identity in eval)
    h = jax.nn.relu(_bn(_gcn(x, W0, b0, src, dst, norm), g0, be0))
    residual = h
    # layer 1
    h = jax.nn.relu(_bn(_gcn(h, W1, b1, src, dst, norm), g1, be1))
    h = h + residual
    t = jax.nn.sigmoid(h @ Wt + bt)
    q_m = _gcn(h, Wm, bm, src, dst, norm)
    q_s = _gcn(h, Wv, bv, src, dst, norm)
    std = jax.nn.softplus(q_s) + 1e-6
    q_z = q_m + std * eps  # reparameterized sample (rsample)
    return (q_z, q_m, q_s, t)

if __name__ == "__main__":
    import jax
    _d = setup_inputs()
    print(jax.jit(kernel)(*tuple(_d.values())))

</pallas_src>

<mosaic_0001>
#map = affine_map<(d0, d1) -> (0)>
#map1 = affine_map<(d0, d1) -> (0, 0)>
#map2 = affine_map<(d0, d1) -> (0, 0, 0)>
module attributes {stable_mosaic.version = 14 : i64} {
  func.func @deg_kernel(%arg0: i32, %arg1: i32, %arg2: memref<331776xi32, #tpu.memory_space<hbm>>, %arg3: memref<128x128xf32, #tpu.memory_space<hbm>>, %arg4: memref<632x128xf32, #tpu.memory_space<hbm>>, %arg5: memref<2x10112x128xf32, #tpu.memory_space<hbm>>, %arg6: memref<128xi32, #tpu.memory_space<vmem>>, %arg7: memref<128xi32, #tpu.memory_space<vmem>>, %arg8: memref<128x128xf32, #tpu.memory_space<vmem>>, %arg9: memref<10112x128xf32, #tpu.memory_space<vmem_shared>>, %arg10: memref<!tpu.dma_semaphore, #tpu.memory_space<semaphore_mem>>, %arg11: memref<!tpu.dma_semaphore, #tpu.memory_space<semaphore_mem>>) attributes {dimension_semantics = [#tpu.dimension_semantics<core_parallel>, #tpu.dimension_semantics<subcore_parallel>], iteration_bounds = array<i64: 2, 16>, scalar_prefetch = 0 : i64, scratch_operands = 6 : i64, tpu.core_type = #tpu.core_type<sc_vector_subcore>, window_params = [{transform_indices = #map}, {transform_indices = #map1}, {transform_indices = #map1}, {transform_indices = #map2}]} {
    %mul3A = arith.constant 2 : i32
    %mul3A_0 = arith.muli %arg1, %mul3A : i32
    %add3A = arith.addi %mul3A_0, %arg0 : i32
    %mul3A_1 = arith.constant 10368 : i32
    %mul3A_2 = arith.muli %add3A, %mul3A_1 : i32
    "tpu.region"() ({
      %run_scoped3A = tpu.sem_alloc : memref<!tpu.dma_semaphore, #tpu.memory_space<semaphore_mem>>
      tpu.enqueue_dma source(%arg3 : memref<128x128xf32, #tpu.memory_space<hbm>>) target(%arg8 : memref<128x128xf32, #tpu.memory_space<vmem>>) target_semaphore(%run_scoped3A : memref<!tpu.dma_semaphore, #tpu.memory_space<semaphore_mem>>)
      tpu.wait_dma2 semaphore(%run_scoped3A : memref<!tpu.dma_semaphore, #tpu.memory_space<semaphore_mem>>) src(%arg3 : memref<128x128xf32, #tpu.memory_space<hbm>>) dst(%arg8 : memref<128x128xf32, #tpu.memory_space<vmem>>)
      tpu.yield
    }) : () -> ()
    %mul3A_3 = arith.constant 632 : i32
    %mul3A_4 = arith.muli %arg1, %mul3A_3 : i32
    "tpu.region"() ({
      %run_scoped3A = tpu.sem_alloc : memref<!tpu.dma_semaphore, #tpu.memory_space<semaphore_mem>>
      %dma_start3A_21 = arith.constant 0 : i32
      %dma_start3A_22 = tpu.memref_slice %arg9[%mul3A_4, %dma_start3A_21] : memref<10112x128xf32, #tpu.memory_space<vmem_shared>> -> memref<632x128xf32, #tpu.memory_space<vmem_shared>>
      tpu.enqueue_dma source(%arg4 : memref<632x128xf32, #tpu.memory_space<hbm>>) target(%dma_start3A_22 : memref<632x128xf32, #tpu.memory_space<vmem_shared>>) target_semaphore(%run_scoped3A : memref<!tpu.dma_semaphore, #tpu.memory_space<semaphore_mem>>)
      %dma_wait3A_23 = arith.constant 0 : i32
      %dma_wait3A_24 = tpu.memref_slice %arg9[%mul3A_4, %dma_wait3A_23] : memref<10112x128xf32, #tpu.memory_space<vmem_shared>> -> memref<632x128xf32, #tpu.memory_space<vmem_shared>>
      tpu.wait_dma2 semaphore(%run_scoped3A : memref<!tpu.dma_semaphore, #tpu.memory_space<semaphore_mem>>) src(%arg4 : memref<632x128xf32, #tpu.memory_space<hbm>>) dst(%dma_wait3A_24 : memref<632x128xf32, #tpu.memory_space<vmem_shared>>)
      tpu.yield
    }) : () -> ()
    %barrier3A = arith.constant 0 : index
    tpu.barrier barrier_id(%barrier3A)
    %add3A_5 = arith.constant 0 : i32
    %add3A_6 = arith.addi %mul3A_2, %add3A_5 : i32
    %multiple_of3A = tpu.assume_multiple %add3A_6, 8 : i32
    "tpu.region"() ({
      %run_scoped3A = tpu.sem_alloc : memref<!tpu.dma_semaphore, #tpu.memory_space<semaphore_mem>>
      %dma_start3A_21 = tpu.memref_slice %arg2[%multiple_of3A] : memref<331776xi32, #tpu.memory_space<hbm>> -> memref<128xi32, #tpu.memory_space<hbm>>
      %dma_start3A_22 = tpu.memref_slice %arg2[%multiple_of3A] : memref<331776xi32, #tpu.memory_space<hbm>> -> memref<128xi32, #tpu.memory_space<hbm>>
      tpu.enqueue_dma source(%dma_start3A_22 : memref<128xi32, #tpu.memory_space<hbm>>) target(%arg6 : memref<128xi32, #tpu.memory_space<vmem>>) target_semaphore(%run_scoped3A : memref<!tpu.dma_semaphore, #tpu.memory_space<semaphore_mem>>)
      %dma_wait3A_23 = tpu.memref_slice %arg2[%multiple_of3A] : memref<331776xi32, #tpu.memory_space<hbm>> -> memref<128xi32, #tpu.memory_space<hbm>>
      %dma_wait3A_24 = tpu.memref_slice %arg2[%multiple_of3A] : memref<331776xi32, #tpu.memory_space<hbm>> -> memref<128xi32, #tpu.memory_space<hbm>>
      tpu.wait_dma2 semaphore(%run_scoped3A : memref<!tpu.dma_semaphore, #tpu.memory_space<semaphore_mem>>) src(%dma_wait3A_24 : memref<128xi32, #tpu.memory_space<hbm>>) dst(%arg6 : memref<128xi32, #tpu.memory_space<vmem>>)
      tpu.yield
    }) : () -> ()
    %dma_start3A = arith.constant 0 : i32
    %dma_start3A_7 = arith.constant 0 : i32
    %dma_start3A_8 = tpu.memref_slice %arg9[%dma_start3A, %dma_start3A_7] : memref<10112x128xf32, #tpu.memory_space<vmem_shared>> -> memref<10112x128xf32, #tpu.memory_space<vmem_shared>>
    tpu.enqueue_indirect_dma source(%arg8 : memref<128x128xf32, #tpu.memory_space<vmem>>) target(%dma_start3A_8 : memref<10112x128xf32, #tpu.memory_space<vmem_shared>>) offsets(%arg6 : memref<128xi32, #tpu.memory_space<vmem>>) semaphore(%arg10 : memref<!tpu.dma_semaphore, #tpu.memory_space<semaphore_mem>>) {add = true}
    %scan3A = arith.constant 0 : i32
    %scan3A_9 = arith.constant 0 : i32
    %scan3A_10 = arith.constant 40 : i32
    %scan3A_11 = arith.addi %scan3A_9, %scan3A_10 : i32
    %scan3A_12 = arith.constant 1 : i32
    scf.for %scan3A_21 = %scan3A_9 to %scan3A_11 step %scan3A_12  : i32 {
      %mul3A_22 = arith.constant 2 : i32
      %mul3A_23 = arith.muli %mul3A_22, %scan3A_21 : i32
      %add3A_24 = arith.constant 1 : i32
      %add3A_25 = arith.addi %mul3A_23, %add3A_24 : i32
      %mul3A_26 = arith.constant 128 : i32
      %mul3A_27 = arith.muli %add3A_25, %mul3A_26 : i32
      %add3A_28 = arith.addi %mul3A_2, %mul3A_27 : i32
      %multiple_of3A_29 = tpu.assume_multiple %add3A_28, 8 : i32
      "tpu.region"() ({
        %run_scoped3A = tpu.sem_alloc : memref<!tpu.dma_semaphore, #tpu.memory_space<semaphore_mem>>
        %dma_start3A_48 = tpu.memref_slice %arg2[%multiple_of3A_29] : memref<331776xi32, #tpu.memory_space<hbm>> -> memref<128xi32, #tpu.memory_space<hbm>>
        %dma_start3A_49 = tpu.memref_slice %arg2[%multiple_of3A_29] : memref<331776xi32, #tpu.memory_space<hbm>> -> memref<128xi32, #tpu.memory_space<hbm>>
        tpu.enqueue_dma source(%dma_start3A_49 : memref<128xi32, #tpu.memory_space<hbm>>) target(%arg7 : memref<128xi32, #tpu.memory_space<vmem>>) target_semaphore(%run_scoped3A : memref<!tpu.dma_semaphore, #tpu.memory_space<semaphore_mem>>)
        %dma_wait3A_50 = tpu.memref_slice %arg2[%multiple_of3A_29] : memref<331776xi32, #tpu.memory_space<hbm>> -> memref<128xi32, #tpu.memory_space<hbm>>
        %dma_wait3A_51 = tpu.memref_slice %arg2[%multiple_of3A_29] : memref<331776xi32, #tpu.memory_space<hbm>> -> memref<128xi32, #tpu.memory_space<hbm>>
        tpu.wait_dma2 semaphore(%run_scoped3A : memref<!tpu.dma_semaphore, #tpu.memory_space<semaphore_mem>>) src(%dma_wait3A_51 : memref<128xi32, #tpu.memory_space<hbm>>) dst(%arg7 : memref<128xi32, #tpu.memory_space<vmem>>)
        tpu.yield
      }) : () -> ()
      %dma_start3A_30 = arith.constant 0 : i32
      %dma_start3A_31 = arith.constant 0 : i32
      %dma_start3A_32 = tpu.memref_slice %arg9[%dma_start3A_30, %dma_start3A_31] : memref<10112x128xf32, #tpu.memory_space<vmem_shared>> -> memref<10112x128xf32, #tpu.memory_space<vmem_shared>>
      tpu.enqueue_indirect_dma source(%arg8 : memref<128x128xf32, #tpu.memory_space<vmem>>) target(%dma_start3A_32 : memref<10112x128xf32, #tpu.memory_space<vmem_shared>>) offsets(%arg7 : memref<128xi32, #tpu.memory_space<vmem>>) semaphore(%arg11 : memref<!tpu.dma_semaphore, #tpu.memory_space<semaphore_mem>>) {add = true}
      %dma_wait3A_33 = arith.constant 0 : i32
      %dma_wait3A_34 = arith.constant 0 : i32
      %dma_wait3A_35 = tpu.memref_slice %arg9[%dma_wait3A_33, %dma_wait3A_34] : memref<10112x128xf32, #tpu.memory_space<vmem_shared>> -> memref<10112x128xf32, #tpu.memory_space<vmem_shared>>
      tpu.wait_indirect_dma semaphore(%arg10 : memref<!tpu.dma_semaphore, #tpu.memory_space<semaphore_mem>>) src(%arg8 : memref<128x128xf32, #tpu.memory_space<vmem>>) dst(%dma_wait3A_35 : memref<10112x128xf32, #tpu.memory_space<vmem_shared>>)
      %add3A_36 = arith.constant 1 : i32
      %add3A_37 = arith.addi %add3A_25, %add3A_36 : i32
      %mul3A_38 = arith.constant 128 : i32
      %mul3A_39 = arith.muli %add3A_37, %mul3A_38 : i32
      %add3A_40 = arith.addi %mul3A_2, %mul3A_39 : i32
      %multiple_of3A_41 = tpu.assume_multiple %add3A_40, 8 : i32
      "tpu.region"() ({
        %run_scoped3A = tpu.sem_alloc : memref<!tpu.dma_semaphore, #tpu.memory_space<semaphore_mem>>
        %dma_start3A_48 = tpu.memref_slice %arg2[%multiple_of3A_41] : memref<331776xi32, #tpu.memory_space<hbm>> -> memref<128xi32, #tpu.memory_space<hbm>>
        %dma_start3A_49 = tpu.memref_slice %arg2[%multiple_of3A_41] : memref<331776xi32, #tpu.memory_space<hbm>> -> memref<128xi32, #tpu.memory_space<hbm>>
        tpu.enqueue_dma source(%dma_start3A_49 : memref<128xi32, #tpu.memory_space<hbm>>) target(%arg6 : memref<128xi32, #tpu.memory_space<vmem>>) target_semaphore(%run_scoped3A : memref<!tpu.dma_semaphore, #tpu.memory_space<semaphore_mem>>)
        %dma_wait3A_50 = tpu.memref_slice %arg2[%multiple_of3A_41] : memref<331776xi32, #tpu.memory_space<hbm>> -> memref<128xi32, #tpu.memory_space<hbm>>
        %dma_wait3A_51 = tpu.memref_slice %arg2[%multiple_of3A_41] : memref<331776xi32, #tpu.memory_space<hbm>> -> memref<128xi32, #tpu.memory_space<hbm>>
        tpu.wait_dma2 semaphore(%run_scoped3A : memref<!tpu.dma_semaphore, #tpu.memory_space<semaphore_mem>>) src(%dma_wait3A_51 : memref<128xi32, #tpu.memory_space<hbm>>) dst(%arg6 : memref<128xi32, #tpu.memory_space<vmem>>)
        tpu.yield
      }) : () -> ()
      %dma_start3A_42 = arith.constant 0 : i32
      %dma_start3A_43 = arith.constant 0 : i32
      %dma_start3A_44 = tpu.memref_slice %arg9[%dma_start3A_42, %dma_start3A_43] : memref<10112x128xf32, #tpu.memory_space<vmem_shared>> -> memref<10112x128xf32, #tpu.memory_space<vmem_shared>>
      tpu.enqueue_indirect_dma source(%arg8 : memref<128x128xf32, #tpu.memory_space<vmem>>) target(%dma_start3A_44 : memref<10112x128xf32, #tpu.memory_space<vmem_shared>>) offsets(%arg6 : memref<128xi32, #tpu.memory_space<vmem>>) semaphore(%arg10 : memref<!tpu.dma_semaphore, #tpu.memory_space<semaphore_mem>>) {add = true}
      %dma_wait3A_45 = arith.constant 0 : i32
      %dma_wait3A_46 = arith.constant 0 : i32
      %dma_wait3A_47 = tpu.memref_slice %arg9[%dma_wait3A_45, %dma_wait3A_46] : memref<10112x128xf32, #tpu.memory_space<vmem_shared>> -> memref<10112x128xf32, #tpu.memory_space<vmem_shared>>
      tpu.wait_indirect_dma semaphore(%arg11 : memref<!tpu.dma_semaphore, #tpu.memory_space<semaphore_mem>>) src(%arg8 : memref<128x128xf32, #tpu.memory_space<vmem>>) dst(%dma_wait3A_47 : memref<10112x128xf32, #tpu.memory_space<vmem_shared>>)
    }
    %scan3A_13 = arith.constant 40 : i32
    %dma_wait3A = arith.constant 0 : i32
    %dma_wait3A_14 = arith.constant 0 : i32
    %dma_wait3A_15 = tpu.memref_slice %arg9[%dma_wait3A, %dma_wait3A_14] : memref<10112x128xf32, #tpu.memory_space<vmem_shared>> -> memref<10112x128xf32, #tpu.memory_space<vmem_shared>>
    tpu.wait_indirect_dma semaphore(%arg10 : memref<!tpu.dma_semaphore, #tpu.memory_space<semaphore_mem>>) src(%arg8 : memref<128x128xf32, #tpu.memory_space<vmem>>) dst(%dma_wait3A_15 : memref<10112x128xf32, #tpu.memory_space<vmem_shared>>)
    %barrier3A_16 = arith.constant 0 : index
    tpu.barrier barrier_id(%barrier3A_16)
    %mul3A_17 = arith.constant 632 : i32
    %mul3A_18 = arith.muli %arg1, %mul3A_17 : i32
    %mul3A_19 = arith.constant 632 : i32
    %mul3A_20 = arith.muli %arg1, %mul3A_19 : i32
    "tpu.region"() ({
      %run_scoped3A = tpu.sem_alloc : memref<!tpu.dma_semaphore, #tpu.memory_space<semaphore_mem>>
      %dma_start3A_21 = arith.constant 0 : i32
      %dma_start3A_22 = tpu.memref_slice %arg5[%arg0, %mul3A_20, %dma_start3A_21] : memref<2x10112x128xf32, #tpu.memory_space<hbm>> -> memref<1x632x128xf32, #tpu.memory_space<hbm>>
      %dma_start3A_23 = tpu.memref_squeeze %dma_start3A_22 : memref<1x632x128xf32, #tpu.memory_space<hbm>> -> memref<632x128xf32, #tpu.memory_space<hbm>>
      %dma_start3A_24 = arith.constant 0 : i32
      %dma_start3A_25 = tpu.memref_slice %arg9[%mul3A_18, %dma_start3A_24] : memref<10112x128xf32, #tpu.memory_space<vmem_shared>> -> memref<632x128xf32, #tpu.memory_space<vmem_shared>>
      tpu.enqueue_dma source(%dma_start3A_25 : memref<632x128xf32, #tpu.memory_space<vmem_shared>>) target(%dma_start3A_23 : memref<632x128xf32, #tpu.memory_space<hbm>>) target_semaphore(%run_scoped3A : memref<!tpu.dma_semaphore, #tpu.memory_space<semaphore_mem>>)
      %dma_wait3A_26 = arith.constant 0 : i32
      %dma_wait3A_27 = tpu.memref_slice %arg5[%arg0, %mul3A_20, %dma_wait3A_26] : memref<2x10112x128xf32, #tpu.memory_space<hbm>> -> memref<1x632x128xf32, #tpu.memory_space<hbm>>
      %dma_wait3A_28 = tpu.memref_squeeze %dma_wait3A_27 : memref<1x632x128xf32, #tpu.memory_space<hbm>> -> memref<632x128xf32, #tpu.memory_space<hbm>>
      %dma_wait3A_29 = arith.constant 0 : i32
      %dma_wait3A_30 = tpu.memref_slice %arg9[%mul3A_18, %dma_wait3A_29] : memref<10112x128xf32, #tpu.memory_space<vmem_shared>> -> memref<632x128xf32, #tpu.memory_space<vmem_shared>>
      tpu.wait_dma2 semaphore(%run_scoped3A : memref<!tpu.dma_semaphore, #tpu.memory_space<semaphore_mem>>) src(%dma_wait3A_30 : memref<632x128xf32, #tpu.memory_space<vmem_shared>>) dst(%dma_wait3A_28 : memref<632x128xf32, #tpu.memory_space<hbm>>)
      tpu.yield
    }) : () -> ()
    return
  }
}

#map = affine_map<(d0, d1) -> (0, 0)>
#map1 = affine_map<(d0, d1) -> (0)>
#map2 = affine_map<(d0, d1) -> (0, 0, 0)>
module attributes {stable_mosaic.version = 14 : i64} {
  func.func @agg_kernel(%arg0: i32, %arg1: i32, %arg2: memref<10000x128xf32, #tpu.memory_space<hbm>>, %arg3: memref<331776xi32, #tpu.memory_space<hbm>>, %arg4: memref<331776xi32, #tpu.memory_space<hbm>>, %arg5: memref<632x128xf32, #tpu.memory_space<hbm>>, %arg6: memref<2x10112x128xf32, #tpu.memory_space<hbm>>, %arg7: memref<128xi32, #tpu.memory_space<vmem>>, %arg8: memref<128xi32, #tpu.memory_space<vmem>>, %arg9: memref<128xi32, #tpu.memory_space<vmem>>, %arg10: memref<128xi32, #tpu.memory_space<vmem>>, %arg11: memref<128xi32, #tpu.memory_space<vmem>>, %arg12: memref<128xi32, #tpu.memory_space<vmem>>, %arg13: memref<128x128xf32, #tpu.memory_space<vmem>>, %arg14: memref<128x128xf32, #tpu.memory_space<vmem>>, %arg15: memref<128x128xf32, #tpu.memory_space<vmem>>, %arg16: memref<10112x128xf32, #tpu.memory_space<vmem_shared>>, %arg17: memref<!tpu.dma_semaphore, #tpu.memory_space<semaphore_mem>>, %arg18: memref<!tpu.dma_semaphore, #tpu.memory_space<semaphore_mem>>, %arg19: memref<!tpu.dma_semaphore, #tpu.memory_space<semaphore_mem>>, %arg20: memref<!tpu.dma_semaphore, #tpu.memory_space<semaphore_mem>>, %arg21: memref<!tpu.dma_semaphore, #tpu.memory_space<semaphore_mem>>, %arg22: memref<!tpu.dma_semaphore, #tpu.memory_space<semaphore_mem>>) attributes {dimension_semantics = [#tpu.dimension_semantics<core_parallel>, #tpu.dimension_semantics<subcore_parallel>], iteration_bounds = array<i64: 2, 16>, scalar_prefetch = 0 : i64, scratch_operands = 16 : i64, tpu.core_type = #tpu.core_type<sc_vector_subcore>, window_params = [{transform_indices = #map}, {transform_indices = #map1}, {transform_indices = #map1}, {transform_indices = #map}, {transform_indices = #map2}]} {
    %mul3A = arith.constant 2 : i32
    %mul3A_0 = arith.muli %arg1, %mul3A : i32
    %add3A = arith.addi %mul3A_0, %arg0 : i32
    %mul3A_1 = arith.constant 10368 : i32
    %mul3A_2 = arith.muli %add3A, %mul3A_1 : i32
    %mul3A_3 = arith.constant 632 : i32
    %mul3A_4 = arith.muli %arg1, %mul3A_3 : i32
    "tpu.region"() ({
      %run_scoped3A = tpu.sem_alloc : memref<!tpu.dma_semaphore, #tpu.memory_space<semaphore_mem>>
      %dma_start3A_39 = arith.constant 0 : i32
      %dma_start3A_40 = tpu.memref_slice %arg16[%mul3A_4, %dma_start3A_39] : memref<10112x128xf32, #tpu.memory_space<vmem_shared>> -> memref<632x128xf32, #tpu.memory_space<vmem_shared>>
      tpu.enqueue_dma source(%arg5 : memref<632x128xf32, #tpu.memory_space<hbm>>) target(%dma_start3A_40 : memref<632x128xf32, #tpu.memory_space<vmem_shared>>) target_semaphore(%run_scoped3A : memref<!tpu.dma_semaphore, #tpu.memory_space<semaphore_mem>>)
      %dma_wait3A_41 = arith.constant 0 : i32
      %dma_wait3A_42 = tpu.memref_slice %arg16[%mul3A_4, %dma_wait3A_41] : memref<10112x128xf32, #tpu.memory_space<vmem_shared>> -> memref<632x128xf32, #tpu.memory_space<vmem_shared>>
      tpu.wait_dma2 semaphore(%run_scoped3A : memref<!tpu.dma_semaphore, #tpu.memory_space<semaphore_mem>>) src(%arg5 : memref<632x128xf32, #tpu.memory_space<hbm>>) dst(%dma_wait3A_42 : memref<632x128xf32, #tpu.memory_space<vmem_shared>>)
      tpu.yield
    }) : () -> ()
    %barrier3A = arith.constant 0 : index
    tpu.barrier barrier_id(%barrier3A)
    %add3A_5 = arith.constant 0 : i32
    %add3A_6 = arith.addi %mul3A_2, %add3A_5 : i32
    %multiple_of3A = tpu.assume_multiple %add3A_6, 8 : i32
    "tpu.region"() ({
      %run_scoped3A = tpu.sem_alloc : memref<!tpu.dma_semaphore, #tpu.memory_space<semaphore_mem>>
      %dma_start3A_39 = tpu.memref_slice %arg3[%multiple_of3A] : memref<331776xi32, #tpu.memory_space<hbm>> -> memref<128xi32, #tpu.memory_space<hbm>>
      %dma_start3A_40 = tpu.memref_slice %arg3[%multiple_of3A] : memref<331776xi32, #tpu.memory_space<hbm>> -> memref<128xi32, #tpu.memory_space<hbm>>
      tpu.enqueue_dma source(%dma_start3A_40 : memref<128xi32, #tpu.memory_space<hbm>>) target(%arg7 : memref<128xi32, #tpu.memory_space<vmem>>) target_semaphore(%run_scoped3A : memref<!tpu.dma_semaphore, #tpu.memory_space<semaphore_mem>>)
      %dma_wait3A_41 = tpu.memref_slice %arg3[%multiple_of3A] : memref<331776xi32, #tpu.memory_space<hbm>> -> memref<128xi32, #tpu.memory_space<hbm>>
      %dma_wait3A_42 = tpu.memref_slice %arg3[%multiple_of3A] : memref<331776xi32, #tpu.memory_space<hbm>> -> memref<128xi32, #tpu.memory_space<hbm>>
      tpu.wait_dma2 semaphore(%run_scoped3A : memref<!tpu.dma_semaphore, #tpu.memory_space<semaphore_mem>>) src(%dma_wait3A_42 : memref<128xi32, #tpu.memory_space<hbm>>) dst(%arg7 : memref<128xi32, #tpu.memory_space<vmem>>)
      tpu.yield
    }) : () -> ()
    %add3A_7 = arith.constant 0 : i32
    %add3A_8 = arith.addi %mul3A_2, %add3A_7 : i32
    %multiple_of3A_9 = tpu.assume_multiple %add3A_8, 8 : i32
    "tpu.region"() ({
      %run_scoped3A = tpu.sem_alloc : memref<!tpu.dma_semaphore, #tpu.memory_space<semaphore_mem>>
      %dma_start3A_39 = tpu.memref_slice %arg4[%multiple_of3A_9] : memref<331776xi32, #tpu.memory_space<hbm>> -> memref<128xi32, #tpu.memory_space<hbm>>
      %dma_start3A_40 = tpu.memref_slice %arg4[%multiple_of3A_9] : memref<331776xi32, #tpu.memory_space<hbm>> -> memref<128xi32, #tpu.memory_space<hbm>>
      tpu.enqueue_dma source(%dma_start3A_40 : memref<128xi32, #tpu.memory_space<hbm>>) target(%arg10 : memref<128xi32, #tpu.memory_space<vmem>>) target_semaphore(%run_scoped3A : memref<!tpu.dma_semaphore, #tpu.memory_space<semaphore_mem>>)
      %dma_wait3A_41 = tpu.memref_slice %arg4[%multiple_of3A_9] : memref<331776xi32, #tpu.memory_space<hbm>> -> memref<128xi32, #tpu.memory_space<hbm>>
      %dma_wait3A_42 = tpu.memref_slice %arg4[%multiple_of3A_9] : memref<331776xi32, #tpu.memory_space<hbm>> -> memref<128xi32, #tpu.memory_space<hbm>>
      tpu.wait_dma2 semaphore(%run_scoped3A : memref<!tpu.dma_semaphore, #tpu.memory_space<semaphore_mem>>) src(%dma_wait3A_42 : memref<128xi32, #tpu.memory_space<hbm>>) dst(%arg10 : memref<128xi32, #tpu.memory_space<vmem>>)
      tpu.yield
    }) : () -> ()
    %dma_start3A = arith.constant 0 : i32
    %dma_start3A_10 = arith.constant 0 : i32
    %dma_start3A_11 = tpu.memref_slice %arg2[%dma_start3A, %dma_start3A_10] : memref<10000x128xf32, #tpu.memory_space<hbm>> -> memref<10000x128xf32, #tpu.memory_space<hbm>>
    tpu.enqueue_indirect_dma source(%dma_start3A_11 : memref<10000x128xf32, #tpu.memory_space<hbm>>) target(%arg13 : memref<128x128xf32, #tpu.memory_space<vmem>>) offsets(%arg7 : memref<128xi32, #tpu.memory_space<vmem>>) semaphore(%arg17 : memref<!tpu.dma_semaphore, #tpu.memory_space<semaphore_mem>>)
    %add3A_12 = arith.constant 128 : i32
    %add3A_13 = arith.addi %mul3A_2, %add3A_12 : i32
    %multiple_of3A_14 = tpu.assume_multiple %add3A_13, 8 : i32
    "tpu.region"() ({
      %run_scoped3A = tpu.sem_alloc : memref<!tpu.dma_semaphore, #tpu.memory_space<semaphore_mem>>
      %dma_start3A_39 = tpu.memref_slice %arg3[%multiple_of3A_14] : memref<331776xi32, #tpu.memory_space<hbm>> -> memref<128xi32, #tpu.memory_space<hbm>>
      %dma_start3A_40 = tpu.memref_slice %arg3[%multiple_of3A_14] : memref<331776xi32, #tpu.memory_space<hbm>> -> memref<128xi32, #tpu.memory_space<hbm>>
      tpu.enqueue_dma source(%dma_start3A_40 : memref<128xi32, #tpu.memory_space<hbm>>) target(%arg8 : memref<128xi32, #tpu.memory_space<vmem>>) target_semaphore(%run_scoped3A : memref<!tpu.dma_semaphore, #tpu.memory_space<semaphore_mem>>)
      %dma_wait3A_41 = tpu.memref_slice %arg3[%multiple_of3A_14] : memref<331776xi32, #tpu.memory_space<hbm>> -> memref<128xi32, #tpu.memory_space<hbm>>
      %dma_wait3A_42 = tpu.memref_slice %arg3[%multiple_of3A_14] : memref<331776xi32, #tpu.memory_space<hbm>> -> memref<128xi32, #tpu.memory_space<hbm>>
      tpu.wait_dma2 semaphore(%run_scoped3A : memref<!tpu.dma_semaphore, #tpu.memory_space<semaphore_mem>>) src(%dma_wait3A_42 : memref<128xi32, #tpu.memory_space<hbm>>) dst(%arg8 : memref<128xi32, #tpu.memory_space<vmem>>)
      tpu.yield
    }) : () -> ()
    %add3A_15 = arith.constant 128 : i32
    %add3A_16 = arith.addi %mul3A_2, %add3A_15 : i32
    %multiple_of3A_17 = tpu.assume_multiple %add3A_16, 8 : i32
    "tpu.region"() ({
      %run_scoped3A = tpu.sem_alloc : memref<!tpu.dma_semaphore, #tpu.memory_space<semaphore_mem>>
      %dma_start3A_39 = tpu.memref_slice %arg4[%multiple_of3A_17] : memref<331776xi32, #tpu.memory_space<hbm>> -> memref<128xi32, #tpu.memory_space<hbm>>
      %dma_start3A_40 = tpu.memref_slice %arg4[%multiple_of3A_17] : memref<331776xi32, #tpu.memory_space<hbm>> -> memref<128xi32, #tpu.memory_space<hbm>>
      tpu.enqueue_dma source(%dma_start3A_40 : memref<128xi32, #tpu.memory_space<hbm>>) target(%arg11 : memref<128xi32, #tpu.memory_space<vmem>>) target_semaphore(%run_scoped3A : memref<!tpu.dma_semaphore, #tpu.memory_space<semaphore_mem>>)
      %dma_wait3A_41 = tpu.memref_slice %arg4[%multiple_of3A_17] : memref<331776xi32, #tpu.memory_space<hbm>> -> memref<128xi32, #tpu.memory_space<hbm>>
      %dma_wait3A_42 = tpu.memref_slice %arg4[%multiple_of3A_17] : memref<331776xi32, #tpu.memory_space<hbm>> -> memref<128xi32, #tpu.memory_space<hbm>>
      tpu.wait_dma2 semaphore(%run_scoped3A : memref<!tpu.dma_semaphore, #tpu.memory_space<semaphore_mem>>) src(%dma_wait3A_42 : memref<128xi32, #tpu.memory_space<hbm>>) dst(%arg11 : memref<128xi32, #tpu.memory_space<vmem>>)
      tpu.yield
    }) : () -> ()
    %dma_start3A_18 = arith.constant 0 : i32
    %dma_start3A_19 = arith.constant 0 : i32
    %dma_start3A_20 = tpu.memref_slice %arg2[%dma_start3A_18, %dma_start3A_19] : memref<10000x128xf32, #tpu.memory_space<hbm>> -> memref<10000x128xf32, #tpu.memory_space<hbm>>
    tpu.enqueue_indirect_dma source(%dma_start3A_20 : memref<10000x128xf32, #tpu.memory_space<hbm>>) target(%arg14 : memref<128x128xf32, #tpu.memory_space<vmem>>) offsets(%arg8 : memref<128xi32, #tpu.memory_space<vmem>>) semaphore(%arg18 : memref<!tpu.dma_semaphore, #tpu.memory_space<semaphore_mem>>)
    %scan3A = arith.constant 0 : i32
    %scan3A_21 = arith.constant 0 : i32
    %scan3A_22 = arith.constant 27 : i32
    %scan3A_23 = arith.addi %scan3A_21, %scan3A_22 : i32
    %scan3A_24 = arith.constant 1 : i32
    scf.for %scan3A_39 = %scan3A_21 to %scan3A_23 step %scan3A_24  : i32 {
      %mul3A_40 = arith.constant 3 : i32
      %mul3A_41 = arith.muli %mul3A_40, %scan3A_39 : i32
      %dma_wait3A_42 = arith.constant 0 : i32
      %dma_wait3A_43 = arith.constant 0 : i32
      %dma_wait3A_44 = tpu.memref_slice %arg2[%dma_wait3A_42, %dma_wait3A_43] : memref<10000x128xf32, #tpu.memory_space<hbm>> -> memref<10000x128xf32, #tpu.memory_space<hbm>>
      tpu.wait_indirect_dma semaphore(%arg17 : memref<!tpu.dma_semaphore, #tpu.memory_space<semaphore_mem>>) src(%dma_wait3A_44 : memref<10000x128xf32, #tpu.memory_space<hbm>>) dst(%arg13 : memref<128x128xf32, #tpu.memory_space<vmem>>)
      %dma_start3A_45 = arith.constant 0 : i32
      %dma_start3A_46 = arith.constant 0 : i32
      %dma_start3A_47 = tpu.memref_slice %arg16[%dma_start3A_45, %dma_start3A_46] : memref<10112x128xf32, #tpu.memory_space<vmem_shared>> -> memref<10112x128xf32, #tpu.memory_space<vmem_shared>>
      tpu.enqueue_indirect_dma source(%arg13 : memref<128x128xf32, #tpu.memory_space<vmem>>) target(%dma_start3A_47 : memref<10112x128xf32, #tpu.memory_space<vmem_shared>>) offsets(%arg10 : memref<128xi32, #tpu.memory_space<vmem>>) semaphore(%arg20 : memref<!tpu.dma_semaphore, #tpu.memory_space<semaphore_mem>>) {add = true}
      %gt3A = arith.constant 0 : i32
      %gt3A_48 = arith.cmpi sgt, %scan3A_39, %gt3A : i32
      %convert_element_type3A = arith.extui %gt3A_48 : i1 to i32
      %cond3A = arith.constant 0 : i32
      %cond3A_49 = arith.cmpi ne, %convert_element_type3A, %cond3A : i32
      scf.if %cond3A_49 {
        %dma_wait3A_86 = arith.constant 0 : i32
        %dma_wait3A_87 = arith.constant 0 : i32
        %dma_wait3A_88 = tpu.memref_slice %arg16[%dma_wait3A_86, %dma_wait3A_87] : memref<10112x128xf32, #tpu.memory_space<vmem_shared>> -> memref<10112x128xf32, #tpu.memory_space<vmem_shared>>
        tpu.wait_indirect_dma semaphore(%arg22 : memref<!tpu.dma_semaphore, #tpu.memory_space<semaphore_mem>>) src(%arg15 : memref<128x128xf32, #tpu.memory_space<vmem>>) dst(%dma_wait3A_88 : memref<10112x128xf32, #tpu.memory_space<vmem_shared>>)
      } else {
      }
      %add3A_50 = arith.constant 2 : i32
      %add3A_51 = arith.addi %mul3A_41, %add3A_50 : i32
      %mul3A_52 = arith.constant 128 : i32
      %mul3A_53 = arith.muli %add3A_51, %mul3A_52 : i32
      %add3A_54 = arith.addi %mul3A_2, %mul3A_53 : i32
      %multiple_of3A_55 = tpu.assume_multiple %add3A_54, 8 : i32
      "tpu.region"() ({
        %run_scoped3A = tpu.sem_alloc : memref<!tpu.dma_semaphore, #tpu.memory_space<semaphore_mem>>
        %dma_start3A_86 = tpu.memref_slice %arg3[%multiple_of3A_55] : memref<331776xi32, #tpu.memory_space<hbm>> -> memref<128xi32, #tpu.memory_space<hbm>>
        %dma_start3A_87 = tpu.memref_slice %arg3[%multiple_of3A_55] : memref<331776xi32, #tpu.memory_space<hbm>> -> memref<128xi32, #tpu.memory_space<hbm>>
        tpu.enqueue_dma source(%dma_start3A_87 : memref<128xi32, #tpu.memory_space<hbm>>) target(%arg9 : memref<128xi32, #tpu.memory_space<vmem>>) target_semaphore(%run_scoped3A : memref<!tpu.dma_semaphore, #tpu.memory_space<semaphore_mem>>)
        %dma_wait3A_88 = tpu.memref_slice %arg3[%multiple_of3A_55] : memref<331776xi32, #tpu.memory_space<hbm>> -> memref<128xi32, #tpu.memory_space<hbm>>
        %dma_wait3A_89 = tpu.memref_slice %arg3[%multiple_of3A_55] : memref<331776xi32, #tpu.memory_space<hbm>> -> memref<128xi32, #tpu.memory_space<hbm>>
        tpu.wait_dma2 semaphore(%run_scoped3A : memref<!tpu.dma_semaphore, #tpu.memory_space<semaphore_mem>>) src(%dma_wait3A_89 : memref<128xi32, #tpu.memory_space<hbm>>) dst(%arg9 : memref<128xi32, #tpu.memory_space<vmem>>)
        tpu.yield
      }) : () -> ()
      %add3A_56 = arith.constant 2 : i32
      %add3A_57 = arith.addi %mul3A_41, %add3A_56 : i32
      %mul3A_58 = arith.constant 128 : i32
      %mul3A_59 = arith.muli %add3A_57, %mul3A_58 : i32
      %add3A_60 = arith.addi %mul3A_2, %mul3A_59 : i32
      %multiple_of3A_61 = tpu.assume_multiple %add3A_60, 8 : i32
      "tpu.region"() ({
        %run_scoped3A = tpu.sem_alloc : memref<!tpu.dma_semaphore, #tpu.memory_space<semaphore_mem>>
        %dma_start3A_86 = tpu.memref_slice %arg4[%multiple_of3A_61] : memref<331776xi32, #tpu.memory_space<hbm>> -> memref<128xi32, #tpu.memory_space<hbm>>
        %dma_start3A_87 = tpu.memref_slice %arg4[%multiple_of3A_61] : memref<331776xi32, #tpu.memory_space<hbm>> -> memref<128xi32, #tpu.memory_space<hbm>>
        tpu.enqueue_dma source(%dma_start3A_87 : memref<128xi32, #tpu.memory_space<hbm>>) target(%arg12 : memref<128xi32, #tpu.memory_space<vmem>>) target_semaphore(%run_scoped3A : memref<!tpu.dma_semaphore, #tpu.memory_space<semaphore_mem>>)
        %dma_wait3A_88 = tpu.memref_slice %arg4[%multiple_of3A_61] : memref<331776xi32, #tpu.memory_space<hbm>> -> memref<128xi32, #tpu.memory_space<hbm>>
        %dma_wait3A_89 = tpu.memref_slice %arg4[%multiple_of3A_61] : memref<331776xi32, #tpu.memory_space<hbm>> -> memref<128xi32, #tpu.memory_space<hbm>>
        tpu.wait_dma2 semaphore(%run_scoped3A : memref<!tpu.dma_semaphore, #tpu.memory_space<semaphore_mem>>) src(%dma_wait3A_89 : memref<128xi32, #tpu.memory_space<hbm>>) dst(%arg12 : memref<128xi32, #tpu.memory_space<vmem>>)
        tpu.yield
      }) : () -> ()
      %dma_start3A_62 = arith.constant 0 : i32
      %dma_start3A_63 = arith.constant 0 : i32
      %dma_start3A_64 = tpu.memref_slice %arg2[%dma_start3A_62, %dma_start3A_63] : memref<10000x128xf32, #tpu.memory_space<hbm>> -> memref<10000x128xf32, #tpu.memory_space<hbm>>
      tpu.enqueue_indirect_dma source(%dma_start3A_64 : memref<10000x128xf32, #tpu.memory_space<hbm>>) target(%arg15 : memref<128x128xf32, #tpu.memory_space<vmem>>) offsets(%arg9 : memref<128xi32, #tpu.memory_space<vmem>>) semaphore(%arg19 : memref<!tpu.dma_semaphore, #tpu.memory_space<semaphore_mem>>)
      %dma_wait3A_65 = arith.constant 0 : i32
      %dma_wait3A_66 = arith.constant 0 : i32
      %dma_wait3A_67 = tpu.memref_slice %arg2[%dma_wait3A_65, %dma_wait3A_66] : memref<10000x128xf32, #tpu.memory_space<hbm>> -> memref<10000x128xf32, #tpu.memory_space<hbm>>
      tpu.wait_indirect_dma semaphore(%arg18 : memref<!tpu.dma_semaphore, #tpu.memory_space<semaphore_mem>>) src(%dma_wait3A_67 : memref<10000x128xf32, #tpu.memory_space<hbm>>) dst(%arg14 : memref<128x128xf32, #tpu.memory_space<vmem>>)
      %dma_start3A_68 = arith.constant 0 : i32
      %dma_start3A_69 = arith.constant 0 : i32
      %dma_start3A_70 = tpu.memref_slice %arg16[%dma_start3A_68, %dma_start3A_69] : memref<10112x128xf32, #tpu.memory_space<vmem_shared>> -> memref<10112x128xf32, #tpu.memory_space<vmem_shared>>
      tpu.enqueue_indirect_dma source(%arg14 : memref<128x128xf32, #tpu.memory_space<vmem>>) target(%dma_start3A_70 : memref<10112x128xf32, #tpu.memory_space<vmem_shared>>) offsets(%arg11 : memref<128xi32, #tpu.memory_space<vmem>>) semaphore(%arg21 : memref<!tpu.dma_semaphore, #tpu.memory_space<semaphore_mem>>) {add = true}
      %lt3A = arith.constant 26 : i32
      %lt3A_71 = arith.cmpi slt, %scan3A_39, %lt3A : i32
      %convert_element_type3A_72 = arith.extui %lt3A_71 : i1 to i32
      %cond3A_73 = arith.constant 0 : i32
      %cond3A_74 = arith.cmpi ne, %convert_element_type3A_72, %cond3A_73 : i32
      scf.if %cond3A_74 {
        %dma_wait3A_86 = arith.constant 0 : i32
        %dma_wait3A_87 = arith.constant 0 : i32
        %dma_wait3A_88 = tpu.memref_slice %arg16[%dma_wait3A_86, %dma_wait3A_87] : memref<10112x128xf32, #tpu.memory_space<vmem_shared>> -> memref<10112x128xf32, #tpu.memory_space<vmem_shared>>
        tpu.wait_indirect_dma semaphore(%arg20 : memref<!tpu.dma_semaphore, #tpu.memory_space<semaphore_mem>>) src(%arg13 : memref<128x128xf32, #tpu.memory_space<vmem>>) dst(%dma_wait3A_88 : memref<10112x128xf32, #tpu.memory_space<vmem_shared>>)
        %add3A_89 = arith.constant 3 : i32
        %add3A_90 = arith.addi %mul3A_41, %add3A_89 : i32
        %mul3A_91 = arith.constant 128 : i32
        %mul3A_92 = arith.muli %add3A_90, %mul3A_91 : i32
        %add3A_93 = arith.addi %mul3A_2, %mul3A_92 : i32
        %multiple_of3A_94 = tpu.assume_multiple %add3A_93, 8 : i32
        "tpu.region"() ({
          %run_scoped3A = tpu.sem_alloc : memref<!tpu.dma_semaphore, #tpu.memory_space<semaphore_mem>>
          %dma_start3A_104 = tpu.memref_slice %arg3[%multiple_of3A_94] : memref<331776xi32, #tpu.memory_space<hbm>> -> memref<128xi32, #tpu.memory_space<hbm>>
          %dma_start3A_105 = tpu.memref_slice %arg3[%multiple_of3A_94] : memref<331776xi32, #tpu.memory_space<hbm>> -> memref<128xi32, #tpu.memory_space<hbm>>
          tpu.enqueue_dma source(%dma_start3A_105 : memref<128xi32, #tpu.memory_space<hbm>>) target(%arg7 : memref<128xi32, #tpu.memory_space<vmem>>) target_semaphore(%run_scoped3A : memref<!tpu.dma_semaphore, #tpu.memory_space<semaphore_mem>>)
          %dma_wait3A_106 = tpu.memref_slice %arg3[%multiple_of3A_94] : memref<331776xi32, #tpu.memory_space<hbm>> -> memref<128xi32, #tpu.memory_space<hbm>>
          %dma_wait3A_107 = tpu.memref_slice %arg3[%multiple_of3A_94] : memref<331776xi32, #tpu.memory_space<hbm>> -> memref<128xi32, #tpu.memory_space<hbm>>
          tpu.wait_dma2 semaphore(%run_scoped3A : memref<!tpu.dma_semaphore, #tpu.memory_space<semaphore_mem>>) src(%dma_wait3A_107 : memref<128xi32, #tpu.memory_space<hbm>>) dst(%arg7 : memref<128xi32, #tpu.memory_space<vmem>>)
          tpu.yield
        }) : () -> ()
        %add3A_95 = arith.constant 3 : i32
        %add3A_96 = arith.addi %mul3A_41, %add3A_95 : i32
        %mul3A_97 = arith.constant 128 : i32
        %mul3A_98 = arith.muli %add3A_96, %mul3A_97 : i32
        %add3A_99 = arith.addi %mul3A_2, %mul3A_98 : i32
        %multiple_of3A_100 = tpu.assume_multiple %add3A_99, 8 : i32
        "tpu.region"() ({
          %run_scoped3A = tpu.sem_alloc : memref<!tpu.dma_semaphore, #tpu.memory_space<semaphore_mem>>
          %dma_start3A_104 = tpu.memref_slice %arg4[%multiple_of3A_100] : memref<331776xi32, #tpu.memory_space<hbm>> -> memref<128xi32, #tpu.memory_space<hbm>>
          %dma_start3A_105 = tpu.memref_slice %arg4[%multiple_of3A_100] : memref<331776xi32, #tpu.memory_space<hbm>> -> memref<128xi32, #tpu.memory_space<hbm>>
          tpu.enqueue_dma source(%dma_start3A_105 : memref<128xi32, #tpu.memory_space<hbm>>) target(%arg10 : memref<128xi32, #tpu.memory_space<vmem>>) target_semaphore(%run_scoped3A : memref<!tpu.dma_semaphore, #tpu.memory_space<semaphore_mem>>)
          %dma_wait3A_106 = tpu.memref_slice %arg4[%multiple_of3A_100] : memref<331776xi32, #tpu.memory_space<hbm>> -> memref<128xi32, #tpu.memory_space<hbm>>
          %dma_wait3A_107 = tpu.memref_slice %arg4[%multiple_of3A_100] : memref<331776xi32, #tpu.memory_space<hbm>> -> memref<128xi32, #tpu.memory_space<hbm>>
          tpu.wait_dma2 semaphore(%run_scoped3A : memref<!tpu.dma_semaphore, #tpu.memory_space<semaphore_mem>>) src(%dma_wait3A_107 : memref<128xi32, #tpu.memory_space<hbm>>) dst(%arg10 : memref<128xi32, #tpu.memory_space<vmem>>)
          tpu.yield
        }) : () -> ()
        %dma_start3A_101 = arith.constant 0 : i32
        %dma_start3A_102 = arith.constant 0 : i32
        %dma_start3A_103 = tpu.memref_slice %arg2[%dma_start3A_101, %dma_start3A_102] : memref<10000x128xf32, #tpu.memory_space<hbm>> -> memref<10000x128xf32, #tpu.memory_space<hbm>>
        tpu.enqueue_indirect_dma source(%dma_start3A_103 : memref<10000x128xf32, #tpu.memory_space<hbm>>) target(%arg13 : memref<128x128xf32, #tpu.memory_space<vmem>>) offsets(%arg7 : memref<128xi32, #tpu.memory_space<vmem>>) semaphore(%arg17 : memref<!tpu.dma_semaphore, #tpu.memory_space<semaphore_mem>>)
      } else {
      }
      %dma_wait3A_75 = arith.constant 0 : i32
      %dma_wait3A_76 = arith.constant 0 : i32
      %dma_wait3A_77 = tpu.memref_slice %arg2[%dma_wait3A_75, %dma_wait3A_76] : memref<10000x128xf32, #tpu.memory_space<hbm>> -> memref<10000x128xf32, #tpu.memory_space<hbm>>
      tpu.wait_indirect_dma semaphore(%arg19 : memref<!tpu.dma_semaphore, #tpu.memory_space<semaphore_mem>>) src(%dma_wait3A_77 : memref<10000x128xf32, #tpu.memory_space<hbm>>) dst(%arg15 : memref<128x128xf32, #tpu.memory_space<vmem>>)
      %dma_start3A_78 = arith.constant 0 : i32
      %dma_start3A_79 = arith.constant 0 : i32
      %dma_start3A_80 = tpu.memref_slice %arg16[%dma_start3A_78, %dma_start3A_79] : memref<10112x128xf32, #tpu.memory_space<vmem_shared>> -> memref<10112x128xf32, #tpu.memory_space<vmem_shared>>
      tpu.enqueue_indirect_dma source(%arg15 : memref<128x128xf32, #tpu.memory_space<vmem>>) target(%dma_start3A_80 : memref<10112x128xf32, #tpu.memory_space<vmem_shared>>) offsets(%arg12 : memref<128xi32, #tpu.memory_space<vmem>>) semaphore(%arg22 : memref<!tpu.dma_semaphore, #tpu.memory_space<semaphore_mem>>) {add = true}
      %lt3A_81 = arith.constant 26 : i32
      %lt3A_82 = arith.cmpi slt, %scan3A_39, %lt3A_81 : i32
      %convert_element_type3A_83 = arith.extui %lt3A_82 : i1 to i32
      %cond3A_84 = arith.constant 0 : i32
      %cond3A_85 = arith.cmpi ne, %convert_element_type3A_83, %cond3A_84 : i32
      scf.if %cond3A_85 {
        %dma_wait3A_86 = arith.constant 0 : i32
        %dma_wait3A_87 = arith.constant 0 : i32
        %dma_wait3A_88 = tpu.memref_slice %arg16[%dma_wait3A_86, %dma_wait3A_87] : memref<10112x128xf32, #tpu.memory_space<vmem_shared>> -> memref<10112x128xf32, #tpu.memory_space<vmem_shared>>
        tpu.wait_indirect_dma semaphore(%arg21 : memref<!tpu.dma_semaphore, #tpu.memory_space<semaphore_mem>>) src(%arg14 : memref<128x128xf32, #tpu.memory_space<vmem>>) dst(%dma_wait3A_88 : memref<10112x128xf32, #tpu.memory_space<vmem_shared>>)
        %add3A_89 = arith.constant 4 : i32
        %add3A_90 = arith.addi %mul3A_41, %add3A_89 : i32
        %mul3A_91 = arith.constant 128 : i32
        %mul3A_92 = arith.muli %add3A_90, %mul3A_91 : i32
        %add3A_93 = arith.addi %mul3A_2, %mul3A_92 : i32
        %multiple_of3A_94 = tpu.assume_multiple %add3A_93, 8 : i32
        "tpu.region"() ({
          %run_scoped3A = tpu.sem_alloc : memref<!tpu.dma_semaphore, #tpu.memory_space<semaphore_mem>>
          %dma_start3A_104 = tpu.memref_slice %arg3[%multiple_of3A_94] : memref<331776xi32, #tpu.memory_space<hbm>> -> memref<128xi32, #tpu.memory_space<hbm>>
          %dma_start3A_105 = tpu.memref_slice %arg3[%multiple_of3A_94] : memref<331776xi32, #tpu.memory_space<hbm>> -> memref<128xi32, #tpu.memory_space<hbm>>
          tpu.enqueue_dma source(%dma_start3A_105 : memref<128xi32, #tpu.memory_space<hbm>>) target(%arg8 : memref<128xi32, #tpu.memory_space<vmem>>) target_semaphore(%run_scoped3A : memref<!tpu.dma_semaphore, #tpu.memory_space<semaphore_mem>>)
          %dma_wait3A_106 = tpu.memref_slice %arg3[%multiple_of3A_94] : memref<331776xi32, #tpu.memory_space<hbm>> -> memref<128xi32, #tpu.memory_space<hbm>>
          %dma_wait3A_107 = tpu.memref_slice %arg3[%multiple_of3A_94] : memref<331776xi32, #tpu.memory_space<hbm>> -> memref<128xi32, #tpu.memory_space<hbm>>
          tpu.wait_dma2 semaphore(%run_scoped3A : memref<!tpu.dma_semaphore, #tpu.memory_space<semaphore_mem>>) src(%dma_wait3A_107 : memref<128xi32, #tpu.memory_space<hbm>>) dst(%arg8 : memref<128xi32, #tpu.memory_space<vmem>>)
          tpu.yield
        }) : () -> ()
        %add3A_95 = arith.constant 4 : i32
        %add3A_96 = arith.addi %mul3A_41, %add3A_95 : i32
        %mul3A_97 = arith.constant 128 : i32
        %mul3A_98 = arith.muli %add3A_96, %mul3A_97 : i32
        %add3A_99 = arith.addi %mul3A_2, %mul3A_98 : i32
        %multiple_of3A_100 = tpu.assume_multiple %add3A_99, 8 : i32
        "tpu.region"() ({
          %run_scoped3A = tpu.sem_alloc : memref<!tpu.dma_semaphore, #tpu.memory_space<semaphore_mem>>
          %dma_start3A_104 = tpu.memref_slice %arg4[%multiple_of3A_100] : memref<331776xi32, #tpu.memory_space<hbm>> -> memref<128xi32, #tpu.memory_space<hbm>>
          %dma_start3A_105 = tpu.memref_slice %arg4[%multiple_of3A_100] : memref<331776xi32, #tpu.memory_space<hbm>> -> memref<128xi32, #tpu.memory_space<hbm>>
          tpu.enqueue_dma source(%dma_start3A_105 : memref<128xi32, #tpu.memory_space<hbm>>) target(%arg11 : memref<128xi32, #tpu.memory_space<vmem>>) target_semaphore(%run_scoped3A : memref<!tpu.dma_semaphore, #tpu.memory_space<semaphore_mem>>)
          %dma_wait3A_106 = tpu.memref_slice %arg4[%multiple_of3A_100] : memref<331776xi32, #tpu.memory_space<hbm>> -> memref<128xi32, #tpu.memory_space<hbm>>
          %dma_wait3A_107 = tpu.memref_slice %arg4[%multiple_of3A_100] : memref<331776xi32, #tpu.memory_space<hbm>> -> memref<128xi32, #tpu.memory_space<hbm>>
          tpu.wait_dma2 semaphore(%run_scoped3A : memref<!tpu.dma_semaphore, #tpu.memory_space<semaphore_mem>>) src(%dma_wait3A_107 : memref<128xi32, #tpu.memory_space<hbm>>) dst(%arg11 : memref<128xi32, #tpu.memory_space<vmem>>)
          tpu.yield
        }) : () -> ()
        %dma_start3A_101 = arith.constant 0 : i32
        %dma_start3A_102 = arith.constant 0 : i32
        %dma_start3A_103 = tpu.memref_slice %arg2[%dma_start3A_101, %dma_start3A_102] : memref<10000x128xf32, #tpu.memory_space<hbm>> -> memref<10000x128xf32, #tpu.memory_space<hbm>>
        tpu.enqueue_indirect_dma source(%dma_start3A_103 : memref<10000x128xf32, #tpu.memory_space<hbm>>) target(%arg14 : memref<128x128xf32, #tpu.memory_space<vmem>>) offsets(%arg8 : memref<128xi32, #tpu.memory_space<vmem>>) semaphore(%arg18 : memref<!tpu.dma_semaphore, #tpu.memory_space<semaphore_mem>>)
      } else {
      }
    }
    %scan3A_25 = arith.constant 27 : i32
    %dma_wait3A = arith.constant 0 : i32
    %dma_wait3A_26 = arith.constant 0 : i32
    %dma_wait3A_27 = tpu.memref_slice %arg16[%dma_wait3A, %dma_wait3A_26] : memref<10112x128xf32, #tpu.memory_space<vmem_shared>> -> memref<10112x128xf32, #tpu.memory_space<vmem_shared>>
    tpu.wait_indirect_dma semaphore(%arg20 : memref<!tpu.dma_semaphore, #tpu.memory_space<semaphore_mem>>) src(%arg13 : memref<128x128xf32, #tpu.memory_space<vmem>>) dst(%dma_wait3A_27 : memref<10112x128xf32, #tpu.memory_space<vmem_shared>>)
    %dma_wait3A_28 = arith.constant 0 : i32
    %dma_wait3A_29 = arith.constant 0 : i32
    %dma_wait3A_30 = tpu.memref_slice %arg16[%dma_wait3A_28, %dma_wait3A_29] : memref<10112x128xf32, #tpu.memory_space<vmem_shared>> -> memref<10112x128xf32, #tpu.memory_space<vmem_shared>>
    tpu.wait_indirect_dma semaphore(%arg21 : memref<!tpu.dma_semaphore, #tpu.memory_space<semaphore_mem>>) src(%arg14 : memref<128x128xf32, #tpu.memory_space<vmem>>) dst(%dma_wait3A_30 : memref<10112x128xf32, #tpu.memory_space<vmem_shared>>)
    %dma_wait3A_31 = arith.constant 0 : i32
    %dma_wait3A_32 = arith.constant 0 : i32
    %dma_wait3A_33 = tpu.memref_slice %arg16[%dma_wait3A_31, %dma_wait3A_32] : memref<10112x128xf32, #tpu.memory_space<vmem_shared>> -> memref<10112x128xf32, #tpu.memory_space<vmem_shared>>
    tpu.wait_indirect_dma semaphore(%arg22 : memref<!tpu.dma_semaphore, #tpu.memory_space<semaphore_mem>>) src(%arg15 : memref<128x128xf32, #tpu.memory_space<vmem>>) dst(%dma_wait3A_33 : memref<10112x128xf32, #tpu.memory_space<vmem_shared>>)
    %barrier3A_34 = arith.constant 0 : index
    tpu.barrier barrier_id(%barrier3A_34)
    %mul3A_35 = arith.constant 632 : i32
    %mul3A_36 = arith.muli %arg1, %mul3A_35 : i32
    %mul3A_37 = arith.constant 632 : i32
    %mul3A_38 = arith.muli %arg1, %mul3A_37 : i32
    "tpu.region"() ({
      %run_scoped3A = tpu.sem_alloc : memref<!tpu.dma_semaphore, #tpu.memory_space<semaphore_mem>>
      %dma_start3A_39 = arith.constant 0 : i32
      %dma_start3A_40 = tpu.memref_slice %arg6[%arg0, %mul3A_38, %dma_start3A_39] : memref<2x10112x128xf32, #tpu.memory_space<hbm>> -> memref<1x632x128xf32, #tpu.memory_space<hbm>>
      %dma_start3A_41 = tpu.memref_squeeze %dma_start3A_40 : memref<1x632x128xf32, #tpu.memory_space<hbm>> -> memref<632x128xf32, #tpu.memory_space<hbm>>
      %dma_start3A_42 = arith.constant 0 : i32
      %dma_start3A_43 = tpu.memref_slice %arg16[%mul3A_36, %dma_start3A_42] : memref<10112x128xf32, #tpu.memory_space<vmem_shared>> -> memref<632x128xf32, #tpu.memory_space<vmem_shared>>
      tpu.enqueue_dma source(%dma_start3A_43 : memref<632x128xf32, #tpu.memory_space<vmem_shared>>) target(%dma_start3A_41 : memref<632x128xf32, #tpu.memory_space<hbm>>) target_semaphore(%run_scoped3A : memref<!tpu.dma_semaphore, #tpu.memory_space<semaphore_mem>>)
      %dma_wait3A_44 = arith.constant 0 : i32
      %dma_wait3A_45 = tpu.memref_slice %arg6[%arg0, %mul3A_38, %dma_wait3A_44] : memref<2x10112x128xf32, #tpu.memory_space<hbm>> -> memref<1x632x128xf32, #tpu.memory_space<hbm>>
      %dma_wait3A_46 = tpu.memref_squeeze %dma_wait3A_45 : memref<1x632x128xf32, #tpu.memory_space<hbm>> -> memref<632x128xf32, #tpu.memory_space<hbm>>
      %dma_wait3A_47 = arith.constant 0 : i32
      %dma_wait3A_48 = tpu.memref_slice %arg16[%mul3A_36, %dma_wait3A_47] : memref<10112x128xf32, #tpu.memory_space<vmem_shared>> -> memref<632x128xf32, #tpu.memory_space<vmem_shared>>
      tpu.wait_dma2 semaphore(%run_scoped3A : memref<!tpu.dma_semaphore, #tpu.memory_space<semaphore_mem>>) src(%dma_wait3A_48 : memref<632x128xf32, #tpu.memory_space<vmem_shared>>) dst(%dma_wait3A_46 : memref<632x128xf32, #tpu.memory_space<hbm>>)
      tpu.yield
    }) : () -> ()
    return
  }
}

#map = affine_map<(d0, d1) -> (0, 0)>
#map1 = affine_map<(d0, d1) -> (0)>
#map2 = affine_map<(d0, d1) -> (0, 0, 0)>
module attributes {stable_mosaic.version = 14 : i64} {
  func.func @agg_kernel(%arg0: i32, %arg1: i32, %arg2: memref<10000x128xf32, #tpu.memory_space<hbm>>, %arg3: memref<331776xi32, #tpu.memory_space<hbm>>, %arg4: memref<331776xi32, #tpu.memory_space<hbm>>, %arg5: memref<632x128xf32, #tpu.memory_space<hbm>>, %arg6: memref<2x10112x128xf32, #tpu.memory_space<hbm>>, %arg7: memref<128xi32, #tpu.memory_space<vmem>>, %arg8: memref<128xi32, #tpu.memory_space<vmem>>, %arg9: memref<128xi32, #tpu.memory_space<vmem>>, %arg10: memref<128xi32, #tpu.memory_space<vmem>>, %arg11: memref<128xi32, #tpu.memory_space<vmem>>, %arg12: memref<128xi32, #tpu.memory_space<vmem>>, %arg13: memref<128x128xf32, #tpu.memory_space<vmem>>, %arg14: memref<128x128xf32, #tpu.memory_space<vmem>>, %arg15: memref<128x128xf32, #tpu.memory_space<vmem>>, %arg16: memref<10112x128xf32, #tpu.memory_space<vmem_shared>>, %arg17: memref<!tpu.dma_semaphore, #tpu.memory_space<semaphore_mem>>, %arg18: memref<!tpu.dma_semaphore, #tpu.memory_space<semaphore_mem>>, %arg19: memref<!tpu.dma_semaphore, #tpu.memory_space<semaphore_mem>>, %arg20: memref<!tpu.dma_semaphore, #tpu.memory_space<semaphore_mem>>, %arg21: memref<!tpu.dma_semaphore, #tpu.memory_space<semaphore_mem>>, %arg22: memref<!tpu.dma_semaphore, #tpu.memory_space<semaphore_mem>>) attributes {dimension_semantics = [#tpu.dimension_semantics<core_parallel>, #tpu.dimension_semantics<subcore_parallel>], iteration_bounds = array<i64: 2, 16>, scalar_prefetch = 0 : i64, scratch_operands = 16 : i64, tpu.core_type = #tpu.core_type<sc_vector_subcore>, window_params = [{transform_indices = #map}, {transform_indices = #map1}, {transform_indices = #map1}, {transform_indices = #map}, {transform_indices = #map2}]} {
    %mul3A = arith.constant 2 : i32
    %mul3A_0 = arith.muli %arg1, %mul3A : i32
    %add3A = arith.addi %mul3A_0, %arg0 : i32
    %mul3A_1 = arith.constant 10368 : i32
    %mul3A_2 = arith.muli %add3A, %mul3A_1 : i32
    %mul3A_3 = arith.constant 632 : i32
    %mul3A_4 = arith.muli %arg1, %mul3A_3 : i32
    "tpu.region"() ({
      %run_scoped3A = tpu.sem_alloc : memref<!tpu.dma_semaphore, #tpu.memory_space<semaphore_mem>>
      %dma_start3A_39 = arith.constant 0 : i32
      %dma_start3A_40 = tpu.memref_slice %arg16[%mul3A_4, %dma_start3A_39] : memref<10112x128xf32, #tpu.memory_space<vmem_shared>> -> memref<632x128xf32, #tpu.memory_space<vmem_shared>>
      tpu.enqueue_dma source(%arg5 : memref<632x128xf32, #tpu.memory_space<hbm>>) target(%dma_start3A_40 : memref<632x128xf32, #tpu.memory_space<vmem_shared>>) target_semaphore(%run_scoped3A : memref<!tpu.dma_semaphore, #tpu.memory_space<semaphore_mem>>)
      %dma_wait3A_41 = arith.constant 0 : i32
      %dma_wait3A_42 = tpu.memref_slice %arg16[%mul3A_4, %dma_wait3A_41] : memref<10112x128xf32, #tpu.memory_space<vmem_shared>> -> memref<632x128xf32, #tpu.memory_space<vmem_shared>>
      tpu.wait_dma2 semaphore(%run_scoped3A : memref<!tpu.dma_semaphore, #tpu.memory_space<semaphore_mem>>) src(%arg5 : memref<632x128xf32, #tpu.memory_space<hbm>>) dst(%dma_wait3A_42 : memref<632x128xf32, #tpu.memory_space<vmem_shared>>)
      tpu.yield
    }) : () -> ()
    %barrier3A = arith.constant 0 : index
    tpu.barrier barrier_id(%barrier3A)
    %add3A_5 = arith.constant 0 : i32
    %add3A_6 = arith.addi %mul3A_2, %add3A_5 : i32
    %multiple_of3A = tpu.assume_multiple %add3A_6, 8 : i32
    "tpu.region"() ({
      %run_scoped3A = tpu.sem_alloc : memref<!tpu.dma_semaphore, #tpu.memory_space<semaphore_mem>>
      %dma_start3A_39 = tpu.memref_slice %arg3[%multiple_of3A] : memref<331776xi32, #tpu.memory_space<hbm>> -> memref<128xi32, #tpu.memory_space<hbm>>
      %dma_start3A_40 = tpu.memref_slice %arg3[%multiple_of3A] : memref<331776xi32, #tpu.memory_space<hbm>> -> memref<128xi32, #tpu.memory_space<hbm>>
      tpu.enqueue_dma source(%dma_start3A_40 : memref<128xi32, #tpu.memory_space<hbm>>) target(%arg7 : memref<128xi32, #tpu.memory_space<vmem>>) target_semaphore(%run_scoped3A : memref<!tpu.dma_semaphore, #tpu.memory_space<semaphore_mem>>)
      %dma_wait3A_41 = tpu.memref_slice %arg3[%multiple_of3A] : memref<331776xi32, #tpu.memory_space<hbm>> -> memref<128xi32, #tpu.memory_space<hbm>>
      %dma_wait3A_42 = tpu.memref_slice %arg3[%multiple_of3A] : memref<331776xi32, #tpu.memory_space<hbm>> -> memref<128xi32, #tpu.memory_space<hbm>>
      tpu.wait_dma2 semaphore(%run_scoped3A : memref<!tpu.dma_semaphore, #tpu.memory_space<semaphore_mem>>) src(%dma_wait3A_42 : memref<128xi32, #tpu.memory_space<hbm>>) dst(%arg7 : memref<128xi32, #tpu.memory_space<vmem>>)
      tpu.yield
    }) : () -> ()
    %add3A_7 = arith.constant 0 : i32
    %add3A_8 = arith.addi %mul3A_2, %add3A_7 : i32
    %multiple_of3A_9 = tpu.assume_multiple %add3A_8, 8 : i32
    "tpu.region"() ({
      %run_scoped3A = tpu.sem_alloc : memref<!tpu.dma_semaphore, #tpu.memory_space<semaphore_mem>>
      %dma_start3A_39 = tpu.memref_slice %arg4[%multiple_of3A_9] : memref<331776xi32, #tpu.memory_space<hbm>> -> memref<128xi32, #tpu.memory_space<hbm>>
      %dma_start3A_40 = tpu.memref_slice %arg4[%multiple_of3A_9] : memref<331776xi32, #tpu.memory_space<hbm>> -> memref<128xi32, #tpu.memory_space<hbm>>
      tpu.enqueue_dma source(%dma_start3A_40 : memref<128xi32, #tpu.memory_space<hbm>>) target(%arg10 : memref<128xi32, #tpu.memory_space<vmem>>) target_semaphore(%run_scoped3A : memref<!tpu.dma_semaphore, #tpu.memory_space<semaphore_mem>>)
      %dma_wait3A_41 = tpu.memref_slice %arg4[%multiple_of3A_9] : memref<331776xi32, #tpu.memory_space<hbm>> -> memref<128xi32, #tpu.memory_space<hbm>>
      %dma_wait3A_42 = tpu.memref_slice %arg4[%multiple_of3A_9] : memref<331776xi32, #tpu.memory_space<hbm>> -> memref<128xi32, #tpu.memory_space<hbm>>
      tpu.wait_dma2 semaphore(%run_scoped3A : memref<!tpu.dma_semaphore, #tpu.memory_space<semaphore_mem>>) src(%dma_wait3A_42 : memref<128xi32, #tpu.memory_space<hbm>>) dst(%arg10 : memref<128xi32, #tpu.memory_space<vmem>>)
      tpu.yield
    }) : () -> ()
    %dma_start3A = arith.constant 0 : i32
    %dma_start3A_10 = arith.constant 0 : i32
    %dma_start3A_11 = tpu.memref_slice %arg2[%dma_start3A, %dma_start3A_10] : memref<10000x128xf32, #tpu.memory_space<hbm>> -> memref<10000x128xf32, #tpu.memory_space<hbm>>
    tpu.enqueue_indirect_dma source(%dma_start3A_11 : memref<10000x128xf32, #tpu.memory_space<hbm>>) target(%arg13 : memref<128x128xf32, #tpu.memory_space<vmem>>) offsets(%arg7 : memref<128xi32, #tpu.memory_space<vmem>>) semaphore(%arg17 : memref<!tpu.dma_semaphore, #tpu.memory_space<semaphore_mem>>)
    %add3A_12 = arith.constant 128 : i32
    %add3A_13 = arith.addi %mul3A_2, %add3A_12 : i32
    %multiple_of3A_14 = tpu.assume_multiple %add3A_13, 8 : i32
    "tpu.region"() ({
      %run_scoped3A = tpu.sem_alloc : memref<!tpu.dma_semaphore, #tpu.memory_space<semaphore_mem>>
      %dma_start3A_39 = tpu.memref_slice %arg3[%multiple_of3A_14] : memref<331776xi32, #tpu.memory_space<hbm>> -> memref<128xi32, #tpu.memory_space<hbm>>
      %dma_start3A_40 = tpu.memref_slice %arg3[%multiple_of3A_14] : memref<331776xi32, #tpu.memory_space<hbm>> -> memref<128xi32, #tpu.memory_space<hbm>>
      tpu.enqueue_dma source(%dma_start3A_40 : memref<128xi32, #tpu.memory_space<hbm>>) target(%arg8 : memref<128xi32, #tpu.memory_space<vmem>>) target_semaphore(%run_scoped3A : memref<!tpu.dma_semaphore, #tpu.memory_space<semaphore_mem>>)
      %dma_wait3A_41 = tpu.memref_slice %arg3[%multiple_of3A_14] : memref<331776xi32, #tpu.memory_space<hbm>> -> memref<128xi32, #tpu.memory_space<hbm>>
      %dma_wait3A_42 = tpu.memref_slice %arg3[%multiple_of3A_14] : memref<331776xi32, #tpu.memory_space<hbm>> -> memref<128xi32, #tpu.memory_space<hbm>>
      tpu.wait_dma2 semaphore(%run_scoped3A : memref<!tpu.dma_semaphore, #tpu.memory_space<semaphore_mem>>) src(%dma_wait3A_42 : memref<128xi32, #tpu.memory_space<hbm>>) dst(%arg8 : memref<128xi32, #tpu.memory_space<vmem>>)
      tpu.yield
    }) : () -> ()
    %add3A_15 = arith.constant 128 : i32
    %add3A_16 = arith.addi %mul3A_2, %add3A_15 : i32
    %multiple_of3A_17 = tpu.assume_multiple %add3A_16, 8 : i32
    "tpu.region"() ({
      %run_scoped3A = tpu.sem_alloc : memref<!tpu.dma_semaphore, #tpu.memory_space<semaphore_mem>>
      %dma_start3A_39 = tpu.memref_slice %arg4[%multiple_of3A_17] : memref<331776xi32, #tpu.memory_space<hbm>> -> memref<128xi32, #tpu.memory_space<hbm>>
      %dma_start3A_40 = tpu.memref_slice %arg4[%multiple_of3A_17] : memref<331776xi32, #tpu.memory_space<hbm>> -> memref<128xi32, #tpu.memory_space<hbm>>
      tpu.enqueue_dma source(%dma_start3A_40 : memref<128xi32, #tpu.memory_space<hbm>>) target(%arg11 : memref<128xi32, #tpu.memory_space<vmem>>) target_semaphore(%run_scoped3A : memref<!tpu.dma_semaphore, #tpu.memory_space<semaphore_mem>>)
      %dma_wait3A_41 = tpu.memref_slice %arg4[%multiple_of3A_17] : memref<331776xi32, #tpu.memory_space<hbm>> -> memref<128xi32, #tpu.memory_space<hbm>>
      %dma_wait3A_42 = tpu.memref_slice %arg4[%multiple_of3A_17] : memref<331776xi32, #tpu.memory_space<hbm>> -> memref<128xi32, #tpu.memory_space<hbm>>
      tpu.wait_dma2 semaphore(%run_scoped3A : memref<!tpu.dma_semaphore, #tpu.memory_space<semaphore_mem>>) src(%dma_wait3A_42 : memref<128xi32, #tpu.memory_space<hbm>>) dst(%arg11 : memref<128xi32, #tpu.memory_space<vmem>>)
      tpu.yield
    }) : () -> ()
    %dma_start3A_18 = arith.constant 0 : i32
    %dma_start3A_19 = arith.constant 0 : i32
    %dma_start3A_20 = tpu.memref_slice %arg2[%dma_start3A_18, %dma_start3A_19] : memref<10000x128xf32, #tpu.memory_space<hbm>> -> memref<10000x128xf32, #tpu.memory_space<hbm>>
    tpu.enqueue_indirect_dma source(%dma_start3A_20 : memref<10000x128xf32, #tpu.memory_space<hbm>>) target(%arg14 : memref<128x128xf32, #tpu.memory_space<vmem>>) offsets(%arg8 : memref<128xi32, #tpu.memory_space<vmem>>) semaphore(%arg18 : memref<!tpu.dma_semaphore, #tpu.memory_space<semaphore_mem>>)
    %scan3A = arith.constant 0 : i32
    %scan3A_21 = arith.constant 0 : i32
    %scan3A_22 = arith.constant 27 : i32
    %scan3A_23 = arith.addi %scan3A_21, %scan3A_22 : i32
    %scan3A_24 = arith.constant 1 : i32
    scf.for %scan3A_39 = %scan3A_21 to %scan3A_23 step %scan3A_24  : i32 {
      %mul3A_40 = arith.constant 3 : i32
      %mul3A_41 = arith.muli %mul3A_40, %scan3A_39 : i32
      %dma_wait3A_42 = arith.constant 0 : i32
      %dma_wait3A_43 = arith.constant 0 : i32
      %dma_wait3A_44 = tpu.memref_slice %arg2[%dma_wait3A_42, %dma_wait3A_43] : memref<10000x128xf32, #tpu.memory_space<hbm>> -> memref<10000x128xf32, #tpu.memory_space<hbm>>
      tpu.wait_indirect_dma semaphore(%arg17 : memref<!tpu.dma_semaphore, #tpu.memory_space<semaphore_mem>>) src(%dma_wait3A_44 : memref<10000x128xf32, #tpu.memory_space<hbm>>) dst(%arg13 : memref<128x128xf32, #tpu.memory_space<vmem>>)
      %dma_start3A_45 = arith.constant 0 : i32
      %dma_start3A_46 = arith.constant 0 : i32
      %dma_start3A_47 = tpu.memref_slice %arg16[%dma_start3A_45, %dma_start3A_46] : memref<10112x128xf32, #tpu.memory_space<vmem_shared>> -> memref<10112x128xf32, #tpu.memory_space<vmem_shared>>
      tpu.enqueue_indirect_dma source(%arg13 : memref<128x128xf32, #tpu.memory_space<vmem>>) target(%dma_start3A_47 : memref<10112x128xf32, #tpu.memory_space<vmem_shared>>) offsets(%arg10 : memref<128xi32, #tpu.memory_space<vmem>>) semaphore(%arg20 : memref<!tpu.dma_semaphore, #tpu.memory_space<semaphore_mem>>) {add = true}
      %gt3A = arith.constant 0 : i32
      %gt3A_48 = arith.cmpi sgt, %scan3A_39, %gt3A : i32
      %convert_element_type3A = arith.extui %gt3A_48 : i1 to i32
      %cond3A = arith.constant 0 : i32
      %cond3A_49 = arith.cmpi ne, %convert_element_type3A, %cond3A : i32
      scf.if %cond3A_49 {
        %dma_wait3A_86 = arith.constant 0 : i32
        %dma_wait3A_87 = arith.constant 0 : i32
        %dma_wait3A_88 = tpu.memref_slice %arg16[%dma_wait3A_86, %dma_wait3A_87] : memref<10112x128xf32, #tpu.memory_space<vmem_shared>> -> memref<10112x128xf32, #tpu.memory_space<vmem_shared>>
        tpu.wait_indirect_dma semaphore(%arg22 : memref<!tpu.dma_semaphore, #tpu.memory_space<semaphore_mem>>) src(%arg15 : memref<128x128xf32, #tpu.memory_space<vmem>>) dst(%dma_wait3A_88 : memref<10112x128xf32, #tpu.memory_space<vmem_shared>>)
      } else {
      }
      %add3A_50 = arith.constant 2 : i32
      %add3A_51 = arith.addi %mul3A_41, %add3A_50 : i32
      %mul3A_52 = arith.constant 128 : i32
      %mul3A_53 = arith.muli %add3A_51, %mul3A_52 : i32
      %add3A_54 = arith.addi %mul3A_2, %mul3A_53 : i32
      %multiple_of3A_55 = tpu.assume_multiple %add3A_54, 8 : i32
      "tpu.region"() ({
        %run_scoped3A = tpu.sem_alloc : memref<!tpu.dma_semaphore, #tpu.memory_space<semaphore_mem>>
        %dma_start3A_86 = tpu.memref_slice %arg3[%multiple_of3A_55] : memref<331776xi32, #tpu.memory_space<hbm>> -> memref<128xi32, #tpu.memory_space<hbm>>
        %dma_start3A_87 = tpu.memref_slice %arg3[%multiple_of3A_55] : memref<331776xi32, #tpu.memory_space<hbm>> -> memref<128xi32, #tpu.memory_space<hbm>>
        tpu.enqueue_dma source(%dma_start3A_87 : memref<128xi32, #tpu.memory_space<hbm>>) target(%arg9 : memref<128xi32, #tpu.memory_space<vmem>>) target_semaphore(%run_scoped3A : memref<!tpu.dma_semaphore, #tpu.memory_space<semaphore_mem>>)
        %dma_wait3A_88 = tpu.memref_slice %arg3[%multiple_of3A_55] : memref<331776xi32, #tpu.memory_space<hbm>> -> memref<128xi32, #tpu.memory_space<hbm>>
        %dma_wait3A_89 = tpu.memref_slice %arg3[%multiple_of3A_55] : memref<331776xi32, #tpu.memory_space<hbm>> -> memref<128xi32, #tpu.memory_space<hbm>>
        tpu.wait_dma2 semaphore(%run_scoped3A : memref<!tpu.dma_semaphore, #tpu.memory_space<semaphore_mem>>) src(%dma_wait3A_89 : memref<128xi32, #tpu.memory_space<hbm>>) dst(%arg9 : memref<128xi32, #tpu.memory_space<vmem>>)
        tpu.yield
      }) : () -> ()
      %add3A_56 = arith.constant 2 : i32
      %add3A_57 = arith.addi %mul3A_41, %add3A_56 : i32
      %mul3A_58 = arith.constant 128 : i32
      %mul3A_59 = arith.muli %add3A_57, %mul3A_58 : i32
      %add3A_60 = arith.addi %mul3A_2, %mul3A_59 : i32
      %multiple_of3A_61 = tpu.assume_multiple %add3A_60, 8 : i32
      "tpu.region"() ({
        %run_scoped3A = tpu.sem_alloc : memref<!tpu.dma_semaphore, #tpu.memory_space<semaphore_mem>>
        %dma_start3A_86 = tpu.memref_slice %arg4[%multiple_of3A_61] : memref<331776xi32, #tpu.memory_space<hbm>> -> memref<128xi32, #tpu.memory_space<hbm>>
        %dma_start3A_87 = tpu.memref_slice %arg4[%multiple_of3A_61] : memref<331776xi32, #tpu.memory_space<hbm>> -> memref<128xi32, #tpu.memory_space<hbm>>
        tpu.enqueue_dma source(%dma_start3A_87 : memref<128xi32, #tpu.memory_space<hbm>>) target(%arg12 : memref<128xi32, #tpu.memory_space<vmem>>) target_semaphore(%run_scoped3A : memref<!tpu.dma_semaphore, #tpu.memory_space<semaphore_mem>>)
        %dma_wait3A_88 = tpu.memref_slice %arg4[%multiple_of3A_61] : memref<331776xi32, #tpu.memory_space<hbm>> -> memref<128xi32, #tpu.memory_space<hbm>>
        %dma_wait3A_89 = tpu.memref_slice %arg4[%multiple_of3A_61] : memref<331776xi32, #tpu.memory_space<hbm>> -> memref<128xi32, #tpu.memory_space<hbm>>
        tpu.wait_dma2 semaphore(%run_scoped3A : memref<!tpu.dma_semaphore, #tpu.memory_space<semaphore_mem>>) src(%dma_wait3A_89 : memref<128xi32, #tpu.memory_space<hbm>>) dst(%arg12 : memref<128xi32, #tpu.memory_space<vmem>>)
        tpu.yield
      }) : () -> ()
      %dma_start3A_62 = arith.constant 0 : i32
      %dma_start3A_63 = arith.constant 0 : i32
      %dma_start3A_64 = tpu.memref_slice %arg2[%dma_start3A_62, %dma_start3A_63] : memref<10000x128xf32, #tpu.memory_space<hbm>> -> memref<10000x128xf32, #tpu.memory_space<hbm>>
      tpu.enqueue_indirect_dma source(%dma_start3A_64 : memref<10000x128xf32, #tpu.memory_space<hbm>>) target(%arg15 : memref<128x128xf32, #tpu.memory_space<vmem>>) offsets(%arg9 : memref<128xi32, #tpu.memory_space<vmem>>) semaphore(%arg19 : memref<!tpu.dma_semaphore, #tpu.memory_space<semaphore_mem>>)
      %dma_wait3A_65 = arith.constant 0 : i32
      %dma_wait3A_66 = arith.constant 0 : i32
      %dma_wait3A_67 = tpu.memref_slice %arg2[%dma_wait3A_65, %dma_wait3A_66] : memref<10000x128xf32, #tpu.memory_space<hbm>> -> memref<10000x128xf32, #tpu.memory_space<hbm>>
      tpu.wait_indirect_dma semaphore(%arg18 : memref<!tpu.dma_semaphore, #tpu.memory_space<semaphore_mem>>) src(%dma_wait3A_67 : memref<10000x128xf32, #tpu.memory_space<hbm>>) dst(%arg14 : memref<128x128xf32, #tpu.memory_space<vmem>>)
      %dma_start3A_68 = arith.constant 0 : i32
      %dma_start3A_69 = arith.constant 0 : i32
      %dma_start3A_70 = tpu.memref_slice %arg16[%dma_start3A_68, %dma_start3A_69] : memref<10112x128xf32, #tpu.memory_space<vmem_shared>> -> memref<10112x128xf32, #tpu.memory_space<vmem_shared>>
      tpu.enqueue_indirect_dma source(%arg14 : memref<128x128xf32, #tpu.memory_space<vmem>>) target(%dma_start3A_70 : memref<10112x128xf32, #tpu.memory_space<vmem_shared>>) offsets(%arg11 : memref<128xi32, #tpu.memory_space<vmem>>) semaphore(%arg21 : memref<!tpu.dma_semaphore, #tpu.memory_space<semaphore_mem>>) {add = true}
      %lt3A = arith.constant 26 : i32
      %lt3A_71 = arith.cmpi slt, %scan3A_39, %lt3A : i32
      %convert_element_type3A_72 = arith.extui %lt3A_71 : i1 to i32
      %cond3A_73 = arith.constant 0 : i32
      %cond3A_74 = arith.cmpi ne, %convert_element_type3A_72, %cond3A_73 : i32
      scf.if %cond3A_74 {
        %dma_wait3A_86 = arith.constant 0 : i32
        %dma_wait3A_87 = arith.constant 0 : i32
        %dma_wait3A_88 = tpu.memref_slice %arg16[%dma_wait3A_86, %dma_wait3A_87] : memref<10112x128xf32, #tpu.memory_space<vmem_shared>> -> memref<10112x128xf32, #tpu.memory_space<vmem_shared>>
        tpu.wait_indirect_dma semaphore(%arg20 : memref<!tpu.dma_semaphore, #tpu.memory_space<semaphore_mem>>) src(%arg13 : memref<128x128xf32, #tpu.memory_space<vmem>>) dst(%dma_wait3A_88 : memref<10112x128xf32, #tpu.memory_space<vmem_shared>>)
        %add3A_89 = arith.constant 3 : i32
        %add3A_90 = arith.addi %mul3A_41, %add3A_89 : i32
        %mul3A_91 = arith.constant 128 : i32
        %mul3A_92 = arith.muli %add3A_90, %mul3A_91 : i32
        %add3A_93 = arith.addi %mul3A_2, %mul3A_92 : i32
        %multiple_of3A_94 = tpu.assume_multiple %add3A_93, 8 : i32
        "tpu.region"() ({
          %run_scoped3A = tpu.sem_alloc : memref<!tpu.dma_semaphore, #tpu.memory_space<semaphore_mem>>
          %dma_start3A_104 = tpu.memref_slice %arg3[%multiple_of3A_94] : memref<331776xi32, #tpu.memory_space<hbm>> -> memref<128xi32, #tpu.memory_space<hbm>>
          %dma_start3A_105 = tpu.memref_slice %arg3[%multiple_of3A_94] : memref<331776xi32, #tpu.memory_space<hbm>> -> memref<128xi32, #tpu.memory_space<hbm>>
          tpu.enqueue_dma source(%dma_start3A_105 : memref<128xi32, #tpu.memory_space<hbm>>) target(%arg7 : memref<128xi32, #tpu.memory_space<vmem>>) target_semaphore(%run_scoped3A : memref<!tpu.dma_semaphore, #tpu.memory_space<semaphore_mem>>)
          %dma_wait3A_106 = tpu.memref_slice %arg3[%multiple_of3A_94] : memref<331776xi32, #tpu.memory_space<hbm>> -> memref<128xi32, #tpu.memory_space<hbm>>
          %dma_wait3A_107 = tpu.memref_slice %arg3[%multiple_of3A_94] : memref<331776xi32, #tpu.memory_space<hbm>> -> memref<128xi32, #tpu.memory_space<hbm>>
          tpu.wait_dma2 semaphore(%run_scoped3A : memref<!tpu.dma_semaphore, #tpu.memory_space<semaphore_mem>>) src(%dma_wait3A_107 : memref<128xi32, #tpu.memory_space<hbm>>) dst(%arg7 : memref<128xi32, #tpu.memory_space<vmem>>)
          tpu.yield
        }) : () -> ()
        %add3A_95 = arith.constant 3 : i32
        %add3A_96 = arith.addi %mul3A_41, %add3A_95 : i32
        %mul3A_97 = arith.constant 128 : i32
        %mul3A_98 = arith.muli %add3A_96, %mul3A_97 : i32
        %add3A_99 = arith.addi %mul3A_2, %mul3A_98 : i32
        %multiple_of3A_100 = tpu.assume_multiple %add3A_99, 8 : i32
        "tpu.region"() ({
          %run_scoped3A = tpu.sem_alloc : memref<!tpu.dma_semaphore, #tpu.memory_space<semaphore_mem>>
          %dma_start3A_104 = tpu.memref_slice %arg4[%multiple_of3A_100] : memref<331776xi32, #tpu.memory_space<hbm>> -> memref<128xi32, #tpu.memory_space<hbm>>
          %dma_start3A_105 = tpu.memref_slice %arg4[%multiple_of3A_100] : memref<331776xi32, #tpu.memory_space<hbm>> -> memref<128xi32, #tpu.memory_space<hbm>>
          tpu.enqueue_dma source(%dma_start3A_105 : memref<128xi32, #tpu.memory_space<hbm>>) target(%arg10 : memref<128xi32, #tpu.memory_space<vmem>>) target_semaphore(%run_scoped3A : memref<!tpu.dma_semaphore, #tpu.memory_space<semaphore_mem>>)
          %dma_wait3A_106 = tpu.memref_slice %arg4[%multiple_of3A_100] : memref<331776xi32, #tpu.memory_space<hbm>> -> memref<128xi32, #tpu.memory_space<hbm>>
          %dma_wait3A_107 = tpu.memref_slice %arg4[%multiple_of3A_100] : memref<331776xi32, #tpu.memory_space<hbm>> -> memref<128xi32, #tpu.memory_space<hbm>>
          tpu.wait_dma2 semaphore(%run_scoped3A : memref<!tpu.dma_semaphore, #tpu.memory_space<semaphore_mem>>) src(%dma_wait3A_107 : memref<128xi32, #tpu.memory_space<hbm>>) dst(%arg10 : memref<128xi32, #tpu.memory_space<vmem>>)
          tpu.yield
        }) : () -> ()
        %dma_start3A_101 = arith.constant 0 : i32
        %dma_start3A_102 = arith.constant 0 : i32
        %dma_start3A_103 = tpu.memref_slice %arg2[%dma_start3A_101, %dma_start3A_102] : memref<10000x128xf32, #tpu.memory_space<hbm>> -> memref<10000x128xf32, #tpu.memory_space<hbm>>
        tpu.enqueue_indirect_dma source(%dma_start3A_103 : memref<10000x128xf32, #tpu.memory_space<hbm>>) target(%arg13 : memref<128x128xf32, #tpu.memory_space<vmem>>) offsets(%arg7 : memref<128xi32, #tpu.memory_space<vmem>>) semaphore(%arg17 : memref<!tpu.dma_semaphore, #tpu.memory_space<semaphore_mem>>)
      } else {
      }
      %dma_wait3A_75 = arith.constant 0 : i32
      %dma_wait3A_76 = arith.constant 0 : i32
      %dma_wait3A_77 = tpu.memref_slice %arg2[%dma_wait3A_75, %dma_wait3A_76] : memref<10000x128xf32, #tpu.memory_space<hbm>> -> memref<10000x128xf32, #tpu.memory_space<hbm>>
      tpu.wait_indirect_dma semaphore(%arg19 : memref<!tpu.dma_semaphore, #tpu.memory_space<semaphore_mem>>) src(%dma_wait3A_77 : memref<10000x128xf32, #tpu.memory_space<hbm>>) dst(%arg15 : memref<128x128xf32, #tpu.memory_space<vmem>>)
      %dma_start3A_78 = arith.constant 0 : i32
      %dma_start3A_79 = arith.constant 0 : i32
      %dma_start3A_80 = tpu.memref_slice %arg16[%dma_start3A_78, %dma_start3A_79] : memref<10112x128xf32, #tpu.memory_space<vmem_shared>> -> memref<10112x128xf32, #tpu.memory_space<vmem_shared>>
      tpu.enqueue_indirect_dma source(%arg15 : memref<128x128xf32, #tpu.memory_space<vmem>>) target(%dma_start3A_80 : memref<10112x128xf32, #tpu.memory_space<vmem_shared>>) offsets(%arg12 : memref<128xi32, #tpu.memory_space<vmem>>) semaphore(%arg22 : memref<!tpu.dma_semaphore, #tpu.memory_space<semaphore_mem>>) {add = true}
      %lt3A_81 = arith.constant 26 : i32
      %lt3A_82 = arith.cmpi slt, %scan3A_39, %lt3A_81 : i32
      %convert_element_type3A_83 = arith.extui %lt3A_82 : i1 to i32
      %cond3A_84 = arith.constant 0 : i32
      %cond3A_85 = arith.cmpi ne, %convert_element_type3A_83, %cond3A_84 : i32
      scf.if %cond3A_85 {
        %dma_wait3A_86 = arith.constant 0 : i32
        %dma_wait3A_87 = arith.constant 0 : i32
        %dma_wait3A_88 = tpu.memref_slice %arg16[%dma_wait3A_86, %dma_wait3A_87] : memref<10112x128xf32, #tpu.memory_space<vmem_shared>> -> memref<10112x128xf32, #tpu.memory_space<vmem_shared>>
        tpu.wait_indirect_dma semaphore(%arg21 : memref<!tpu.dma_semaphore, #tpu.memory_space<semaphore_mem>>) src(%arg14 : memref<128x128xf32, #tpu.memory_space<vmem>>) dst(%dma_wait3A_88 : memref<10112x128xf32, #tpu.memory_space<vmem_shared>>)
        %add3A_89 = arith.constant 4 : i32
        %add3A_90 = arith.addi %mul3A_41, %add3A_89 : i32
        %mul3A_91 = arith.constant 128 : i32
        %mul3A_92 = arith.muli %add3A_90, %mul3A_91 : i32
        %add3A_93 = arith.addi %mul3A_2, %mul3A_92 : i32
        %multiple_of3A_94 = tpu.assume_multiple %add3A_93, 8 : i32
        "tpu.region"() ({
          %run_scoped3A = tpu.sem_alloc : memref<!tpu.dma_semaphore, #tpu.memory_space<semaphore_mem>>
          %dma_start3A_104 = tpu.memref_slice %arg3[%multiple_of3A_94] : memref<331776xi32, #tpu.memory_space<hbm>> -> memref<128xi32, #tpu.memory_space<hbm>>
          %dma_start3A_105 = tpu.memref_slice %arg3[%multiple_of3A_94] : memref<331776xi32, #tpu.memory_space<hbm>> -> memref<128xi32, #tpu.memory_space<hbm>>
          tpu.enqueue_dma source(%dma_start3A_105 : memref<128xi32, #tpu.memory_space<hbm>>) target(%arg8 : memref<128xi32, #tpu.memory_space<vmem>>) target_semaphore(%run_scoped3A : memref<!tpu.dma_semaphore, #tpu.memory_space<semaphore_mem>>)
          %dma_wait3A_106 = tpu.memref_slice %arg3[%multiple_of3A_94] : memref<331776xi32, #tpu.memory_space<hbm>> -> memref<128xi32, #tpu.memory_space<hbm>>
          %dma_wait3A_107 = tpu.memref_slice %arg3[%multiple_of3A_94] : memref<331776xi32, #tpu.memory_space<hbm>> -> memref<128xi32, #tpu.memory_space<hbm>>
          tpu.wait_dma2 semaphore(%run_scoped3A : memref<!tpu.dma_semaphore, #tpu.memory_space<semaphore_mem>>) src(%dma_wait3A_107 : memref<128xi32, #tpu.memory_space<hbm>>) dst(%arg8 : memref<128xi32, #tpu.memory_space<vmem>>)
          tpu.yield
        }) : () -> ()
        %add3A_95 = arith.constant 4 : i32
        %add3A_96 = arith.addi %mul3A_41, %add3A_95 : i32
        %mul3A_97 = arith.constant 128 : i32
        %mul3A_98 = arith.muli %add3A_96, %mul3A_97 : i32
        %add3A_99 = arith.addi %mul3A_2, %mul3A_98 : i32
        %multiple_of3A_100 = tpu.assume_multiple %add3A_99, 8 : i32
        "tpu.region"() ({
          %run_scoped3A = tpu.sem_alloc : memref<!tpu.dma_semaphore, #tpu.memory_space<semaphore_mem>>
          %dma_start3A_104 = tpu.memref_slice %arg4[%multiple_of3A_100] : memref<331776xi32, #tpu.memory_space<hbm>> -> memref<128xi32, #tpu.memory_space<hbm>>
          %dma_start3A_105 = tpu.memref_slice %arg4[%multiple_of3A_100] : memref<331776xi32, #tpu.memory_space<hbm>> -> memref<128xi32, #tpu.memory_space<hbm>>
          tpu.enqueue_dma source(%dma_start3A_105 : memref<128xi32, #tpu.memory_space<hbm>>) target(%arg11 : memref<128xi32, #tpu.memory_space<vmem>>) target_semaphore(%run_scoped3A : memref<!tpu.dma_semaphore, #tpu.memory_space<semaphore_mem>>)
          %dma_wait3A_106 = tpu.memref_slice %arg4[%multiple_of3A_100] : memref<331776xi32, #tpu.memory_space<hbm>> -> memref<128xi32, #tpu.memory_space<hbm>>
          %dma_wait3A_107 = tpu.memref_slice %arg4[%multiple_of3A_100] : memref<331776xi32, #tpu.memory_space<hbm>> -> memref<128xi32, #tpu.memory_space<hbm>>
          tpu.wait_dma2 semaphore(%run_scoped3A : memref<!tpu.dma_semaphore, #tpu.memory_space<semaphore_mem>>) src(%dma_wait3A_107 : memref<128xi32, #tpu.memory_space<hbm>>) dst(%arg11 : memref<128xi32, #tpu.memory_space<vmem>>)
          tpu.yield
        }) : () -> ()
        %dma_start3A_101 = arith.constant 0 : i32
        %dma_start3A_102 = arith.constant 0 : i32
        %dma_start3A_103 = tpu.memref_slice %arg2[%dma_start3A_101, %dma_start3A_102] : memref<10000x128xf32, #tpu.memory_space<hbm>> -> memref<10000x128xf32, #tpu.memory_space<hbm>>
        tpu.enqueue_indirect_dma source(%dma_start3A_103 : memref<10000x128xf32, #tpu.memory_space<hbm>>) target(%arg14 : memref<128x128xf32, #tpu.memory_space<vmem>>) offsets(%arg8 : memref<128xi32, #tpu.memory_space<vmem>>) semaphore(%arg18 : memref<!tpu.dma_semaphore, #tpu.memory_space<semaphore_mem>>)
      } else {
      }
    }
    %scan3A_25 = arith.constant 27 : i32
    %dma_wait3A = arith.constant 0 : i32
    %dma_wait3A_26 = arith.constant 0 : i32
    %dma_wait3A_27 = tpu.memref_slice %arg16[%dma_wait3A, %dma_wait3A_26] : memref<10112x128xf32, #tpu.memory_space<vmem_shared>> -> memref<10112x128xf32, #tpu.memory_space<vmem_shared>>
    tpu.wait_indirect_dma semaphore(%arg20 : memref<!tpu.dma_semaphore, #tpu.memory_space<semaphore_mem>>) src(%arg13 : memref<128x128xf32, #tpu.memory_space<vmem>>) dst(%dma_wait3A_27 : memref<10112x128xf32, #tpu.memory_space<vmem_shared>>)
    %dma_wait3A_28 = arith.constant 0 : i32
    %dma_wait3A_29 = arith.constant 0 : i32
    %dma_wait3A_30 = tpu.memref_slice %arg16[%dma_wait3A_28, %dma_wait3A_29] : memref<10112x128xf32, #tpu.memory_space<vmem_shared>> -> memref<10112x128xf32, #tpu.memory_space<vmem_shared>>
    tpu.wait_indirect_dma semaphore(%arg21 : memref<!tpu.dma_semaphore, #tpu.memory_space<semaphore_mem>>) src(%arg14 : memref<128x128xf32, #tpu.memory_space<vmem>>) dst(%dma_wait3A_30 : memref<10112x128xf32, #tpu.memory_space<vmem_shared>>)
    %dma_wait3A_31 = arith.constant 0 : i32
    %dma_wait3A_32 = arith.constant 0 : i32
    %dma_wait3A_33 = tpu.memref_slice %arg16[%dma_wait3A_31, %dma_wait3A_32] : memref<10112x128xf32, #tpu.memory_space<vmem_shared>> -> memref<10112x128xf32, #tpu.memory_space<vmem_shared>>
    tpu.wait_indirect_dma semaphore(%arg22 : memref<!tpu.dma_semaphore, #tpu.memory_space<semaphore_mem>>) src(%arg15 : memref<128x128xf32, #tpu.memory_space<vmem>>) dst(%dma_wait3A_33 : memref<10112x128xf32, #tpu.memory_space<vmem_shared>>)
    %barrier3A_34 = arith.constant 0 : index
    tpu.barrier barrier_id(%barrier3A_34)
    %mul3A_35 = arith.constant 632 : i32
    %mul3A_36 = arith.muli %arg1, %mul3A_35 : i32
    %mul3A_37 = arith.constant 632 : i32
    %mul3A_38 = arith.muli %arg1, %mul3A_37 : i32
    "tpu.region"() ({
      %run_scoped3A = tpu.sem_alloc : memref<!tpu.dma_semaphore, #tpu.memory_space<semaphore_mem>>
      %dma_start3A_39 = arith.constant 0 : i32
      %dma_start3A_40 = tpu.memref_slice %arg6[%arg0, %mul3A_38, %dma_start3A_39] : memref<2x10112x128xf32, #tpu.memory_space<hbm>> -> memref<1x632x128xf32, #tpu.memory_space<hbm>>
      %dma_start3A_41 = tpu.memref_squeeze %dma_start3A_40 : memref<1x632x128xf32, #tpu.memory_space<hbm>> -> memref<632x128xf32, #tpu.memory_space<hbm>>
      %dma_start3A_42 = arith.constant 0 : i32
      %dma_start3A_43 = tpu.memref_slice %arg16[%mul3A_36, %dma_start3A_42] : memref<10112x128xf32, #tpu.memory_space<vmem_shared>> -> memref<632x128xf32, #tpu.memory_space<vmem_shared>>
      tpu.enqueue_dma source(%dma_start3A_43 : memref<632x128xf32, #tpu.memory_space<vmem_shared>>) target(%dma_start3A_41 : memref<632x128xf32, #tpu.memory_space<hbm>>) target_semaphore(%run_scoped3A : memref<!tpu.dma_semaphore, #tpu.memory_space<semaphore_mem>>)
      %dma_wait3A_44 = arith.constant 0 : i32
      %dma_wait3A_45 = tpu.memref_slice %arg6[%arg0, %mul3A_38, %dma_wait3A_44] : memref<2x10112x128xf32, #tpu.memory_space<hbm>> -> memref<1x632x128xf32, #tpu.memory_space<hbm>>
      %dma_wait3A_46 = tpu.memref_squeeze %dma_wait3A_45 : memref<1x632x128xf32, #tpu.memory_space<hbm>> -> memref<632x128xf32, #tpu.memory_space<hbm>>
      %dma_wait3A_47 = arith.constant 0 : i32
      %dma_wait3A_48 = tpu.memref_slice %arg16[%mul3A_36, %dma_wait3A_47] : memref<10112x128xf32, #tpu.memory_space<vmem_shared>> -> memref<632x128xf32, #tpu.memory_space<vmem_shared>>
      tpu.wait_dma2 semaphore(%run_scoped3A : memref<!tpu.dma_semaphore, #tpu.memory_space<semaphore_mem>>) src(%dma_wait3A_48 : memref<632x128xf32, #tpu.memory_space<vmem_shared>>) dst(%dma_wait3A_46 : memref<632x128xf32, #tpu.memory_space<hbm>>)
      tpu.yield
    }) : () -> ()
    return
  }
}

#map = affine_map<(d0, d1) -> (0, 0)>
#map1 = affine_map<(d0, d1) -> (0)>
#map2 = affine_map<(d0, d1) -> (0, 0, 0)>
module attributes {stable_mosaic.version = 14 : i64} {
  func.func @agg_kernel(%arg0: i32, %arg1: i32, %arg2: memref<10000x128xf32, #tpu.memory_space<hbm>>, %arg3: memref<331776xi32, #tpu.memory_space<hbm>>, %arg4: memref<331776xi32, #tpu.memory_space<hbm>>, %arg5: memref<632x128xf32, #tpu.memory_space<hbm>>, %arg6: memref<2x10112x128xf32, #tpu.memory_space<hbm>>, %arg7: memref<128xi32, #tpu.memory_space<vmem>>, %arg8: memref<128xi32, #tpu.memory_space<vmem>>, %arg9: memref<128xi32, #tpu.memory_space<vmem>>, %arg10: memref<128xi32, #tpu.memory_space<vmem>>, %arg11: memref<128xi32, #tpu.memory_space<vmem>>, %arg12: memref<128xi32, #tpu.memory_space<vmem>>, %arg13: memref<128x128xf32, #tpu.memory_space<vmem>>, %arg14: memref<128x128xf32, #tpu.memory_space<vmem>>, %arg15: memref<128x128xf32, #tpu.memory_space<vmem>>, %arg16: memref<10112x128xf32, #tpu.memory_space<vmem_shared>>, %arg17: memref<!tpu.dma_semaphore, #tpu.memory_space<semaphore_mem>>, %arg18: memref<!tpu.dma_semaphore, #tpu.memory_space<semaphore_mem>>, %arg19: memref<!tpu.dma_semaphore, #tpu.memory_space<semaphore_mem>>, %arg20: memref<!tpu.dma_semaphore, #tpu.memory_space<semaphore_mem>>, %arg21: memref<!tpu.dma_semaphore, #tpu.memory_space<semaphore_mem>>, %arg22: memref<!tpu.dma_semaphore, #tpu.memory_space<semaphore_mem>>) attributes {dimension_semantics = [#tpu.dimension_semantics<core_parallel>, #tpu.dimension_semantics<subcore_parallel>], iteration_bounds = array<i64: 2, 16>, scalar_prefetch = 0 : i64, scratch_operands = 16 : i64, tpu.core_type = #tpu.core_type<sc_vector_subcore>, window_params = [{transform_indices = #map}, {transform_indices = #map1}, {transform_indices = #map1}, {transform_indices = #map}, {transform_indices = #map2}]} {
    %mul3A = arith.constant 2 : i32
    %mul3A_0 = arith.muli %arg1, %mul3A : i32
    %add3A = arith.addi %mul3A_0, %arg0 : i32
    %mul3A_1 = arith.constant 10368 : i32
    %mul3A_2 = arith.muli %add3A, %mul3A_1 : i32
    %mul3A_3 = arith.constant 632 : i32
    %mul3A_4 = arith.muli %arg1, %mul3A_3 : i32
    "tpu.region"() ({
      %run_scoped3A = tpu.sem_alloc : memref<!tpu.dma_semaphore, #tpu.memory_space<semaphore_mem>>
      %dma_start3A_39 = arith.constant 0 : i32
      %dma_start3A_40 = tpu.memref_slice %arg16[%mul3A_4, %dma_start3A_39] : memref<10112x128xf32, #tpu.memory_space<vmem_shared>> -> memref<632x128xf32, #tpu.memory_space<vmem_shared>>
      tpu.enqueue_dma source(%arg5 : memref<632x128xf32, #tpu.memory_space<hbm>>) target(%dma_start3A_40 : memref<632x128xf32, #tpu.memory_space<vmem_shared>>) target_semaphore(%run_scoped3A : memref<!tpu.dma_semaphore, #tpu.memory_space<semaphore_mem>>)
      %dma_wait3A_41 = arith.constant 0 : i32
      %dma_wait3A_42 = tpu.memref_slice %arg16[%mul3A_4, %dma_wait3A_41] : memref<10112x128xf32, #tpu.memory_space<vmem_shared>> -> memref<632x128xf32, #tpu.memory_space<vmem_shared>>
      tpu.wait_dma2 semaphore(%run_scoped3A : memref<!tpu.dma_semaphore, #tpu.memory_space<semaphore_mem>>) src(%arg5 : memref<632x128xf32, #tpu.memory_space<hbm>>) dst(%dma_wait3A_42 : memref<632x128xf32, #tpu.memory_space<vmem_shared>>)
      tpu.yield
    }) : () -> ()
    %barrier3A = arith.constant 0 : index
    tpu.barrier barrier_id(%barrier3A)
    %add3A_5 = arith.constant 0 : i32
    %add3A_6 = arith.addi %mul3A_2, %add3A_5 : i32
    %multiple_of3A = tpu.assume_multiple %add3A_6, 8 : i32
    "tpu.region"() ({
      %run_scoped3A = tpu.sem_alloc : memref<!tpu.dma_semaphore, #tpu.memory_space<semaphore_mem>>
      %dma_start3A_39 = tpu.memref_slice %arg3[%multiple_of3A] : memref<331776xi32, #tpu.memory_space<hbm>> -> memref<128xi32, #tpu.memory_space<hbm>>
      %dma_start3A_40 = tpu.memref_slice %arg3[%multiple_of3A] : memref<331776xi32, #tpu.memory_space<hbm>> -> memref<128xi32, #tpu.memory_space<hbm>>
      tpu.enqueue_dma source(%dma_start3A_40 : memref<128xi32, #tpu.memory_space<hbm>>) target(%arg7 : memref<128xi32, #tpu.memory_space<vmem>>) target_semaphore(%run_scoped3A : memref<!tpu.dma_semaphore, #tpu.memory_space<semaphore_mem>>)
      %dma_wait3A_41 = tpu.memref_slice %arg3[%multiple_of3A] : memref<331776xi32, #tpu.memory_space<hbm>> -> memref<128xi32, #tpu.memory_space<hbm>>
      %dma_wait3A_42 = tpu.memref_slice %arg3[%multiple_of3A] : memref<331776xi32, #tpu.memory_space<hbm>> -> memref<128xi32, #tpu.memory_space<hbm>>
      tpu.wait_dma2 semaphore(%run_scoped3A : memref<!tpu.dma_semaphore, #tpu.memory_space<semaphore_mem>>) src(%dma_wait3A_42 : memref<128xi32, #tpu.memory_space<hbm>>) dst(%arg7 : memref<128xi32, #tpu.memory_space<vmem>>)
      tpu.yield
    }) : () -> ()
    %add3A_7 = arith.constant 0 : i32
    %add3A_8 = arith.addi %mul3A_2, %add3A_7 : i32
    %multiple_of3A_9 = tpu.assume_multiple %add3A_8, 8 : i32
    "tpu.region"() ({
      %run_scoped3A = tpu.sem_alloc : memref<!tpu.dma_semaphore, #tpu.memory_space<semaphore_mem>>
      %dma_start3A_39 = tpu.memref_slice %arg4[%multiple_of3A_9] : memref<331776xi32, #tpu.memory_space<hbm>> -> memref<128xi32, #tpu.memory_space<hbm>>
      %dma_start3A_40 = tpu.memref_slice %arg4[%multiple_of3A_9] : memref<331776xi32, #tpu.memory_space<hbm>> -> memref<128xi32, #tpu.memory_space<hbm>>
      tpu.enqueue_dma source(%dma_start3A_40 : memref<128xi32, #tpu.memory_space<hbm>>) target(%arg10 : memref<128xi32, #tpu.memory_space<vmem>>) target_semaphore(%run_scoped3A : memref<!tpu.dma_semaphore, #tpu.memory_space<semaphore_mem>>)
      %dma_wait3A_41 = tpu.memref_slice %arg4[%multiple_of3A_9] : memref<331776xi32, #tpu.memory_space<hbm>> -> memref<128xi32, #tpu.memory_space<hbm>>
      %dma_wait3A_42 = tpu.memref_slice %arg4[%multiple_of3A_9] : memref<331776xi32, #tpu.memory_space<hbm>> -> memref<128xi32, #tpu.memory_space<hbm>>
      tpu.wait_dma2 semaphore(%run_scoped3A : memref<!tpu.dma_semaphore, #tpu.memory_space<semaphore_mem>>) src(%dma_wait3A_42 : memref<128xi32, #tpu.memory_space<hbm>>) dst(%arg10 : memref<128xi32, #tpu.memory_space<vmem>>)
      tpu.yield
    }) : () -> ()
    %dma_start3A = arith.constant 0 : i32
    %dma_start3A_10 = arith.constant 0 : i32
    %dma_start3A_11 = tpu.memref_slice %arg2[%dma_start3A, %dma_start3A_10] : memref<10000x128xf32, #tpu.memory_space<hbm>> -> memref<10000x128xf32, #tpu.memory_space<hbm>>
    tpu.enqueue_indirect_dma source(%dma_start3A_11 : memref<10000x128xf32, #tpu.memory_space<hbm>>) target(%arg13 : memref<128x128xf32, #tpu.memory_space<vmem>>) offsets(%arg7 : memref<128xi32, #tpu.memory_space<vmem>>) semaphore(%arg17 : memref<!tpu.dma_semaphore, #tpu.memory_space<semaphore_mem>>)
    %add3A_12 = arith.constant 128 : i32
    %add3A_13 = arith.addi %mul3A_2, %add3A_12 : i32
    %multiple_of3A_14 = tpu.assume_multiple %add3A_13, 8 : i32
    "tpu.region"() ({
      %run_scoped3A = tpu.sem_alloc : memref<!tpu.dma_semaphore, #tpu.memory_space<semaphore_mem>>
      %dma_start3A_39 = tpu.memref_slice %arg3[%multiple_of3A_14] : memref<331776xi32, #tpu.memory_space<hbm>> -> memref<128xi32, #tpu.memory_space<hbm>>
      %dma_start3A_40 = tpu.memref_slice %arg3[%multiple_of3A_14] : memref<331776xi32, #tpu.memory_space<hbm>> -> memref<128xi32, #tpu.memory_space<hbm>>
      tpu.enqueue_dma source(%dma_start3A_40 : memref<128xi32, #tpu.memory_space<hbm>>) target(%arg8 : memref<128xi32, #tpu.memory_space<vmem>>) target_semaphore(%run_scoped3A : memref<!tpu.dma_semaphore, #tpu.memory_space<semaphore_mem>>)
      %dma_wait3A_41 = tpu.memref_slice %arg3[%multiple_of3A_14] : memref<331776xi32, #tpu.memory_space<hbm>> -> memref<128xi32, #tpu.memory_space<hbm>>
      %dma_wait3A_42 = tpu.memref_slice %arg3[%multiple_of3A_14] : memref<331776xi32, #tpu.memory_space<hbm>> -> memref<128xi32, #tpu.memory_space<hbm>>
      tpu.wait_dma2 semaphore(%run_scoped3A : memref<!tpu.dma_semaphore, #tpu.memory_space<semaphore_mem>>) src(%dma_wait3A_42 : memref<128xi32, #tpu.memory_space<hbm>>) dst(%arg8 : memref<128xi32, #tpu.memory_space<vmem>>)
      tpu.yield
    }) : () -> ()
    %add3A_15 = arith.constant 128 : i32
    %add3A_16 = arith.addi %mul3A_2, %add3A_15 : i32
    %multiple_of3A_17 = tpu.assume_multiple %add3A_16, 8 : i32
    "tpu.region"() ({
      %run_scoped3A = tpu.sem_alloc : memref<!tpu.dma_semaphore, #tpu.memory_space<semaphore_mem>>
      %dma_start3A_39 = tpu.memref_slice %arg4[%multiple_of3A_17] : memref<331776xi32, #tpu.memory_space<hbm>> -> memref<128xi32, #tpu.memory_space<hbm>>
      %dma_start3A_40 = tpu.memref_slice %arg4[%multiple_of3A_17] : memref<331776xi32, #tpu.memory_space<hbm>> -> memref<128xi32, #tpu.memory_space<hbm>>
      tpu.enqueue_dma source(%dma_start3A_40 : memref<128xi32, #tpu.memory_space<hbm>>) target(%arg11 : memref<128xi32, #tpu.memory_space<vmem>>) target_semaphore(%run_scoped3A : memref<!tpu.dma_semaphore, #tpu.memory_space<semaphore_mem>>)
      %dma_wait3A_41 = tpu.memref_slice %arg4[%multiple_of3A_17] : memref<331776xi32, #tpu.memory_space<hbm>> -> memref<128xi32, #tpu.memory_space<hbm>>
      %dma_wait3A_42 = tpu.memref_slice %arg4[%multiple_of3A_17] : memref<331776xi32, #tpu.memory_space<hbm>> -> memref<128xi32, #tpu.memory_space<hbm>>
      tpu.wait_dma2 semaphore(%run_scoped3A : memref<!tpu.dma_semaphore, #tpu.memory_space<semaphore_mem>>) src(%dma_wait3A_42 : memref<128xi32, #tpu.memory_space<hbm>>) dst(%arg11 : memref<128xi32, #tpu.memory_space<vmem>>)
      tpu.yield
    }) : () -> ()
    %dma_start3A_18 = arith.constant 0 : i32
    %dma_start3A_19 = arith.constant 0 : i32
    %dma_start3A_20 = tpu.memref_slice %arg2[%dma_start3A_18, %dma_start3A_19] : memref<10000x128xf32, #tpu.memory_space<hbm>> -> memref<10000x128xf32, #tpu.memory_space<hbm>>
    tpu.enqueue_indirect_dma source(%dma_start3A_20 : memref<10000x128xf32, #tpu.memory_space<hbm>>) target(%arg14 : memref<128x128xf32, #tpu.memory_space<vmem>>) offsets(%arg8 : memref<128xi32, #tpu.memory_space<vmem>>) semaphore(%arg18 : memref<!tpu.dma_semaphore, #tpu.memory_space<semaphore_mem>>)
    %scan3A = arith.constant 0 : i32
    %scan3A_21 = arith.constant 0 : i32
    %scan3A_22 = arith.constant 27 : i32
    %scan3A_23 = arith.addi %scan3A_21, %scan3A_22 : i32
    %scan3A_24 = arith.constant 1 : i32
    scf.for %scan3A_39 = %scan3A_21 to %scan3A_23 step %scan3A_24  : i32 {
      %mul3A_40 = arith.constant 3 : i32
      %mul3A_41 = arith.muli %mul3A_40, %scan3A_39 : i32
      %dma_wait3A_42 = arith.constant 0 : i32
      %dma_wait3A_43 = arith.constant 0 : i32
      %dma_wait3A_44 = tpu.memref_slice %arg2[%dma_wait3A_42, %dma_wait3A_43] : memref<10000x128xf32, #tpu.memory_space<hbm>> -> memref<10000x128xf32, #tpu.memory_space<hbm>>
      tpu.wait_indirect_dma semaphore(%arg17 : memref<!tpu.dma_semaphore, #tpu.memory_space<semaphore_mem>>) src(%dma_wait3A_44 : memref<10000x128xf32, #tpu.memory_space<hbm>>) dst(%arg13 : memref<128x128xf32, #tpu.memory_space<vmem>>)
      %dma_start3A_45 = arith.constant 0 : i32
      %dma_start3A_46 = arith.constant 0 : i32
      %dma_start3A_47 = tpu.memref_slice %arg16[%dma_start3A_45, %dma_start3A_46] : memref<10112x128xf32, #tpu.memory_space<vmem_shared>> -> memref<10112x128xf32, #tpu.memory_space<vmem_shared>>
      tpu.enqueue_indirect_dma source(%arg13 : memref<128x128xf32, #tpu.memory_space<vmem>>) target(%dma_start3A_47 : memref<10112x128xf32, #tpu.memory_space<vmem_shared>>) offsets(%arg10 : memref<128xi32, #tpu.memory_space<vmem>>) semaphore(%arg20 : memref<!tpu.dma_semaphore, #tpu.memory_space<semaphore_mem>>) {add = true}
      %gt3A = arith.constant 0 : i32
      %gt3A_48 = arith.cmpi sgt, %scan3A_39, %gt3A : i32
      %convert_element_type3A = arith.extui %gt3A_48 : i1 to i32
      %cond3A = arith.constant 0 : i32
      %cond3A_49 = arith.cmpi ne, %convert_element_type3A, %cond3A : i32
      scf.if %cond3A_49 {
        %dma_wait3A_86 = arith.constant 0 : i32
        %dma_wait3A_87 = arith.constant 0 : i32
        %dma_wait3A_88 = tpu.memref_slice %arg16[%dma_wait3A_86, %dma_wait3A_87] : memref<10112x128xf32, #tpu.memory_space<vmem_shared>> -> memref<10112x128xf32, #tpu.memory_space<vmem_shared>>
        tpu.wait_indirect_dma semaphore(%arg22 : memref<!tpu.dma_semaphore, #tpu.memory_space<semaphore_mem>>) src(%arg15 : memref<128x128xf32, #tpu.memory_space<vmem>>) dst(%dma_wait3A_88 : memref<10112x128xf32, #tpu.memory_space<vmem_shared>>)
      } else {
      }
      %add3A_50 = arith.constant 2 : i32
      %add3A_51 = arith.addi %mul3A_41, %add3A_50 : i32
      %mul3A_52 = arith.constant 128 : i32
      %mul3A_53 = arith.muli %add3A_51, %mul3A_52 : i32
      %add3A_54 = arith.addi %mul3A_2, %mul3A_53 : i32
      %multiple_of3A_55 = tpu.assume_multiple %add3A_54, 8 : i32
      "tpu.region"() ({
        %run_scoped3A = tpu.sem_alloc : memref<!tpu.dma_semaphore, #tpu.memory_space<semaphore_mem>>
        %dma_start3A_86 = tpu.memref_slice %arg3[%multiple_of3A_55] : memref<331776xi32, #tpu.memory_space<hbm>> -> memref<128xi32, #tpu.memory_space<hbm>>
        %dma_start3A_87 = tpu.memref_slice %arg3[%multiple_of3A_55] : memref<331776xi32, #tpu.memory_space<hbm>> -> memref<128xi32, #tpu.memory_space<hbm>>
        tpu.enqueue_dma source(%dma_start3A_87 : memref<128xi32, #tpu.memory_space<hbm>>) target(%arg9 : memref<128xi32, #tpu.memory_space<vmem>>) target_semaphore(%run_scoped3A : memref<!tpu.dma_semaphore, #tpu.memory_space<semaphore_mem>>)
        %dma_wait3A_88 = tpu.memref_slice %arg3[%multiple_of3A_55] : memref<331776xi32, #tpu.memory_space<hbm>> -> memref<128xi32, #tpu.memory_space<hbm>>
        %dma_wait3A_89 = tpu.memref_slice %arg3[%multiple_of3A_55] : memref<331776xi32, #tpu.memory_space<hbm>> -> memref<128xi32, #tpu.memory_space<hbm>>
        tpu.wait_dma2 semaphore(%run_scoped3A : memref<!tpu.dma_semaphore, #tpu.memory_space<semaphore_mem>>) src(%dma_wait3A_89 : memref<128xi32, #tpu.memory_space<hbm>>) dst(%arg9 : memref<128xi32, #tpu.memory_space<vmem>>)
        tpu.yield
      }) : () -> ()
      %add3A_56 = arith.constant 2 : i32
      %add3A_57 = arith.addi %mul3A_41, %add3A_56 : i32
      %mul3A_58 = arith.constant 128 : i32
      %mul3A_59 = arith.muli %add3A_57, %mul3A_58 : i32
      %add3A_60 = arith.addi %mul3A_2, %mul3A_59 : i32
      %multiple_of3A_61 = tpu.assume_multiple %add3A_60, 8 : i32
      "tpu.region"() ({
        %run_scoped3A = tpu.sem_alloc : memref<!tpu.dma_semaphore, #tpu.memory_space<semaphore_mem>>
        %dma_start3A_86 = tpu.memref_slice %arg4[%multiple_of3A_61] : memref<331776xi32, #tpu.memory_space<hbm>> -> memref<128xi32, #tpu.memory_space<hbm>>
        %dma_start3A_87 = tpu.memref_slice %arg4[%multiple_of3A_61] : memref<331776xi32, #tpu.memory_space<hbm>> -> memref<128xi32, #tpu.memory_space<hbm>>
        tpu.enqueue_dma source(%dma_start3A_87 : memref<128xi32, #tpu.memory_space<hbm>>) target(%arg12 : memref<128xi32, #tpu.memory_space<vmem>>) target_semaphore(%run_scoped3A : memref<!tpu.dma_semaphore, #tpu.memory_space<semaphore_mem>>)
        %dma_wait3A_88 = tpu.memref_slice %arg4[%multiple_of3A_61] : memref<331776xi32, #tpu.memory_space<hbm>> -> memref<128xi32, #tpu.memory_space<hbm>>
        %dma_wait3A_89 = tpu.memref_slice %arg4[%multiple_of3A_61] : memref<331776xi32, #tpu.memory_space<hbm>> -> memref<128xi32, #tpu.memory_space<hbm>>
        tpu.wait_dma2 semaphore(%run_scoped3A : memref<!tpu.dma_semaphore, #tpu.memory_space<semaphore_mem>>) src(%dma_wait3A_89 : memref<128xi32, #tpu.memory_space<hbm>>) dst(%arg12 : memref<128xi32, #tpu.memory_space<vmem>>)
        tpu.yield
      }) : () -> ()
      %dma_start3A_62 = arith.constant 0 : i32
      %dma_start3A_63 = arith.constant 0 : i32
      %dma_start3A_64 = tpu.memref_slice %arg2[%dma_start3A_62, %dma_start3A_63] : memref<10000x128xf32, #tpu.memory_space<hbm>> -> memref<10000x128xf32, #tpu.memory_space<hbm>>
      tpu.enqueue_indirect_dma source(%dma_start3A_64 : memref<10000x128xf32, #tpu.memory_space<hbm>>) target(%arg15 : memref<128x128xf32, #tpu.memory_space<vmem>>) offsets(%arg9 : memref<128xi32, #tpu.memory_space<vmem>>) semaphore(%arg19 : memref<!tpu.dma_semaphore, #tpu.memory_space<semaphore_mem>>)
      %dma_wait3A_65 = arith.constant 0 : i32
      %dma_wait3A_66 = arith.constant 0 : i32
      %dma_wait3A_67 = tpu.memref_slice %arg2[%dma_wait3A_65, %dma_wait3A_66] : memref<10000x128xf32, #tpu.memory_space<hbm>> -> memref<10000x128xf32, #tpu.memory_space<hbm>>
      tpu.wait_indirect_dma semaphore(%arg18 : memref<!tpu.dma_semaphore, #tpu.memory_space<semaphore_mem>>) src(%dma_wait3A_67 : memref<10000x128xf32, #tpu.memory_space<hbm>>) dst(%arg14 : memref<128x128xf32, #tpu.memory_space<vmem>>)
      %dma_start3A_68 = arith.constant 0 : i32
      %dma_start3A_69 = arith.constant 0 : i32
      %dma_start3A_70 = tpu.memref_slice %arg16[%dma_start3A_68, %dma_start3A_69] : memref<10112x128xf32, #tpu.memory_space<vmem_shared>> -> memref<10112x128xf32, #tpu.memory_space<vmem_shared>>
      tpu.enqueue_indirect_dma source(%arg14 : memref<128x128xf32, #tpu.memory_space<vmem>>) target(%dma_start3A_70 : memref<10112x128xf32, #tpu.memory_space<vmem_shared>>) offsets(%arg11 : memref<128xi32, #tpu.memory_space<vmem>>) semaphore(%arg21 : memref<!tpu.dma_semaphore, #tpu.memory_space<semaphore_mem>>) {add = true}
      %lt3A = arith.constant 26 : i32
      %lt3A_71 = arith.cmpi slt, %scan3A_39, %lt3A : i32
      %convert_element_type3A_72 = arith.extui %lt3A_71 : i1 to i32
      %cond3A_73 = arith.constant 0 : i32
      %cond3A_74 = arith.cmpi ne, %convert_element_type3A_72, %cond3A_73 : i32
      scf.if %cond3A_74 {
        %dma_wait3A_86 = arith.constant 0 : i32
        %dma_wait3A_87 = arith.constant 0 : i32
        %dma_wait3A_88 = tpu.memref_slice %arg16[%dma_wait3A_86, %dma_wait3A_87] : memref<10112x128xf32, #tpu.memory_space<vmem_shared>> -> memref<10112x128xf32, #tpu.memory_space<vmem_shared>>
        tpu.wait_indirect_dma semaphore(%arg20 : memref<!tpu.dma_semaphore, #tpu.memory_space<semaphore_mem>>) src(%arg13 : memref<128x128xf32, #tpu.memory_space<vmem>>) dst(%dma_wait3A_88 : memref<10112x128xf32, #tpu.memory_space<vmem_shared>>)
        %add3A_89 = arith.constant 3 : i32
        %add3A_90 = arith.addi %mul3A_41, %add3A_89 : i32
        %mul3A_91 = arith.constant 128 : i32
        %mul3A_92 = arith.muli %add3A_90, %mul3A_91 : i32
        %add3A_93 = arith.addi %mul3A_2, %mul3A_92 : i32
        %multiple_of3A_94 = tpu.assume_multiple %add3A_93, 8 : i32
        "tpu.region"() ({
          %run_scoped3A = tpu.sem_alloc : memref<!tpu.dma_semaphore, #tpu.memory_space<semaphore_mem>>
          %dma_start3A_104 = tpu.memref_slice %arg3[%multiple_of3A_94] : memref<331776xi32, #tpu.memory_space<hbm>> -> memref<128xi32, #tpu.memory_space<hbm>>
          %dma_start3A_105 = tpu.memref_slice %arg3[%multiple_of3A_94] : memref<331776xi32, #tpu.memory_space<hbm>> -> memref<128xi32, #tpu.memory_space<hbm>>
          tpu.enqueue_dma source(%dma_start3A_105 : memref<128xi32, #tpu.memory_space<hbm>>) target(%arg7 : memref<128xi32, #tpu.memory_space<vmem>>) target_semaphore(%run_scoped3A : memref<!tpu.dma_semaphore, #tpu.memory_space<semaphore_mem>>)
          %dma_wait3A_106 = tpu.memref_slice %arg3[%multiple_of3A_94] : memref<331776xi32, #tpu.memory_space<hbm>> -> memref<128xi32, #tpu.memory_space<hbm>>
          %dma_wait3A_107 = tpu.memref_slice %arg3[%multiple_of3A_94] : memref<331776xi32, #tpu.memory_space<hbm>> -> memref<128xi32, #tpu.memory_space<hbm>>
          tpu.wait_dma2 semaphore(%run_scoped3A : memref<!tpu.dma_semaphore, #tpu.memory_space<semaphore_mem>>) src(%dma_wait3A_107 : memref<128xi32, #tpu.memory_space<hbm>>) dst(%arg7 : memref<128xi32, #tpu.memory_space<vmem>>)
          tpu.yield
        }) : () -> ()
        %add3A_95 = arith.constant 3 : i32
        %add3A_96 = arith.addi %mul3A_41, %add3A_95 : i32
        %mul3A_97 = arith.constant 128 : i32
        %mul3A_98 = arith.muli %add3A_96, %mul3A_97 : i32
        %add3A_99 = arith.addi %mul3A_2, %mul3A_98 : i32
        %multiple_of3A_100 = tpu.assume_multiple %add3A_99, 8 : i32
        "tpu.region"() ({
          %run_scoped3A = tpu.sem_alloc : memref<!tpu.dma_semaphore, #tpu.memory_space<semaphore_mem>>
          %dma_start3A_104 = tpu.memref_slice %arg4[%multiple_of3A_100] : memref<331776xi32, #tpu.memory_space<hbm>> -> memref<128xi32, #tpu.memory_space<hbm>>
          %dma_start3A_105 = tpu.memref_slice %arg4[%multiple_of3A_100] : memref<331776xi32, #tpu.memory_space<hbm>> -> memref<128xi32, #tpu.memory_space<hbm>>
          tpu.enqueue_dma source(%dma_start3A_105 : memref<128xi32, #tpu.memory_space<hbm>>) target(%arg10 : memref<128xi32, #tpu.memory_space<vmem>>) target_semaphore(%run_scoped3A : memref<!tpu.dma_semaphore, #tpu.memory_space<semaphore_mem>>)
          %dma_wait3A_106 = tpu.memref_slice %arg4[%multiple_of3A_100] : memref<331776xi32, #tpu.memory_space<hbm>> -> memref<128xi32, #tpu.memory_space<hbm>>
          %dma_wait3A_107 = tpu.memref_slice %arg4[%multiple_of3A_100] : memref<331776xi32, #tpu.memory_space<hbm>> -> memref<128xi32, #tpu.memory_space<hbm>>
          tpu.wait_dma2 semaphore(%run_scoped3A : memref<!tpu.dma_semaphore, #tpu.memory_space<semaphore_mem>>) src(%dma_wait3A_107 : memref<128xi32, #tpu.memory_space<hbm>>) dst(%arg10 : memref<128xi32, #tpu.memory_space<vmem>>)
          tpu.yield
        }) : () -> ()
        %dma_start3A_101 = arith.constant 0 : i32
        %dma_start3A_102 = arith.constant 0 : i32
        %dma_start3A_103 = tpu.memref_slice %arg2[%dma_start3A_101, %dma_start3A_102] : memref<10000x128xf32, #tpu.memory_space<hbm>> -> memref<10000x128xf32, #tpu.memory_space<hbm>>
        tpu.enqueue_indirect_dma source(%dma_start3A_103 : memref<10000x128xf32, #tpu.memory_space<hbm>>) target(%arg13 : memref<128x128xf32, #tpu.memory_space<vmem>>) offsets(%arg7 : memref<128xi32, #tpu.memory_space<vmem>>) semaphore(%arg17 : memref<!tpu.dma_semaphore, #tpu.memory_space<semaphore_mem>>)
      } else {
      }
      %dma_wait3A_75 = arith.constant 0 : i32
      %dma_wait3A_76 = arith.constant 0 : i32
      %dma_wait3A_77 = tpu.memref_slice %arg2[%dma_wait3A_75, %dma_wait3A_76] : memref<10000x128xf32, #tpu.memory_space<hbm>> -> memref<10000x128xf32, #tpu.memory_space<hbm>>
      tpu.wait_indirect_dma semaphore(%arg19 : memref<!tpu.dma_semaphore, #tpu.memory_space<semaphore_mem>>) src(%dma_wait3A_77 : memref<10000x128xf32, #tpu.memory_space<hbm>>) dst(%arg15 : memref<128x128xf32, #tpu.memory_space<vmem>>)
      %dma_start3A_78 = arith.constant 0 : i32
      %dma_start3A_79 = arith.constant 0 : i32
      %dma_start3A_80 = tpu.memref_slice %arg16[%dma_start3A_78, %dma_start3A_79] : memref<10112x128xf32, #tpu.memory_space<vmem_shared>> -> memref<10112x128xf32, #tpu.memory_space<vmem_shared>>
      tpu.enqueue_indirect_dma source(%arg15 : memref<128x128xf32, #tpu.memory_space<vmem>>) target(%dma_start3A_80 : memref<10112x128xf32, #tpu.memory_space<vmem_shared>>) offsets(%arg12 : memref<128xi32, #tpu.memory_space<vmem>>) semaphore(%arg22 : memref<!tpu.dma_semaphore, #tpu.memory_space<semaphore_mem>>) {add = true}
      %lt3A_81 = arith.constant 26 : i32
      %lt3A_82 = arith.cmpi slt, %scan3A_39, %lt3A_81 : i32
      %convert_element_type3A_83 = arith.extui %lt3A_82 : i1 to i32
      %cond3A_84 = arith.constant 0 : i32
      %cond3A_85 = arith.cmpi ne, %convert_element_type3A_83, %cond3A_84 : i32
      scf.if %cond3A_85 {
        %dma_wait3A_86 = arith.constant 0 : i32
        %dma_wait3A_87 = arith.constant 0 : i32
        %dma_wait3A_88 = tpu.memref_slice %arg16[%dma_wait3A_86, %dma_wait3A_87] : memref<10112x128xf32, #tpu.memory_space<vmem_shared>> -> memref<10112x128xf32, #tpu.memory_space<vmem_shared>>
        tpu.wait_indirect_dma semaphore(%arg21 : memref<!tpu.dma_semaphore, #tpu.memory_space<semaphore_mem>>) src(%arg14 : memref<128x128xf32, #tpu.memory_space<vmem>>) dst(%dma_wait3A_88 : memref<10112x128xf32, #tpu.memory_space<vmem_shared>>)
        %add3A_89 = arith.constant 4 : i32
        %add3A_90 = arith.addi %mul3A_41, %add3A_89 : i32
        %mul3A_91 = arith.constant 128 : i32
        %mul3A_92 = arith.muli %add3A_90, %mul3A_91 : i32
        %add3A_93 = arith.addi %mul3A_2, %mul3A_92 : i32
        %multiple_of3A_94 = tpu.assume_multiple %add3A_93, 8 : i32
        "tpu.region"() ({
          %run_scoped3A = tpu.sem_alloc : memref<!tpu.dma_semaphore, #tpu.memory_space<semaphore_mem>>
          %dma_start3A_104 = tpu.memref_slice %arg3[%multiple_of3A_94] : memref<331776xi32, #tpu.memory_space<hbm>> -> memref<128xi32, #tpu.memory_space<hbm>>
          %dma_start3A_105 = tpu.memref_slice %arg3[%multiple_of3A_94] : memref<331776xi32, #tpu.memory_space<hbm>> -> memref<128xi32, #tpu.memory_space<hbm>>
          tpu.enqueue_dma source(%dma_start3A_105 : memref<128xi32, #tpu.memory_space<hbm>>) target(%arg8 : memref<128xi32, #tpu.memory_space<vmem>>) target_semaphore(%run_scoped3A : memref<!tpu.dma_semaphore, #tpu.memory_space<semaphore_mem>>)
          %dma_wait3A_106 = tpu.memref_slice %arg3[%multiple_of3A_94] : memref<331776xi32, #tpu.memory_space<hbm>> -> memref<128xi32, #tpu.memory_space<hbm>>
          %dma_wait3A_107 = tpu.memref_slice %arg3[%multiple_of3A_94] : memref<331776xi32, #tpu.memory_space<hbm>> -> memref<128xi32, #tpu.memory_space<hbm>>
          tpu.wait_dma2 semaphore(%run_scoped3A : memref<!tpu.dma_semaphore, #tpu.memory_space<semaphore_mem>>) src(%dma_wait3A_107 : memref<128xi32, #tpu.memory_space<hbm>>) dst(%arg8 : memref<128xi32, #tpu.memory_space<vmem>>)
          tpu.yield
        }) : () -> ()
        %add3A_95 = arith.constant 4 : i32
        %add3A_96 = arith.addi %mul3A_41, %add3A_95 : i32
        %mul3A_97 = arith.constant 128 : i32
        %mul3A_98 = arith.muli %add3A_96, %mul3A_97 : i32
        %add3A_99 = arith.addi %mul3A_2, %mul3A_98 : i32
        %multiple_of3A_100 = tpu.assume_multiple %add3A_99, 8 : i32
        "tpu.region"() ({
          %run_scoped3A = tpu.sem_alloc : memref<!tpu.dma_semaphore, #tpu.memory_space<semaphore_mem>>
          %dma_start3A_104 = tpu.memref_slice %arg4[%multiple_of3A_100] : memref<331776xi32, #tpu.memory_space<hbm>> -> memref<128xi32, #tpu.memory_space<hbm>>
          %dma_start3A_105 = tpu.memref_slice %arg4[%multiple_of3A_100] : memref<331776xi32, #tpu.memory_space<hbm>> -> memref<128xi32, #tpu.memory_space<hbm>>
          tpu.enqueue_dma source(%dma_start3A_105 : memref<128xi32, #tpu.memory_space<hbm>>) target(%arg11 : memref<128xi32, #tpu.memory_space<vmem>>) target_semaphore(%run_scoped3A : memref<!tpu.dma_semaphore, #tpu.memory_space<semaphore_mem>>)
          %dma_wait3A_106 = tpu.memref_slice %arg4[%multiple_of3A_100] : memref<331776xi32, #tpu.memory_space<hbm>> -> memref<128xi32, #tpu.memory_space<hbm>>
          %dma_wait3A_107 = tpu.memref_slice %arg4[%multiple_of3A_100] : memref<331776xi32, #tpu.memory_space<hbm>> -> memref<128xi32, #tpu.memory_space<hbm>>
          tpu.wait_dma2 semaphore(%run_scoped3A : memref<!tpu.dma_semaphore, #tpu.memory_space<semaphore_mem>>) src(%dma_wait3A_107 : memref<128xi32, #tpu.memory_space<hbm>>) dst(%arg11 : memref<128xi32, #tpu.memory_space<vmem>>)
          tpu.yield
        }) : () -> ()
        %dma_start3A_101 = arith.constant 0 : i32
        %dma_start3A_102 = arith.constant 0 : i32
        %dma_start3A_103 = tpu.memref_slice %arg2[%dma_start3A_101, %dma_start3A_102] : memref<10000x128xf32, #tpu.memory_space<hbm>> -> memref<10000x128xf32, #tpu.memory_space<hbm>>
        tpu.enqueue_indirect_dma source(%dma_start3A_103 : memref<10000x128xf32, #tpu.memory_space<hbm>>) target(%arg14 : memref<128x128xf32, #tpu.memory_space<vmem>>) offsets(%arg8 : memref<128xi32, #tpu.memory_space<vmem>>) semaphore(%arg18 : memref<!tpu.dma_semaphore, #tpu.memory_space<semaphore_mem>>)
      } else {
      }
    }
    %scan3A_25 = arith.constant 27 : i32
    %dma_wait3A = arith.constant 0 : i32
    %dma_wait3A_26 = arith.constant 0 : i32
    %dma_wait3A_27 = tpu.memref_slice %arg16[%dma_wait3A, %dma_wait3A_26] : memref<10112x128xf32, #tpu.memory_space<vmem_shared>> -> memref<10112x128xf32, #tpu.memory_space<vmem_shared>>
    tpu.wait_indirect_dma semaphore(%arg20 : memref<!tpu.dma_semaphore, #tpu.memory_space<semaphore_mem>>) src(%arg13 : memref<128x128xf32, #tpu.memory_space<vmem>>) dst(%dma_wait3A_27 : memref<10112x128xf32, #tpu.memory_space<vmem_shared>>)
    %dma_wait3A_28 = arith.constant 0 : i32
    %dma_wait3A_29 = arith.constant 0 : i32
    %dma_wait3A_30 = tpu.memref_slice %arg16[%dma_wait3A_28, %dma_wait3A_29] : memref<10112x128xf32, #tpu.memory_space<vmem_shared>> -> memref<10112x128xf32, #tpu.memory_space<vmem_shared>>
    tpu.wait_indirect_dma semaphore(%arg21 : memref<!tpu.dma_semaphore, #tpu.memory_space<semaphore_mem>>) src(%arg14 : memref<128x128xf32, #tpu.memory_space<vmem>>) dst(%dma_wait3A_30 : memref<10112x128xf32, #tpu.memory_space<vmem_shared>>)
    %dma_wait3A_31 = arith.constant 0 : i32
    %dma_wait3A_32 = arith.constant 0 : i32
    %dma_wait3A_33 = tpu.memref_slice %arg16[%dma_wait3A_31, %dma_wait3A_32] : memref<10112x128xf32, #tpu.memory_space<vmem_shared>> -> memref<10112x128xf32, #tpu.memory_space<vmem_shared>>
    tpu.wait_indirect_dma semaphore(%arg22 : memref<!tpu.dma_semaphore, #tpu.memory_space<semaphore_mem>>) src(%arg15 : memref<128x128xf32, #tpu.memory_space<vmem>>) dst(%dma_wait3A_33 : memref<10112x128xf32, #tpu.memory_space<vmem_shared>>)
    %barrier3A_34 = arith.constant 0 : index
    tpu.barrier barrier_id(%barrier3A_34)
    %mul3A_35 = arith.constant 632 : i32
    %mul3A_36 = arith.muli %arg1, %mul3A_35 : i32
    %mul3A_37 = arith.constant 632 : i32
    %mul3A_38 = arith.muli %arg1, %mul3A_37 : i32
    "tpu.region"() ({
      %run_scoped3A = tpu.sem_alloc : memref<!tpu.dma_semaphore, #tpu.memory_space<semaphore_mem>>
      %dma_start3A_39 = arith.constant 0 : i32
      %dma_start3A_40 = tpu.memref_slice %arg6[%arg0, %mul3A_38, %dma_start3A_39] : memref<2x10112x128xf32, #tpu.memory_space<hbm>> -> memref<1x632x128xf32, #tpu.memory_space<hbm>>
      %dma_start3A_41 = tpu.memref_squeeze %dma_start3A_40 : memref<1x632x128xf32, #tpu.memory_space<hbm>> -> memref<632x128xf32, #tpu.memory_space<hbm>>
      %dma_start3A_42 = arith.constant 0 : i32
      %dma_start3A_43 = tpu.memref_slice %arg16[%mul3A_36, %dma_start3A_42] : memref<10112x128xf32, #tpu.memory_space<vmem_shared>> -> memref<632x128xf32, #tpu.memory_space<vmem_shared>>
      tpu.enqueue_dma source(%dma_start3A_43 : memref<632x128xf32, #tpu.memory_space<vmem_shared>>) target(%dma_start3A_41 : memref<632x128xf32, #tpu.memory_space<hbm>>) target_semaphore(%run_scoped3A : memref<!tpu.dma_semaphore, #tpu.memory_space<semaphore_mem>>)
      %dma_wait3A_44 = arith.constant 0 : i32
      %dma_wait3A_45 = tpu.memref_slice %arg6[%arg0, %mul3A_38, %dma_wait3A_44] : memref<2x10112x128xf32, #tpu.memory_space<hbm>> -> memref<1x632x128xf32, #tpu.memory_space<hbm>>
      %dma_wait3A_46 = tpu.memref_squeeze %dma_wait3A_45 : memref<1x632x128xf32, #tpu.memory_space<hbm>> -> memref<632x128xf32, #tpu.memory_space<hbm>>
      %dma_wait3A_47 = arith.constant 0 : i32
      %dma_wait3A_48 = tpu.memref_slice %arg16[%mul3A_36, %dma_wait3A_47] : memref<10112x128xf32, #tpu.memory_space<vmem_shared>> -> memref<632x128xf32, #tpu.memory_space<vmem_shared>>
      tpu.wait_dma2 semaphore(%run_scoped3A : memref<!tpu.dma_semaphore, #tpu.memory_space<semaphore_mem>>) src(%dma_wait3A_48 : memref<632x128xf32, #tpu.memory_space<vmem_shared>>) dst(%dma_wait3A_46 : memref<632x128xf32, #tpu.memory_space<hbm>>)
      tpu.yield
    }) : () -> ()
    return
  }
}

module attributes {stable_mosaic.version = 14 : i64} {
  func.func @body(%arg0: memref<2x10112x128xf32, #tpu.memory_space<vmem>>, %arg1: memref<10000x128xf32, #tpu.memory_space<vmem>>, %arg2: memref<10000x1xf32, #tpu.memory_space<vmem>>, %arg3: memref<128xf32, #tpu.memory_space<vmem>>, %arg4: memref<128xf32, #tpu.memory_space<vmem>>, %arg5: memref<128xf32, #tpu.memory_space<vmem>>, %arg6: memref<128x128xf32, #tpu.memory_space<vmem>>, %arg7: memref<10000x128xf32, #tpu.memory_space<vmem>>, %arg8: memref<10000x128xf32, #tpu.memory_space<vmem>>, %arg9: memref<10000x128xf32, #tpu.memory_space<vmem>>) attributes {dimension_semantics = [], scalar_prefetch = 0 : i64, scratch_operands = 0 : i64, tpu.core_type = #tpu.core_type<tc>} {
    %get3A = arith.constant 0 : index
    %get3A_0 = arith.constant 0 : index
    %get3A_1 = vector.load %arg2[%get3A, %get3A_0] : memref<10000x1xf32, #tpu.memory_space<vmem>>, vector<10000x1xf32>
    %get3A_2 = arith.constant 0 : index
    %get3A_3 = arith.constant 0 : index
    %get3A_4 = arith.constant 0 : index
    %get3A_5 = vector.load %arg0[%get3A_2, %get3A_3, %get3A_4] : memref<2x10112x128xf32, #tpu.memory_space<vmem>>, vector<1x10000x128xf32>
    %get3A_6 = vector.shape_cast %get3A_5 : vector<1x10000x128xf32> to vector<10000x128xf32>
    %get3A_7 = arith.constant 1 : index
    %get3A_8 = arith.constant 0 : index
    %get3A_9 = arith.constant 0 : index
    %get3A_10 = vector.load %arg0[%get3A_7, %get3A_8, %get3A_9] : memref<2x10112x128xf32, #tpu.memory_space<vmem>>, vector<1x10000x128xf32>
    %get3A_11 = vector.shape_cast %get3A_10 : vector<1x10000x128xf32> to vector<10000x128xf32>
    %add3A = arith.addf %get3A_6, %get3A_11 : vector<10000x128xf32>
    %mul3A = vector.broadcast %get3A_1 : vector<10000x1xf32> to vector<10000x128xf32>
    %mul3A_12 = arith.mulf %mul3A, %add3A : vector<10000x128xf32>
    %mul3A_13 = arith.mulf %get3A_1, %get3A_1 : vector<10000x1xf32>
    %get3A_14 = arith.constant 0 : index
    %get3A_15 = arith.constant 0 : index
    %get3A_16 = vector.load %arg1[%get3A_14, %get3A_15] : memref<10000x128xf32, #tpu.memory_space<vmem>>, vector<10000x128xf32>
    %mul3A_17 = vector.broadcast %mul3A_13 : vector<10000x1xf32> to vector<10000x128xf32>
    %mul3A_18 = arith.mulf %mul3A_17, %get3A_16 : vector<10000x128xf32>
    %add3A_19 = arith.addf %mul3A_12, %mul3A_18 : vector<10000x128xf32>
    %get3A_20 = arith.constant 0 : index
    %get3A_21 = vector.load %arg3[%get3A_20] : memref<128xf32, #tpu.memory_space<vmem>>, vector<128xf32>
    %broadcast_in_dim3A = vector.shape_cast %get3A_21 : vector<128xf32> to vector<1x128xf32>
    %add3A_22 = vector.broadcast %broadcast_in_dim3A : vector<1x128xf32> to vector<10000x128xf32>
    %add3A_23 = arith.addf %add3A_19, %add3A_22 : vector<10000x128xf32>
    %get3A_24 = arith.constant 0 : index
    %get3A_25 = vector.load %arg4[%get3A_24] : memref<128xf32, #tpu.memory_space<vmem>>, vector<128xf32>
    %get3A_26 = arith.constant 0 : index
    %get3A_27 = vector.load %arg5[%get3A_26] : memref<128xf32, #tpu.memory_space<vmem>>, vector<128xf32>
    %reduce_sum3A = arith.constant dense<0.000000e+00> : vector<128xf32>
    %reduce_sum3A_28 = vector.multi_reduction <add>, %add3A_23, %reduce_sum3A [0] : vector<10000x128xf32> to vector<128xf32>
    %div3A = arith.constant 1.000000e+04 : f32
    %div3A_29 = vector.broadcast %div3A : f32 to vector<128xf32>
    %div3A_30 = arith.divf %reduce_sum3A_28, %div3A_29 : vector<128xf32>
    %jit3A = arith.constant 0 : i32
    %reduce_sum3A_31 = arith.constant dense<0.000000e+00> : vector<128xf32>
    %reduce_sum3A_32 = vector.multi_reduction <add>, %add3A_23, %reduce_sum3A_31 [0] : vector<10000x128xf32> to vector<128xf32>
    %broadcast_in_dim3A_33 = vector.shape_cast %reduce_sum3A_32 : vector<128xf32> to vector<1x128xf32>
    %div3A_34 = arith.constant 1.000000e+04 : f32
    %div3A_35 = vector.broadcast %div3A_34 : f32 to vector<1x128xf32>
    %div3A_36 = arith.divf %broadcast_in_dim3A_33, %div3A_35 : vector<1x128xf32>
    %sub3A = vector.broadcast %div3A_36 : vector<1x128xf32> to vector<10000x128xf32>
    %sub3A_37 = arith.subf %add3A_23, %sub3A : vector<10000x128xf32>
    %square3A = arith.mulf %sub3A_37, %sub3A_37 : vector<10000x128xf32>
    %convert_element_type3A = arith.sitofp %jit3A : i32 to f32
    %sub3A_38 = arith.constant 1.000000e+04 : f32
    %sub3A_39 = arith.subf %sub3A_38, %convert_element_type3A : f32
    %reduce_sum3A_40 = arith.constant dense<0.000000e+00> : vector<128xf32>
    %reduce_sum3A_41 = vector.multi_reduction <add>, %square3A, %reduce_sum3A_40 [0] : vector<10000x128xf32> to vector<128xf32>
    %div3A_42 = vector.broadcast %sub3A_39 : f32 to vector<128xf32>
    %div3A_43 = arith.divf %reduce_sum3A_41, %div3A_42 : vector<128xf32>
    %gt3A = arith.constant 0.000000e+00 : f32
    %gt3A_44 = arith.cmpf ogt, %sub3A_39, %gt3A : f32
    %jit3A_45 = arith.constant 0x7FC00000 : f32
    %broadcast_in_dim3A_46 = vector.broadcast %jit3A_45 : f32 to vector<128xf32>
    %select_n3A = arith.select %gt3A_44, %div3A_43, %broadcast_in_dim3A_46 : vector<128xf32>
    %broadcast_in_dim3A_47 = vector.shape_cast %div3A_30 : vector<128xf32> to vector<1x128xf32>
    %sub3A_48 = vector.broadcast %broadcast_in_dim3A_47 : vector<1x128xf32> to vector<10000x128xf32>
    %sub3A_49 = arith.subf %add3A_23, %sub3A_48 : vector<10000x128xf32>
    %add3A_50 = arith.constant 9.99999974E-6 : f32
    %add3A_51 = vector.broadcast %add3A_50 : f32 to vector<128xf32>
    %add3A_52 = arith.addf %select_n3A, %add3A_51 : vector<128xf32>
    %sqrt3A = math.sqrt %add3A_52 : vector<128xf32>
    %broadcast_in_dim3A_53 = vector.shape_cast %sqrt3A : vector<128xf32> to vector<1x128xf32>
    %div3A_54 = vector.broadcast %broadcast_in_dim3A_53 : vector<1x128xf32> to vector<10000x128xf32>
    %div3A_55 = arith.divf %sub3A_49, %div3A_54 : vector<10000x128xf32>
    %broadcast_in_dim3A_56 = vector.shape_cast %get3A_25 : vector<128xf32> to vector<1x128xf32>
    %mul3A_57 = vector.broadcast %broadcast_in_dim3A_56 : vector<1x128xf32> to vector<10000x128xf32>
    %mul3A_58 = arith.mulf %div3A_55, %mul3A_57 : vector<10000x128xf32>
    %broadcast_in_dim3A_59 = vector.shape_cast %get3A_27 : vector<128xf32> to vector<1x128xf32>
    %add3A_60 = vector.broadcast %broadcast_in_dim3A_59 : vector<1x128xf32> to vector<10000x128xf32>
    %add3A_61 = arith.addf %mul3A_58, %add3A_60 : vector<10000x128xf32>
    %max3A = arith.constant 0.000000e+00 : f32
    %max3A_62 = vector.broadcast %max3A : f32 to vector<10000x128xf32>
    %max3A_63 = arith.maximumf %add3A_61, %max3A_62 : vector<10000x128xf32>
    %get3A_64 = arith.constant 0 : index
    %get3A_65 = arith.constant 0 : index
    %get3A_66 = vector.load %arg6[%get3A_64, %get3A_65] : memref<128x128xf32, #tpu.memory_space<vmem>>, vector<128x128xf32>
    %dot_general3A = arith.constant dense<0.000000e+00> : vector<10000x128xf32>
    %dot_general3A_67 = tpu.matmul %max3A_63, %get3A_66, %dot_general3A {dimension_numbers = #tpu.dot_dimension_numbers<[1], [0], [0], [1], [0, 0, 1, 1], [], []>, transpose_lhs_hint = false} : vector<10000x128xf32>, vector<128x128xf32>, vector<10000x128xf32> -> vector<10000x128xf32>
    %swap3A = arith.constant 0 : index
    %swap3A_68 = arith.constant 0 : index
    %swap3A_69 = vector.load %arg7[%swap3A, %swap3A_68] : memref<10000x128xf32, #tpu.memory_space<vmem>>, vector<10000x128xf32>
    tpu.vector_store %arg7[%swap3A, %swap3A_68], %max3A_63 {strides = array<i32>} : memref<10000x128xf32, #tpu.memory_space<vmem>>, vector<10000x128xf32>,
    %swap3A_70 = arith.constant 0 : index
    %swap3A_71 = arith.constant 0 : index
    %swap3A_72 = vector.load %arg8[%swap3A_70, %swap3A_71] : memref<10000x128xf32, #tpu.memory_space<vmem>>, vector<10000x128xf32>
    tpu.vector_store %arg8[%swap3A_70, %swap3A_71], %dot_general3A_67 {strides = array<i32>} : memref<10000x128xf32, #tpu.memory_space<vmem>>, vector<10000x128xf32>,
    %mul3A_73 = vector.broadcast %get3A_1 : vector<10000x1xf32> to vector<10000x128xf32>
    %mul3A_74 = arith.mulf %dot_general3A_67, %mul3A_73 : vector<10000x128xf32>
    %swap3A_75 = arith.constant 0 : index
    %swap3A_76 = arith.constant 0 : index
    %swap3A_77 = vector.load %arg9[%swap3A_75, %swap3A_76] : memref<10000x128xf32, #tpu.memory_space<vmem>>, vector<10000x128xf32>
    tpu.vector_store %arg9[%swap3A_75, %swap3A_76], %mul3A_74 {strides = array<i32>} : memref<10000x128xf32, #tpu.memory_space<vmem>>, vector<10000x128xf32>,
    return
  }
}

module attributes {stable_mosaic.version = 14 : i64} {
  func.func @body(%arg0: memref<2x10112x128xf32, #tpu.memory_space<vmem>>, %arg1: memref<10000x128xf32, #tpu.memory_space<vmem>>, %arg2: memref<128x128xf32, #tpu.memory_space<vmem>>, %arg3: memref<10000x1xf32, #tpu.memory_space<vmem>>, %arg4: memref<10000x128xf32, #tpu.memory_space<vmem>>, %arg5: memref<10000x128xf32, #tpu.memory_space<vmem>>) attributes {dimension_semantics = [], scalar_prefetch = 0 : i64, scratch_operands = 0 : i64, tpu.core_type = #tpu.core_type<tc>} {
    %get3A = arith.constant 0 : index
    %get3A_0 = arith.constant 0 : index
    %get3A_1 = arith.constant 0 : index
    %get3A_2 = vector.load %arg0[%get3A, %get3A_0, %get3A_1] : memref<2x10112x128xf32, #tpu.memory_space<vmem>>, vector<1x10000x1xf32>
    %get3A_3 = vector.shape_cast %get3A_2 : vector<1x10000x1xf32> to vector<10000x1xf32>
    %get3A_4 = arith.constant 1 : index
    %get3A_5 = arith.constant 0 : index
    %get3A_6 = arith.constant 0 : index
    %get3A_7 = vector.load %arg0[%get3A_4, %get3A_5, %get3A_6] : memref<2x10112x128xf32, #tpu.memory_space<vmem>>, vector<1x10000x1xf32>
    %get3A_8 = vector.shape_cast %get3A_7 : vector<1x10000x1xf32> to vector<10000x1xf32>
    %add3A = arith.addf %get3A_3, %get3A_8 : vector<10000x1xf32>
    %add3A_9 = arith.constant 1.000000e+00 : f32
    %add3A_10 = vector.broadcast %add3A_9 : f32 to vector<10000x1xf32>
    %add3A_11 = arith.addf %add3A, %add3A_10 : vector<10000x1xf32>
    %rsqrt3A = math.rsqrt %add3A_11 : vector<10000x1xf32>
    %get3A_12 = arith.constant 0 : index
    %get3A_13 = arith.constant 0 : index
    %get3A_14 = vector.load %arg1[%get3A_12, %get3A_13] : memref<10000x128xf32, #tpu.memory_space<vmem>>, vector<10000x128xf32>
    %get3A_15 = arith.constant 0 : index
    %get3A_16 = arith.constant 0 : index
    %get3A_17 = vector.load %arg2[%get3A_15, %get3A_16] : memref<128x128xf32, #tpu.memory_space<vmem>>, vector<128x128xf32>
    %dot_general3A = arith.constant dense<0.000000e+00> : vector<10000x128xf32>
    %dot_general3A_18 = tpu.matmul %get3A_14, %get3A_17, %dot_general3A {dimension_numbers = #tpu.dot_dimension_numbers<[1], [0], [0], [1], [0, 0, 1, 1], [], []>, transpose_lhs_hint = false} : vector<10000x128xf32>, vector<128x128xf32>, vector<10000x128xf32> -> vector<10000x128xf32>
    %swap3A = arith.constant 0 : index
    %swap3A_19 = arith.constant 0 : index
    %swap3A_20 = vector.load %arg3[%swap3A, %swap3A_19] : memref<10000x1xf32, #tpu.memory_space<vmem>>, vector<10000x1xf32>
    tpu.vector_store %arg3[%swap3A, %swap3A_19], %rsqrt3A {strides = array<i32>} : memref<10000x1xf32, #tpu.memory_space<vmem>>, vector<10000x1xf32>,
    %swap3A_21 = arith.constant 0 : index
    %swap3A_22 = arith.constant 0 : index
    %swap3A_23 = vector.load %arg4[%swap3A_21, %swap3A_22] : memref<10000x128xf32, #tpu.memory_space<vmem>>, vector<10000x128xf32>
    tpu.vector_store %arg4[%swap3A_21, %swap3A_22], %dot_general3A_18 {strides = array<i32>} : memref<10000x128xf32, #tpu.memory_space<vmem>>, vector<10000x128xf32>,
    %mul3A = vector.broadcast %rsqrt3A : vector<10000x1xf32> to vector<10000x128xf32>
    %mul3A_24 = arith.mulf %dot_general3A_18, %mul3A : vector<10000x128xf32>
    %swap3A_25 = arith.constant 0 : index
    %swap3A_26 = arith.constant 0 : index
    %swap3A_27 = vector.load %arg5[%swap3A_25, %swap3A_26] : memref<10000x128xf32, #tpu.memory_space<vmem>>, vector<10000x128xf32>
    tpu.vector_store %arg5[%swap3A_25, %swap3A_26], %mul3A_24 {strides = array<i32>} : memref<10000x128xf32, #tpu.memory_space<vmem>>, vector<10000x128xf32>,
    return
  }
}

module attributes {stable_mosaic.version = 14 : i64} {
  func.func @body(%arg0: memref<2x10112x128xf32, #tpu.memory_space<vmem>>, %arg1: memref<10000x128xf32, #tpu.memory_space<vmem>>, %arg2: memref<10000x128xf32, #tpu.memory_space<vmem>>, %arg3: memref<10000x1xf32, #tpu.memory_space<vmem>>, %arg4: memref<128xf32, #tpu.memory_space<vmem>>, %arg5: memref<128xf32, #tpu.memory_space<vmem>>, %arg6: memref<128xf32, #tpu.memory_space<vmem>>, %arg7: memref<128x1xf32, #tpu.memory_space<vmem>>, %arg8: memref<1xf32, #tpu.memory_space<vmem>>, %arg9: memref<10000x128xf32, #tpu.memory_space<vmem>>, %arg10: memref<10000x1xf32, #tpu.memory_space<vmem>>, %arg11: memref<10000x128xf32, #tpu.memory_space<vmem>>) attributes {dimension_semantics = [], scalar_prefetch = 0 : i64, scratch_operands = 0 : i64, tpu.core_type = #tpu.core_type<tc>} {
    %get3A = arith.constant 0 : index
    %get3A_0 = arith.constant 0 : index
    %get3A_1 = vector.load %arg3[%get3A, %get3A_0] : memref<10000x1xf32, #tpu.memory_space<vmem>>, vector<10000x1xf32>
    %get3A_2 = arith.constant 0 : index
    %get3A_3 = arith.constant 0 : index
    %get3A_4 = arith.constant 0 : index
    %get3A_5 = vector.load %arg0[%get3A_2, %get3A_3, %get3A_4] : memref<2x10112x128xf32, #tpu.memory_space<vmem>>, vector<1x10000x128xf32>
    %get3A_6 = vector.shape_cast %get3A_5 : vector<1x10000x128xf32> to vector<10000x128xf32>
    %get3A_7 = arith.constant 1 : index
    %get3A_8 = arith.constant 0 : index
    %get3A_9 = arith.constant 0 : index
    %get3A_10 = vector.load %arg0[%get3A_7, %get3A_8, %get3A_9] : memref<2x10112x128xf32, #tpu.memory_space<vmem>>, vector<1x10000x128xf32>
    %get3A_11 = vector.shape_cast %get3A_10 : vector<1x10000x128xf32> to vector<10000x128xf32>
    %add3A = arith.addf %get3A_6, %get3A_11 : vector<10000x128xf32>
    %mul3A = vector.broadcast %get3A_1 : vector<10000x1xf32> to vector<10000x128xf32>
    %mul3A_12 = arith.mulf %mul3A, %add3A : vector<10000x128xf32>
    %mul3A_13 = arith.mulf %get3A_1, %get3A_1 : vector<10000x1xf32>
    %get3A_14 = arith.constant 0 : index
    %get3A_15 = arith.constant 0 : index
    %get3A_16 = vector.load %arg1[%get3A_14, %get3A_15] : memref<10000x128xf32, #tpu.memory_space<vmem>>, vector<10000x128xf32>
    %mul3A_17 = vector.broadcast %mul3A_13 : vector<10000x1xf32> to vector<10000x128xf32>
    %mul3A_18 = arith.mulf %mul3A_17, %get3A_16 : vector<10000x128xf32>
    %add3A_19 = arith.addf %mul3A_12, %mul3A_18 : vector<10000x128xf32>
    %get3A_20 = arith.constant 0 : index
    %get3A_21 = vector.load %arg4[%get3A_20] : memref<128xf32, #tpu.memory_space<vmem>>, vector<128xf32>
    %broadcast_in_dim3A = vector.shape_cast %get3A_21 : vector<128xf32> to vector<1x128xf32>
    %add3A_22 = vector.broadcast %broadcast_in_dim3A : vector<1x128xf32> to vector<10000x128xf32>
    %add3A_23 = arith.addf %add3A_19, %add3A_22 : vector<10000x128xf32>
    %get3A_24 = arith.constant 0 : index
    %get3A_25 = vector.load %arg5[%get3A_24] : memref<128xf32, #tpu.memory_space<vmem>>, vector<128xf32>
    %get3A_26 = arith.constant 0 : index
    %get3A_27 = vector.load %arg6[%get3A_26] : memref<128xf32, #tpu.memory_space<vmem>>, vector<128xf32>
    %reduce_sum3A = arith.constant dense<0.000000e+00> : vector<128xf32>
    %reduce_sum3A_28 = vector.multi_reduction <add>, %add3A_23, %reduce_sum3A [0] : vector<10000x128xf32> to vector<128xf32>
    %div3A = arith.constant 1.000000e+04 : f32
    %div3A_29 = vector.broadcast %div3A : f32 to vector<128xf32>
    %div3A_30 = arith.divf %reduce_sum3A_28, %div3A_29 : vector<128xf32>
    %jit3A = arith.constant 0 : i32
    %reduce_sum3A_31 = arith.constant dense<0.000000e+00> : vector<128xf32>
    %reduce_sum3A_32 = vector.multi_reduction <add>, %add3A_23, %reduce_sum3A_31 [0] : vector<10000x128xf32> to vector<128xf32>
    %broadcast_in_dim3A_33 = vector.shape_cast %reduce_sum3A_32 : vector<128xf32> to vector<1x128xf32>
    %div3A_34 = arith.constant 1.000000e+04 : f32
    %div3A_35 = vector.broadcast %div3A_34 : f32 to vector<1x128xf32>
    %div3A_36 = arith.divf %broadcast_in_dim3A_33, %div3A_35 : vector<1x128xf32>
    %sub3A = vector.broadcast %div3A_36 : vector<1x128xf32> to vector<10000x128xf32>
    %sub3A_37 = arith.subf %add3A_23, %sub3A : vector<10000x128xf32>
    %square3A = arith.mulf %sub3A_37, %sub3A_37 : vector<10000x128xf32>
    %convert_element_type3A = arith.sitofp %jit3A : i32 to f32
    %sub3A_38 = arith.constant 1.000000e+04 : f32
    %sub3A_39 = arith.subf %sub3A_38, %convert_element_type3A : f32
    %reduce_sum3A_40 = arith.constant dense<0.000000e+00> : vector<128xf32>
    %reduce_sum3A_41 = vector.multi_reduction <add>, %square3A, %reduce_sum3A_40 [0] : vector<10000x128xf32> to vector<128xf32>
    %div3A_42 = vector.broadcast %sub3A_39 : f32 to vector<128xf32>
    %div3A_43 = arith.divf %reduce_sum3A_41, %div3A_42 : vector<128xf32>
    %gt3A = arith.constant 0.000000e+00 : f32
    %gt3A_44 = arith.cmpf ogt, %sub3A_39, %gt3A : f32
    %jit3A_45 = arith.constant 0x7FC00000 : f32
    %broadcast_in_dim3A_46 = vector.broadcast %jit3A_45 : f32 to vector<128xf32>
    %select_n3A = arith.select %gt3A_44, %div3A_43, %broadcast_in_dim3A_46 : vector<128xf32>
    %broadcast_in_dim3A_47 = vector.shape_cast %div3A_30 : vector<128xf32> to vector<1x128xf32>
    %sub3A_48 = vector.broadcast %broadcast_in_dim3A_47 : vector<1x128xf32> to vector<10000x128xf32>
    %sub3A_49 = arith.subf %add3A_23, %sub3A_48 : vector<10000x128xf32>
    %add3A_50 = arith.constant 9.99999974E-6 : f32
    %add3A_51 = vector.broadcast %add3A_50 : f32 to vector<128xf32>
    %add3A_52 = arith.addf %select_n3A, %add3A_51 : vector<128xf32>
    %sqrt3A = math.sqrt %add3A_52 : vector<128xf32>
    %broadcast_in_dim3A_53 = vector.shape_cast %sqrt3A : vector<128xf32> to vector<1x128xf32>
    %div3A_54 = vector.broadcast %broadcast_in_dim3A_53 : vector<1x128xf32> to vector<10000x128xf32>
    %div3A_55 = arith.divf %sub3A_49, %div3A_54 : vector<10000x128xf32>
    %broadcast_in_dim3A_56 = vector.shape_cast %get3A_25 : vector<128xf32> to vector<1x128xf32>
    %mul3A_57 = vector.broadcast %broadcast_in_dim3A_56 : vector<1x128xf32> to vector<10000x128xf32>
    %mul3A_58 = arith.mulf %div3A_55, %mul3A_57 : vector<10000x128xf32>
    %broadcast_in_dim3A_59 = vector.shape_cast %get3A_27 : vector<128xf32> to vector<1x128xf32>
    %add3A_60 = vector.broadcast %broadcast_in_dim3A_59 : vector<1x128xf32> to vector<10000x128xf32>
    %add3A_61 = arith.addf %mul3A_58, %add3A_60 : vector<10000x128xf32>
    %max3A = arith.constant 0.000000e+00 : f32
    %max3A_62 = vector.broadcast %max3A : f32 to vector<10000x128xf32>
    %max3A_63 = arith.maximumf %add3A_61, %max3A_62 : vector<10000x128xf32>
    %get3A_64 = arith.constant 0 : index
    %get3A_65 = arith.constant 0 : index
    %get3A_66 = vector.load %arg2[%get3A_64, %get3A_65] : memref<10000x128xf32, #tpu.memory_space<vmem>>, vector<10000x128xf32>
    %add3A_67 = arith.addf %max3A_63, %get3A_66 : vector<10000x128xf32>
    %get3A_68 = arith.constant 0 : index
    %get3A_69 = arith.constant 0 : index
    %get3A_70 = vector.load %arg7[%get3A_68, %get3A_69] : memref<128x1xf32, #tpu.memory_space<vmem>>, vector<128x1xf32>
    %dot_general3A = arith.constant dense<0.000000e+00> : vector<10000x1xf32>
    %dot_general3A_71 = tpu.matmul %add3A_67, %get3A_70, %dot_general3A {dimension_numbers = #tpu.dot_dimension_numbers<[1], [0], [0], [1], [0, 0, 1, 1], [], []>, transpose_lhs_hint = false} : vector<10000x128xf32>, vector<128x1xf32>, vector<10000x1xf32> -> vector<10000x1xf32>
    %get3A_72 = arith.constant 0 : index
    %get3A_73 = vector.load %arg8[%get3A_72] : memref<1xf32, #tpu.memory_space<vmem>>, vector<1xf32>
    %broadcast_in_dim3A_74 = vector.shape_cast %get3A_73 : vector<1xf32> to vector<1x1xf32>
    %add3A_75 = vector.broadcast %broadcast_in_dim3A_74 : vector<1x1xf32> to vector<10000x1xf32>
    %add3A_76 = arith.addf %dot_general3A_71, %add3A_75 : vector<10000x1xf32>
    %logistic3A = arith.negf %add3A_76 : vector<10000x1xf32>
    %logistic3A_77 = math.exp %logistic3A : vector<10000x1xf32>
    %logistic3A_78 = arith.constant 1.000000e+00 : f32
    %logistic3A_79 = vector.broadcast %logistic3A_78 : f32 to vector<10000x1xf32>
    %logistic3A_80 = arith.addf %logistic3A_79, %logistic3A_77 : vector<10000x1xf32>
    %logistic3A_81 = arith.divf %logistic3A_79, %logistic3A_80 : vector<10000x1xf32>
    %swap3A = arith.constant 0 : index
    %swap3A_82 = arith.constant 0 : index
    %swap3A_83 = vector.load %arg10[%swap3A, %swap3A_82] : memref<10000x1xf32, #tpu.memory_space<vmem>>, vector<10000x1xf32>
    tpu.vector_store %arg10[%swap3A, %swap3A_82], %logistic3A_81 {strides = array<i32>} : memref<10000x1xf32, #tpu.memory_space<vmem>>, vector<10000x1xf32>,
    %swap3A_84 = arith.constant 0 : index
    %swap3A_85 = arith.constant 0 : index
    %swap3A_86 = vector.load %arg9[%swap3A_84, %swap3A_85] : memref<10000x128xf32, #tpu.memory_space<vmem>>, vector<10000x128xf32>
    tpu.vector_store %arg9[%swap3A_84, %swap3A_85], %add3A_67 {strides = array<i32>} : memref<10000x128xf32, #tpu.memory_space<vmem>>, vector<10000x128xf32>,
    %mul3A_87 = vector.broadcast %get3A_1 : vector<10000x1xf32> to vector<10000x128xf32>
    %mul3A_88 = arith.mulf %add3A_67, %mul3A_87 : vector<10000x128xf32>
    %swap3A_89 = arith.constant 0 : index
    %swap3A_90 = arith.constant 0 : index
    %swap3A_91 = vector.load %arg11[%swap3A_89, %swap3A_90] : memref<10000x128xf32, #tpu.memory_space<vmem>>, vector<10000x128xf32>
    tpu.vector_store %arg11[%swap3A_89, %swap3A_90], %mul3A_88 {strides = array<i32>} : memref<10000x128xf32, #tpu.memory_space<vmem>>, vector<10000x128xf32>,
    return
  }
}

module attributes {stable_mosaic.version = 14 : i64} {
  func.func @body(%arg0: memref<2x10112x128xf32, #tpu.memory_space<vmem>>, %arg1: memref<10000x128xf32, #tpu.memory_space<vmem>>, %arg2: memref<10000x1xf32, #tpu.memory_space<vmem>>, %arg3: memref<128x32xf32, #tpu.memory_space<vmem>>, %arg4: memref<32xf32, #tpu.memory_space<vmem>>, %arg5: memref<128x32xf32, #tpu.memory_space<vmem>>, %arg6: memref<32xf32, #tpu.memory_space<vmem>>, %arg7: memref<10000x32xf32, #tpu.memory_space<vmem>>, %arg8: memref<10000x32xf32, #tpu.memory_space<vmem>>, %arg9: memref<10000x32xf32, #tpu.memory_space<vmem>>, %arg10: memref<10000x32xf32, #tpu.memory_space<vmem>>) attributes {dimension_semantics = [], scalar_prefetch = 0 : i64, scratch_operands = 0 : i64, tpu.core_type = #tpu.core_type<tc>} {
    %get3A = arith.constant 0 : index
    %get3A_0 = arith.constant 0 : index
    %get3A_1 = vector.load %arg2[%get3A, %get3A_0] : memref<10000x1xf32, #tpu.memory_space<vmem>>, vector<10000x1xf32>
    %get3A_2 = arith.constant 0 : index
    %get3A_3 = arith.constant 0 : index
    %get3A_4 = arith.constant 0 : index
    %get3A_5 = vector.load %arg0[%get3A_2, %get3A_3, %get3A_4] : memref<2x10112x128xf32, #tpu.memory_space<vmem>>, vector<1x10000x128xf32>
    %get3A_6 = vector.shape_cast %get3A_5 : vector<1x10000x128xf32> to vector<10000x128xf32>
    %get3A_7 = arith.constant 1 : index
    %get3A_8 = arith.constant 0 : index
    %get3A_9 = arith.constant 0 : index
    %get3A_10 = vector.load %arg0[%get3A_7, %get3A_8, %get3A_9] : memref<2x10112x128xf32, #tpu.memory_space<vmem>>, vector<1x10000x128xf32>
    %get3A_11 = vector.shape_cast %get3A_10 : vector<1x10000x128xf32> to vector<10000x128xf32>
    %add3A = arith.addf %get3A_6, %get3A_11 : vector<10000x128xf32>
    %mul3A = vector.broadcast %get3A_1 : vector<10000x1xf32> to vector<10000x128xf32>
    %mul3A_12 = arith.mulf %mul3A, %add3A : vector<10000x128xf32>
    %mul3A_13 = arith.mulf %get3A_1, %get3A_1 : vector<10000x1xf32>
    %get3A_14 = arith.constant 0 : index
    %get3A_15 = arith.constant 0 : index
    %get3A_16 = vector.load %arg1[%get3A_14, %get3A_15] : memref<10000x128xf32, #tpu.memory_space<vmem>>, vector<10000x128xf32>
    %mul3A_17 = vector.broadcast %mul3A_13 : vector<10000x1xf32> to vector<10000x128xf32>
    %mul3A_18 = arith.mulf %mul3A_17, %get3A_16 : vector<10000x128xf32>
    %add3A_19 = arith.addf %mul3A_12, %mul3A_18 : vector<10000x128xf32>
    %get3A_20 = arith.constant 0 : index
    %get3A_21 = arith.constant 0 : index
    %get3A_22 = vector.load %arg3[%get3A_20, %get3A_21] : memref<128x32xf32, #tpu.memory_space<vmem>>, vector<128x32xf32>
    %dot_general3A = arith.constant dense<0.000000e+00> : vector<10000x32xf32>
    %dot_general3A_23 = tpu.matmul %add3A_19, %get3A_22, %dot_general3A {dimension_numbers = #tpu.dot_dimension_numbers<[1], [0], [0], [1], [0, 0, 1, 1], [], []>, transpose_lhs_hint = false} : vector<10000x128xf32>, vector<128x32xf32>, vector<10000x32xf32> -> vector<10000x32xf32>
    %get3A_24 = arith.constant 0 : index
    %get3A_25 = vector.load %arg4[%get3A_24] : memref<32xf32, #tpu.memory_space<vmem>>, vector<32xf32>
    %broadcast_in_dim3A = vector.shape_cast %get3A_25 : vector<32xf32> to vector<1x32xf32>
    %add3A_26 = vector.broadcast %broadcast_in_dim3A : vector<1x32xf32> to vector<10000x32xf32>
    %add3A_27 = arith.addf %dot_general3A_23, %add3A_26 : vector<10000x32xf32>
    %get3A_28 = arith.constant 0 : index
    %get3A_29 = arith.constant 0 : index
    %get3A_30 = vector.load %arg5[%get3A_28, %get3A_29] : memref<128x32xf32, #tpu.memory_space<vmem>>, vector<128x32xf32>
    %dot_general3A_31 = arith.constant dense<0.000000e+00> : vector<10000x32xf32>
    %dot_general3A_32 = tpu.matmul %add3A_19, %get3A_30, %dot_general3A_31 {dimension_numbers = #tpu.dot_dimension_numbers<[1], [0], [0], [1], [0, 0, 1, 1], [], []>, transpose_lhs_hint = false} : vector<10000x128xf32>, vector<128x32xf32>, vector<10000x32xf32> -> vector<10000x32xf32>
    %get3A_33 = arith.constant 0 : index
    %get3A_34 = vector.load %arg6[%get3A_33] : memref<32xf32, #tpu.memory_space<vmem>>, vector<32xf32>
    %broadcast_in_dim3A_35 = vector.shape_cast %get3A_34 : vector<32xf32> to vector<1x32xf32>
    %add3A_36 = vector.broadcast %broadcast_in_dim3A_35 : vector<1x32xf32> to vector<10000x32xf32>
    %add3A_37 = arith.addf %dot_general3A_32, %add3A_36 : vector<10000x32xf32>
    %custom_jvp_call3A = arith.constant 0.000000e+00 : f32
    %max3A = vector.broadcast %custom_jvp_call3A : f32 to vector<10000x32xf32>
    %max3A_38 = arith.maximumf %add3A_37, %max3A : vector<10000x32xf32>
    %sub3A = vector.broadcast %custom_jvp_call3A : f32 to vector<10000x32xf32>
    %sub3A_39 = arith.subf %add3A_37, %sub3A : vector<10000x32xf32>
    %ne3A = arith.cmpf one, %sub3A_39, %sub3A_39 : vector<10000x32xf32>
    %add3A_40 = vector.broadcast %custom_jvp_call3A : f32 to vector<10000x32xf32>
    %add3A_41 = arith.addf %add3A_37, %add3A_40 : vector<10000x32xf32>
    %abs3A = math.absf %sub3A_39 : vector<10000x32xf32>
    %neg3A = arith.constant 0.000000e+00 : f32
    %neg3A_42 = vector.broadcast %neg3A : f32 to vector<10000x32xf32>
    %neg3A_43 = arith.subf %neg3A_42, %abs3A : vector<10000x32xf32>
    %exp3A = math.exp %neg3A_43 : vector<10000x32xf32>
    %log1p3A = math.log1p %exp3A : vector<10000x32xf32>
    %add3A_44 = arith.addf %max3A_38, %log1p3A : vector<10000x32xf32>
    %select_n3A = arith.select %ne3A, %add3A_41, %add3A_44 : vector<10000x32xi1>, vector<10000x32xf32>
    %add3A_45 = arith.constant 9.99999997E-7 : f32
    %add3A_46 = vector.broadcast %add3A_45 : f32 to vector<10000x32xf32>
    %add3A_47 = arith.addf %select_n3A, %add3A_46 : vector<10000x32xf32>
    %swap3A = arith.constant 0 : index
    %swap3A_48 = arith.constant 0 : index
    %swap3A_49 = vector.load %arg9[%swap3A, %swap3A_48] : memref<10000x32xf32, #tpu.memory_space<vmem>>, vector<10000x32xf32>
    tpu.vector_store %arg9[%swap3A, %swap3A_48], %add3A_27 {strides = array<i32>} : memref<10000x32xf32, #tpu.memory_space<vmem>>, vector<10000x32xf32>,
    %swap3A_50 = arith.constant 0 : index
    %swap3A_51 = arith.constant 0 : index
    %swap3A_52 = vector.load %arg10[%swap3A_50, %swap3A_51] : memref<10000x32xf32, #tpu.memory_space<vmem>>, vector<10000x32xf32>
    tpu.vector_store %arg10[%swap3A_50, %swap3A_51], %add3A_37 {strides = array<i32>} : memref<10000x32xf32, #tpu.memory_space<vmem>>, vector<10000x32xf32>,
    %get3A_53 = arith.constant 0 : index
    %get3A_54 = arith.constant 0 : index
    %get3A_55 = vector.load %arg7[%get3A_53, %get3A_54] : memref<10000x32xf32, #tpu.memory_space<vmem>>, vector<10000x32xf32>
    %mul3A_56 = arith.mulf %add3A_47, %get3A_55 : vector<10000x32xf32>
    %add3A_57 = arith.addf %add3A_27, %mul3A_56 : vector<10000x32xf32>
    %swap3A_58 = arith.constant 0 : index
    %swap3A_59 = arith.constant 0 : index
    %swap3A_60 = vector.load %arg8[%swap3A_58, %swap3A_59] : memref<10000x32xf32, #tpu.memory_space<vmem>>, vector<10000x32xf32>
    tpu.vector_store %arg8[%swap3A_58, %swap3A_59], %add3A_57 {strides = array<i32>} : memref<10000x32xf32, #tpu.memory_space<vmem>>, vector<10000x32xf32>,
    return
  }
}

</mosaic_0001>

<sc_bundles>
// kernel: kernel.10.cloned.1.call-start
scs
__scs_entry_jumppad:
0x0: {  	(pc) =	sbr.rel $0x88, $3  }
0x1: {  	(tag) =	ssettag $0x0;
	lr =	simm.s32 $0x1  }
0x2: {  	[smem:$0x3F90] =	sst lr;
	_ =	strace $0xD0000000  }
0x3: {  	_ = 	snop  }
0x4: {  	_ = 	snop  }
0x5: {  	_ = 	snop  }
0x6: {  	_ = 	snop  }
0x7: {  	_ = 	snop  }
__scs_overlays_trampoline_lowered:
0x8: {  	[smem:$0x3F9F] =	sst s0  }
0x9: {  	[smem:$0x3FA0] =	sst s1  }
0xa: {  	[smem:$0x3FA1] =	sst s2  }
0xb: {  	[smem:$0x3FA2] =	sst s3  }
0xc: {  	[smem:$0x3FA3] =	sst s4  }
0xd: {  	[smem:$0x3FA4] =	sst s5  }
0xe: {  	[smem:$0x3FA5] =	sst s6  }
0xf: {  	[smem:$0x3FA6] =	sst s7  }
0x10: {  	[smem:$0x3FA7] =	sst s8  }
0x11: {  	[smem:$0x3FA8] =	sst s9;
	s0 =	simm.s32 @!p0 $0x0  }
0x12: {  	s1 =	sld [smem:$0x3F8E];
	s0 =	simm.s32 @p0 $0x1  }
0x13: {  	[smem:$0x3FA9] =	sst s0;
	s0 =	simm.s32 @!p1 $0x0  }
0x14: {  	s2 =	sld [smem:$0x3F8D];
	s0 =	simm.s32 @p1 $0x1  }
0x15: {  	[smem:$0x3FAA] =	sst s0;
	s0 =	simm.s32 @!p2 $0x0  }
0x16: {  	s3 =	sld [smem:$0x3FDB];
	s0 =	simm.s32 @p2 $0x1  }
0x17: {  	s4 =	simm.s32 $0x1BF5;
	[smem:$0x3FAC] =	sst s0  }
0x18: {  	s0 =	sld [smem:$0x3F8F];
	_ =	swait.ge [sflag:s4], $0x0  }
0x19: {  	s7 =	sld [smem:$0x3F90]  }
0x1a: {  	s8 =	sadd.s32 $0xFFFFE003, lr  }
0x1b: {  	s9 =	sadd.s32 $0xFFFFFEF7, lr;
	s5 =	simm.s32 $0xFFFFFFFF;
	p2 =	slt.u32 s8, $0xFFFFF086  }
0x1c: {  	p1 =	slt.u32 s9, $0xF7A;
	s5 =	simm.s32 @!p2 $0x0  }
0x1d: {  	s5 =	simm.s32 @p1 $0x1;
	p0 =	seq.s32 s7, s2  }
0x1e: {  	s7 =	smul.u32 @!p0 $0xF7A, s2;
	p2 =	seq.s32 @!p0 s5, $0x0  }
0x1f: {  	s9 =	smul.u32 $0xF7A, s1;
	s8 =	simm.s32 @!p0 $0x1BF5;
	p2 =	por !p2, p0  }
0x20: {  	[sflag:s8] =	ssyncset.s32 @!p0 $0xFFFFF086;
	s6 =	sadd.s32 @!p0 s3, s7;
	s7 =	simm.s32 @!p0 $0x108  }
0x21: {  	s3 =	sadd.s32 s3, s9;
	s6 =	sadd.s32 @!p0 $0x88, s6;
	s7 =	simm.s32 @p2 $0x1082  }
0x22: {  	[simem:s7], [sflag:s8] =	dma.local @!p0 [hbm:s6], $0xF7A  }
0x23: {  	s9 =	sor.u32 $0xD0000000, s2;
	s6 =	simm.s32 $0x108;
	_ =	swait.ge @!p0 [sflag:s8], $0x0  }
0x24: {  	s3 =	sadd.s32 $0x88, s3;
	s6 =	simm.s32 @!p1 $0x1082;
	[sflag:s4] =	ssyncset.s32 $0xFFFFF086  }
0x25: {  	[simem:s6], [sflag:s4] =	dma.local [hbm:s3], $0xF7A  }
0x26: {  	[smem:$0x3F90] =	sst s1;
	(tag) =	ssettag s2;
	_ =	strace s9  }
0x27: {  	s1 =	sld [smem:$0x3FA0]  }
0x28: {  	s2 =	sld [smem:$0x3FA1]  }
0x29: {  	s4 =	sld [smem:$0x3FA3]  }
0x2a: {  	p0 =	seq.s32 s5, $0x0;
	s5 =	sld [smem:$0x3FA4]  }
0x2b: {  	s6 =	sld [smem:$0x3FA5]  }
0x2c: {  	s7 =	sld [smem:$0x3FA6]  }
0x2d: {  	s3 =	simm.s32 $0x108;
	s8 =	sld [smem:$0x3FA7]  }
0x2e: {  	s3 =	simm.s32 @!p0 $0x1082;
	s9 =	sld [smem:$0x3FA8]  }
0x2f: {  	lr =	sadd.s32 s0, s3;
	s0 =	sld [smem:$0x3F9F]  }
0x30: {  	s3 =	sld [smem:$0x3FA2]  }
0x31: {  	[smem:$0x3FAB] =	sst s10  }
0x32: {  	s10 =	sld [smem:$0x3FA9];
	_ =	sdelay $0x3  }
0x33: {  	p0 =	seq.s32 s10, $0x1;
	s10 =	sld [smem:$0x3FAB];
	_ =	sdelay $0x3  }
0x34: {  	[smem:$0x3FAB] =	sst s10  }
0x35: {  	s10 =	sld [smem:$0x3FAA];
	_ =	sdelay $0x3  }
0x36: {  	p1 =	seq.s32 s10, $0x1;
	s10 =	sld [smem:$0x3FAB];
	_ =	sdelay $0x3  }
0x37: {  	[smem:$0x3FAB] =	sst s10  }
0x38: {  	s10 =	sld [smem:$0x3FAC]  }
0x39: {  	_ = 	snop;
	(pc) =	sbr.ind lr, $3  }
0x3a: {  	_ = 	snop  }
0x3b: {  	_ = 	snop  }
0x3c: {  	p2 =	seq.s32 s10, $0x1;
	s10 =	sld [smem:$0x3FAB]  }
0x3d: {  	_ =	shalt  }
0x3e: {  	_ =	shalt  }
0x3f: {  	_ =	shalt  }
0x40: {  	_ =	shalt  }
0x41: {  	_ =	shalt  }
0x42: {  	_ =	shalt  }
0x43: {  	_ =	shalt  }
0x44: {  	_ =	shalt  }
0x45: {  	_ =	shalt  }
0x46: {  	_ =	shalt  }
0x47: {  	_ =	shalt  }
0x48: {  	_ =	shalt  }
0x49: {  	_ =	shalt  }
0x4a: {  	_ =	shalt  }
0x4b: {  	_ =	shalt  }
0x4c: {  	_ =	shalt  }
0x4d: {  	_ =	shalt  }
0x4e: {  	_ =	shalt  }
0x4f: {  	_ =	shalt  }
0x50: {  	_ =	shalt  }
0x51: {  	_ =	shalt  }
0x52: {  	_ =	shalt  }
0x53: {  	_ =	shalt  }
0x54: {  	_ =	shalt  }
0x55: {  	_ =	shalt  }
0x56: {  	_ =	shalt  }
0x57: {  	_ =	shalt  }
0x58: {  	_ =	shalt  }
0x59: {  	_ =	shalt  }
0x5a: {  	_ =	shalt  }
0x5b: {  	_ =	shalt  }
0x5c: {  	_ =	shalt  }
0x5d: {  	_ =	shalt  }
0x5e: {  	_ =	shalt  }
0x5f: {  	_ =	shalt  }
0x60: {  	_ =	shalt  }
0x61: {  	_ =	shalt  }
0x62: {  	_ =	shalt  }
0x63: {  	_ =	shalt  }
0x64: {  	_ =	shalt  }
0x65: {  	_ =	shalt  }
0x66: {  	_ =	shalt  }
0x67: {  	_ =	shalt  }
0x68: {  	_ =	shalt  }
0x69: {  	_ =	shalt  }
0x6a: {  	_ =	shalt  }
0x6b: {  	_ =	shalt  }
0x6c: {  	_ =	shalt  }
0x6d: {  	_ =	shalt  }
0x6e: {  	_ =	shalt  }
0x6f: {  	_ =	shalt  }
0x70: {  	_ =	shalt  }
0x71: {  	_ =	shalt  }
0x72: {  	_ =	shalt  }
0x73: {  	_ =	shalt  }
0x74: {  	_ =	shalt  }
0x75: {  	_ =	shalt  }
0x76: {  	_ =	shalt  }
0x77: {  	_ =	shalt  }
0x78: {  	_ =	shalt  }
0x79: {  	_ =	shalt  }
0x7a: {  	_ =	shalt  }
0x7b: {  	_ =	shalt  }
0x7c: {  	_ =	shalt  }
0x7d: {  	_ =	shalt  }
0x7e: {  	_ =	shalt  }
0x7f: {  	_ =	shalt  }
0x80: {  	_ =	shalt  }
0x81: {  	_ =	shalt  }
0x82: {  	_ =	shalt  }
0x83: {  	_ =	shalt  }
0x84: {  	_ =	shalt  }
0x85: {  	_ =	shalt  }
0x86: {  	_ =	shalt  }
0x87: {  	_ =	shalt  }
.Lfunc_end0:
.L_simem_size_0:
called_computation_lowered:
.L_overlay_start_0:
0x88: {  	s2 =	sld [smem:$0x3FD9]  }
0x89: {  	s3 =	sld [smem:$0x3FFE];
	_ =	sdelay $0x1  }
0x8a: {  	s1 =	srdreg.scid  }
0x8b: {  	s0 =	sand.u32 $0x1, s1  }
0x8c: {  	s14 =	sshll.u32 s0, $0xA;
	s2 =	sadd.s32 s3, s2  }
0x8d: {  	s2 =	sadd.s32 s2, s14  }
0x8e: {  	[smem:$0x3FB7] =	sst s2  }
0x8f: {  	_ = 	snop  }
0x90: {  	s2 =	sld [smem:$0x3FD0];
	_ =	sdelay $0x2  }
0x91: {  	s15 =	simm.s32 $0xA;
	s4 =	simm.s32 $0x10  }
0x92: {  	[smem:s4], [sflag:s15] =	dma.local [hbm:s2], $0x1  }
0x93: {  	_ =	swait.eq [sflag:s15], $0x1  }
0x94: {  	[sflag:s15] =	ssyncset.done $0x0  }
0x95: {  	s16 =	sld [smem:$0x11];
	[sflag:s15] =	ssyncadd.s32 $0xFFFFFFFF  }
0x96: {  	s17 =	sld [smem:$0x12];
	(tm) =	ssettm $0x1  }
0x97: {  	s18 =	sld [smem:$0x3FFB];
	_ =	sdelay $0x3  }
0x98: {  	_ =	strace s18  }
0x99: {  	s4 =	sld [smem:$0x3FFC];
	_ =	sdelay $0x3  }
0x9a: {  	_ =	strace s4  }
0x9b: {  	s4 =	sld [smem:$0x3FFD];
	_ =	sdelay $0x3  }
0x9c: {  	_ =	strace s4  }
0x9d: {  	_ =	strace $0x8FFFFFFF  }
0x9e: {  	s19 =	sld [smem:$0x3FDB];
	_ =	sdelay $0x1  }
0x9f: {  	s5 =	simm.s32 $_scs_section_size  }
0xa0: {  	s6 =	simm.s32 $_size__tile_overlayer_lowered;
	s7 =	simm.s32 $_tile_overlayer_lowered  }
0xa1: {  	s22 =	simm.s32 $0x1BFF;
	s21 =	sshll.u32 s7, $0x1;
	s4 =	sadd.s32 s5, s19  }
0xa2: {  	s8 =	simm.s32 $0x0;
	s20 =	sshll.u32 s6, $0x1;
	s6 =	sadd.s32 s21, s4  }
0xa3: {  	[timem:s8], [sflag:s22] =	dma.local [hbm:s6], s20  }
0xa4: {  	_ =	swait.ge [sflag:s22], s20  }
0xa5: {  	s5 =	ssub.s32 $0x0, s20;
	[sflag:s22] =	ssyncset.done $0x0  }
0xa6: {  	[sflag:s22] =	ssyncadd.s32 s5;
	_ =	sdelay $0x1  }
0xa7: {  	s23 =	simm.s32 $0x1B8B  }
0xa8: {  	_ =	swait.ge [sflag:s23], $0x1  }
0xa9: {  	[sflag:s23] =	ssyncset.done $0x0  }
0xaa: {  	s25 =	simm.s32 $0x1B8E;
	s24 =	sld [smem:$0x3FFE];
	[sflag:s23] =	ssyncadd.s32 $0xFFFFFFFF  }
0xab: {  	s26 =	simm.s32 $execute0_lowered;
	[smem:$0x3FD2] =	sst s25  }
0xac: {  	s6 =	sshll.u32 s26, $0x1;
	_ =	strace $0x80000046;
	[dreg:$0x1] =	wrdreg $0xFFFFFFFF  }
0xad: {  	s28 =	simm.s32 $_size_execute0_lowered;
	s4 =	sadd.s32 s4, s6;
	[dreg:$0x0] =	wrdreg $0x0  }
0xae: {  	s6 =	sshll.u32 s28, $0x1;
	[dreg:$0x2] =	wrdreg s4  }
0xaf: {  	[dreg:$0x3] =	wrdreg s6  }
0xb0: {  	[dreg:$0x4] =	wrdreg $0xC0  }
0xb1: {  	_ =	task [dreg:s8], $0x5FFFF  }
0xb2: {  	[dreg:$0x1] =	wrdreg $0xFFFFFFFF  }
0xb3: {  	[dreg:$0x0] =	wrdreg $0x60  }
0xb4: {  	[dreg:$0x2] =	wrdreg s24  }
0xb5: {  	[dreg:$0x3] =	wrdreg s16  }
0xb6: {  	[dreg:$0x4] =	wrdreg s17  }
0xb7: {  	[dreg:$0x5] =	wrdreg $0x41000  }
0xb8: {  	[dreg:$0x6] =	wrdreg $0x9  }
0xb9: {  	_ =	task.clear_ibuf [dreg:s8], $0x7FFFF;
	_ =	strace $0x90000046  }
0xba: {  	s29 =	simm.s32 $0x9;
	_ =	strace $0x80000048  }
0xbb: {  	_ =	swait.ge [sflag:s29], $0x1  }
0xbc: {  	[sflag:s29] =	ssyncadd.s32 $0xFFFFFFFF  }
0xbd: {  	_ =	strace $0x90000048  }
0xbe: {  	_ =	sfence  }
0xbf: {  	s30 =	sld [smem:$0x0];
	_ =	sdelay $0x2  }
0xc0: {  	s31 =	sshll.u32 s1, $0xD;
	s1 =	sshrl.u32 s1, $0x2  }
0xc1: {  	s3 =	sand.u32 $0x4000, s31;
	s1 =	sadd.s32 s1, s30  }
0xc2: {  	s0 =	sor.u32 s3, s0;
	s1 =	sshll.u32 s1, $0x11  }
0xc3: {  	s0 =	sor.u32 s1, s0  }
0xc4: {  	s0 =	sadd.s32 $0x8F2B, s0  }
0xc5: {  	[sflag:s0] =	ssyncadd.remote.s32 $0x1  }
0xc6: {  	_ =	sfence.sel $0xFFFF  }
0xc7: {  	[dreg:$0x0] =	wrdreg $0xFFFFFFFF;
	(pc) =	sbr.abs _section_cstart, $3  }
0xc8: {  	[dreg:$0x1] =	wrdreg $0xFFFFFFFF  }
0xc9: {  	_ =	task.clear_ibuf [dreg:s8], $0x2FFFF;
	_ =	strace $0x9FFFFFFF  }
0xca: {  	(tm) =	ssettm $0x7FFFFFFF  }
0xcb: {  	_ =	shalt  }
tec
execute0_lowered:
.L_overlay_start_1:
0x0: {  	(tag) =	ssettag $0x1  }
0x1: {  	s7 =	rddreg [dreg:$0x0]  }
0x2: {  	s1 =	rddreg [dreg:$0x1]  }
0x3: {  	s2 =	rddreg [dreg:$0x2]  }
0x4: {  	s3 =	rddreg [dreg:$0x3]  }
0x5: {  	s4 =	srdreg.scid;
	s0 =	rddreg [dreg:$0x4];
	s5 =	simm.s32 $0x0  }
0x6: {  	s16 =	simm.s32 $0x80;
	s17 =	simm.s32 $0x1;
	s8 =	sand.u32 $0x1, s4  }
0x7: {  	s18 =	simm.s32 $0x2;
	s4 =	stileid.u32;
	s9 =	smul.u32 $0x13C000, s8  }
0x8: {  	s19 =	simm.s32 $0x0;
	[smem:$0x7FF] =	sst s5;
	s10 =	smul.u32 $0x13C00, s4  }
0x9: {  	s6 =	sadd.s32 $0x4000, s7;
	_ =	strace $0x80000047;
	s25 =	smul.u32 $0x4F000, s4  }
0xa: {  	s11 =	sshll.u32 s4, $0x1;
	s12 =	smul.u32 $0x5100, s4;
	s13 =	ssub.s32 $0x2, s8  }
0xb: {  	s14 =	sshll.u32 s4, $0x6;
	s11 =	sor.u32 s8, s11;
	s8 =	smul.u32 $0x2880, s8  }
0xc: {  	s26 =	sshrl.u32 s13, $0x1;
	s14 =	sor.u32 $0x1C03, s14;
	s9 =	sadd.s32 s10, s9  }
0xd: {  	s11 =	smul.u32 $0x2880, s11;
	s13 =	ssub.s32 s13, s26;
	s28 =	sshrl.u32 s25, $0x2  }
0xe: {  	s9 =	sshrl.u32 s9, $0x3;
	s29 =	sadd.s32 s8, s12;
	s15 =	sadd.s32 s28, s3  }
0xf: {  	s12 =	simm.s32 $0x100;
	s9 =	sadd.s32 s9, s7;
	s30 =	sshrl.u32 s11, $0x3  }
0x10: {  	s31 =	sadd.s32 $0x80, s29;
	s10 =	sadd.s32 $0x100, s29;
	s15 =	sshrl.u32 s15, $0x3  }
0x11: {  	s7 =	sadd.s32 s6, s30;
	s8 =	sadd.s32 $0x18400, s9;
	s11 =	sshrl.u32 s31, $0x3  }
0x12: {  	s9 =	smax.u32 s13, $0x1;
	s13 =	simm.s32 $0x3;
	s11 =	sadd.s32 s11, s6  }
.LBB2_1:
0x13: {  	[tilespmem:s12], [sflag:$0x3] =	stream.linear.gather [hbm4b:s1+s5], $0x4000, $0x38;
	[tilespmem:$0x17D00] =	vst v63  }
0x14: {  	_ =	swait.ge [sflag:s13], $0x4000  }
0x15: {  	[sflag:s13] =	ssyncset.done $0x0  }
0x16: {  	[sflag:s13] =	ssyncadd.s32 $0xFFFFC000  }
0x17: {  	[spmem:s15], [sflag:s14] =	dma.local [hbm:s2], $0x2780  }
0x18: {  	_ =	swait.ge [sflag:s13], $0x2780  }
0x19: {  	[sflag:s13] =	ssyncset.done $0x0  }
0x1a: {  	[sflag:s13] =	ssyncadd.s32 $0xFFFFD880  }
0x1b: {  	[bflag:$0x0] =	sbarrier.arrive $0xFFFF  }
0x1c: {  	[tilespmem:s5], [sflag:$0x3] =	stream.linear.gather [hbm4b:s7+s5], $0x80, $0x38;
	[tilespmem:$0x17D00] =	vst v63  }
0x1d: {  	_ =	swait.ge [sflag:s13], $0x80  }
0x1e: {  	[sflag:s13] =	ssyncset.done $0x0  }
0x1f: {  	[sflag:s13] =	ssyncadd.s32 $0xFFFFFF80  }
0x20: {  	[spmem:s3] =	stream.indirect.scatter.add.f32 [tilespmem:s12], [sflag:$0x1], $0x80, s5, s16, $0xb8;
	[tilespmem:$0x17D00] =	vst v63  }
0x21: {  	s20 =	sadd.s32 $0x0, s11  }
0x22: {  	[tilespmem:s16], [sflag:$0x3] =	stream.linear.gather [hbm4b:s20+s5], $0x80, $0x38;
	[tilespmem:$0x17D00] =	vst v63  }
0x23: {  	_ =	swait.ge [sflag:s13], $0x80  }
0x24: {  	[sflag:s13] =	ssyncset.done $0x0  }
0x25: {  	[sflag:s13] =	ssyncadd.s32 $0xFFFFFF80  }
0x26: {  	[spmem:s3] =	stream.indirect.scatter.add.f32 [tilespmem:s12], [sflag:$0x2], $0x80, s16, s16, $0xb8;
	[tilespmem:$0x17D00] =	vst v63  }
0x27: {  	_ =	swait.ge [sflag:s17], $0x4000  }
0x28: {  	s31 =	sshrl.u32 s10, $0x3;
	[sflag:s17] =	ssyncset.done $0x0  }
0x29: {  	s20 =	sadd.s32 s6, s31;
	[sflag:s17] =	ssyncadd.s32 $0xFFFFC000  }
0x2a: {  	[tilespmem:s5], [sflag:$0x3] =	stream.linear.gather [hbm4b:s20+s5], $0x80, $0x38;
	[tilespmem:$0x17D00] =	vst v63  }
0x2b: {  	_ =	swait.ge [sflag:s13], $0x80  }
0x2c: {  	[sflag:s13] =	ssyncset.done $0x0  }
0x2d: {  	[sflag:s13] =	ssyncadd.s32 $0xFFFFFF80  }
0x2e: {  	[spmem:s3] =	stream.indirect.scatter.add.f32 [tilespmem:s12], [sflag:$0x1], $0x80, s5, s16, $0xb8;
	[tilespmem:$0x17D00] =	vst v63  }
0x2f: {  	s21 =	simm.s32 $0x20;
	_ =	swait.ge [sflag:s18], $0x4000  }
0x30: {  	s22 =	simm.s32 $0x40;
	s20 =	sadd.s32 $0x100, s10;
	[sflag:s18] =	ssyncset.done $0x0  }
.LBB2_2:
0x31: {  	s23 =	sadd.s32 s21, s11  }
0x32: {  	[sflag:s18] =	ssyncadd.s32 $0xFFFFC000;
	s21 =	smov.u32 s22;
	s24 =	sadd.s32 $0x20, s22  }
0x33: {  	[tilespmem:s16], [sflag:$0x3] =	stream.linear.gather [hbm4b:s23+s5], $0x80, $0x38;
	[tilespmem:$0x17D00] =	vst v63  }
0x34: {  	p0 =	sne.s32 s22, $0x4E0;
	_ =	swait.ge [sflag:s13], $0x80  }
0x35: {  	[sflag:s13] =	ssyncset.done $0x0  }
0x36: {  	[sflag:s13] =	ssyncadd.s32 $0xFFFFFF80  }
0x37: {  	[spmem:s3] =	stream.indirect.scatter.add.f32 [tilespmem:s12], [sflag:$0x2], $0x80, s16, s16, $0xb8;
	[tilespmem:$0x17D00] =	vst v63  }
0x38: {  	_ =	swait.ge [sflag:s17], $0x4000  }
0x39: {  	s22 =	sshrl.u32 s20, $0x3;
	[sflag:s17] =	ssyncset.done $0x0  }
0x3a: {  	s22 =	sadd.s32 s6, s22;
	[sflag:s17] =	ssyncadd.s32 $0xFFFFC000  }
0x3b: {  	[tilespmem:s5], [sflag:$0x3] =	stream.linear.gather [hbm4b:s22+s5], $0x80, $0x38;
	[tilespmem:$0x17D00] =	vst v63  }
0x3c: {  	_ =	swait.ge [sflag:s13], $0x80  }
.Ltmp0:
0x3d: {  	[sflag:s13] =	ssyncset.done $0x0;
	(pc) =	sbr.rel @p0 .LBB2_2-.Ltmp0, $4  }
0x3e: {  	[sflag:s13] =	ssyncadd.s32 $0xFFFFFF80  }
0x3f: {  	[spmem:s3] =	stream.indirect.scatter.add.f32 [tilespmem:s12], [sflag:$0x1], $0x80, s5, s16, $0xb8;
	[tilespmem:$0x17D00] =	vst v63  }
0x40: {  	_ =	swait.ge [sflag:s18], $0x4000  }
0x41: {  	s20 =	sadd.s32 $0x100, s20;
	s22 =	smov.u32 s24;
	[sflag:s18] =	ssyncset.done $0x0  }
0x42: {  	s21 =	sadd.s32 s21, s11;
	[sflag:s18] =	ssyncadd.s32 $0xFFFFC000  }
0x43: {  	[tilespmem:s16], [sflag:$0x3] =	stream.linear.gather [hbm4b:s21+s5], $0x80, $0x38;
	[tilespmem:$0x17D00] =	vst v63  }
0x44: {  	_ =	swait.ge [sflag:s13], $0x80  }
0x45: {  	[sflag:s13] =	ssyncset.done $0x0  }
0x46: {  	[sflag:s13] =	ssyncadd.s32 $0xFFFFFF80  }
0x47: {  	[spmem:s3] =	stream.indirect.scatter.add.f32 [tilespmem:s12], [sflag:$0x2], $0x80, s16, s16, $0xb8;
	[tilespmem:$0x17D00] =	vst v63  }
0x48: {  	_ =	swait.ge [sflag:s17], $0x4000  }
0x49: {  	s20 =	sshrl.u32 s20, $0x3;
	[sflag:s17] =	ssyncset.done $0x0  }
0x4a: {  	s20 =	sadd.s32 s6, s20;
	[sflag:s17] =	ssyncadd.s32 $0xFFFFC000  }
0x4b: {  	[tilespmem:s5], [sflag:$0x3] =	stream.linear.gather [hbm4b:s20+s5], $0x80, $0x38;
	[tilespmem:$0x17D00] =	vst v63  }
0x4c: {  	_ =	swait.ge [sflag:s13], $0x80  }
0x4d: {  	[sflag:s13] =	ssyncset.done $0x0  }
0x4e: {  	[sflag:s13] =	ssyncadd.s32 $0xFFFFFF80  }
0x4f: {  	[spmem:s3] =	stream.indirect.scatter.add.f32 [tilespmem:s12], [sflag:$0x1], $0x80, s5, s16, $0xb8;
	[tilespmem:$0x17D00] =	vst v63  }
0x50: {  	_ =	swait.ge [sflag:s18], $0x4000  }
0x51: {  	[sflag:s18] =	ssyncset.done $0x0  }
0x52: {  	[sflag:s18] =	ssyncadd.s32 $0xFFFFC000  }
0x53: {  	_ =	swait.ge [sflag:s17], $0x4000  }
0x54: {  	s19 =	sadd.s32 $0x1, s19;
	[sflag:s17] =	ssyncset.done $0x0  }
0x55: {  	p0 =	sne.s32 s19, s9;
	[sflag:s17] =	ssyncadd.s32 $0xFFFFC000  }
.Ltmp1:
0x56: {  	[bflag:$0x0] =	sbarrier.arrive $0xFFFF;
	(pc) =	sbr.rel @p0 .LBB2_1-.Ltmp1, $4  }
0x57: {  	[hbm:s8], [sflag:s14] =	dma.local [spmem:s15], $0x2780  }
0x58: {  	_ =	swait.ge [sflag:s13], $0x2780  }
0x59: {  	[sflag:s13] =	ssyncset.done $0x0  }
0x5a: {  	[sflag:s13] =	ssyncadd.s32 $0xFFFFD880  }
0x5b: {  	_ =	sfence.sel $0x180000  }
0x5c: {  	[bflag:$0x0] =	sbarrier.arrive $0xFFFF  }
0x5d: {  	p0 =	sne.s32 s4, $0x0;
	_ =	strace $0x90000047  }
0x5e: {  	s0 =	sadd.s32 @!p0 $0x100000, s0;
	[bflag:$0x2] =	sbarrier.arrive $0xFFFF  }
0x5f: {  	[sflag:s0] =	ssyncadd.tile.s32 @!p0 $0x1;
	_ =	shalt  }
.Lfunc_end2:
_tile_overlayer_lowered:
.L_overlay_start_2:
0x60: {  	(tag) =	ssettag $0x2  }
0x61: {  	s0 =	rddreg [dreg:$0x0];
	s2 =	stileid.u32  }
0x62: {  	s1 =	rddreg [dreg:$0x1];
	p0 =	sne.s32 s2, $0x0  }
0x63: {  	s3 =	rddreg [dreg:$0x2];
	[bflag:$0x3] =	sbarrier.arrive $0xFFFF;
	s2 =	simm.s32 @!p0 $0x1C03  }
0x64: {  	[timem:s3], [sflag:s2] =	dma.local @!p0 [hbm:s0], s1  }
0x65: {  	s0 =	simm.s32 @!p0 $0x3  }
0x66: {  	_ =	swait.ge @!p0 [sflag:s0], s1  }
0x67: {  	s1 =	ssub.s32 @!p0 $0x0, s1;
	[sflag:s0] =	ssyncset.done @!p0 $0x0  }
0x68: {  	[sflag:s0] =	ssyncadd.s32 @!p0 s1  }
0x69: {  	[bflag:$0x3] =	sbarrier.arrive $0xFFFF  }
0x6a: {  	_ =	shalt  }

// kernel: kernel.13.cloned.1.call-start
scs
__scs_entry_jumppad:
0x0: {  	(pc) =	sbr.rel $0x88, $3  }
0x1: {  	(tag) =	ssettag $0x0;
	lr =	simm.s32 $0x1  }
0x2: {  	[smem:$0x3F90] =	sst lr;
	_ =	strace $0xD0000000  }
0x3: {  	_ = 	snop  }
0x4: {  	_ = 	snop  }
0x5: {  	_ = 	snop  }
0x6: {  	_ = 	snop  }
0x7: {  	_ = 	snop  }
__scs_overlays_trampoline_lowered:
0x8: {  	[smem:$0x3F9F] =	sst s0  }
0x9: {  	[smem:$0x3FA0] =	sst s1  }
0xa: {  	[smem:$0x3FA1] =	sst s2  }
0xb: {  	[smem:$0x3FA2] =	sst s3  }
0xc: {  	[smem:$0x3FA3] =	sst s4  }
0xd: {  	[smem:$0x3FA4] =	sst s5  }
0xe: {  	[smem:$0x3FA5] =	sst s6  }
0xf: {  	[smem:$0x3FA6] =	sst s7  }
0x10: {  	[smem:$0x3FA7] =	sst s8  }
0x11: {  	[smem:$0x3FA8] =	sst s9;
	s0 =	simm.s32 @!p0 $0x0  }
0x12: {  	s1 =	sld [smem:$0x3F8E];
	s0 =	simm.s32 @p0 $0x1  }
0x13: {  	[smem:$0x3FA9] =	sst s0;
	s0 =	simm.s32 @!p1 $0x0  }
0x14: {  	s2 =	sld [smem:$0x3F8D];
	s0 =	simm.s32 @p1 $0x1  }
0x15: {  	[smem:$0x3FAA] =	sst s0;
	s0 =	simm.s32 @!p2 $0x0  }
0x16: {  	s3 =	sld [smem:$0x3FDB];
	s0 =	simm.s32 @p2 $0x1  }
0x17: {  	s4 =	simm.s32 $0x1BF5;
	[smem:$0x3FAC] =	sst s0  }
0x18: {  	s0 =	sld [smem:$0x3F8F];
	_ =	swait.ge [sflag:s4], $0x0  }
0x19: {  	s7 =	sld [smem:$0x3F90]  }
0x1a: {  	s8 =	sadd.s32 $0xFFFFE003, lr  }
0x1b: {  	s9 =	sadd.s32 $0xFFFFFEF7, lr;
	s5 =	simm.s32 $0xFFFFFFFF;
	p2 =	slt.u32 s8, $0xFFFFF086  }
0x1c: {  	p1 =	slt.u32 s9, $0xF7A;
	s5 =	simm.s32 @!p2 $0x0  }
0x1d: {  	s5 =	simm.s32 @p1 $0x1;
	p0 =	seq.s32 s7, s2  }
0x1e: {  	s7 =	smul.u32 @!p0 $0xF7A, s2;
	p2 =	seq.s32 @!p0 s5, $0x0  }
0x1f: {  	s9 =	smul.u32 $0xF7A, s1;
	s8 =	simm.s32 @!p0 $0x1BF5;
	p2 =	por !p2, p0  }
0x20: {  	[sflag:s8] =	ssyncset.s32 @!p0 $0xFFFFF086;
	s6 =	sadd.s32 @!p0 s3, s7;
	s7 =	simm.s32 @!p0 $0x108  }
0x21: {  	s3 =	sadd.s32 s3, s9;
	s6 =	sadd.s32 @!p0 $0x88, s6;
	s7 =	simm.s32 @p2 $0x1082  }
0x22: {  	[simem:s7], [sflag:s8] =	dma.local @!p0 [hbm:s6], $0xF7A  }
0x23: {  	s9 =	sor.u32 $0xD0000000, s2;
	s6 =	simm.s32 $0x108;
	_ =	swait.ge @!p0 [sflag:s8], $0x0  }
0x24: {  	s3 =	sadd.s32 $0x88, s3;
	s6 =	simm.s32 @!p1 $0x1082;
	[sflag:s4] =	ssyncset.s32 $0xFFFFF086  }
0x25: {  	[simem:s6], [sflag:s4] =	dma.local [hbm:s3], $0xF7A  }
0x26: {  	[smem:$0x3F90] =	sst s1;
	(tag) =	ssettag s2;
	_ =	strace s9  }
0x27: {  	s1 =	sld [smem:$0x3FA0]  }
0x28: {  	s2 =	sld [smem:$0x3FA1]  }
0x29: {  	s4 =	sld [smem:$0x3FA3]  }
0x2a: {  	p0 =	seq.s32 s5, $0x0;
	s5 =	sld [smem:$0x3FA4]  }
0x2b: {  	s6 =	sld [smem:$0x3FA5]  }
0x2c: {  	s7 =	sld [smem:$0x3FA6]  }
0x2d: {  	s3 =	simm.s32 $0x108;
	s8 =	sld [smem:$0x3FA7]  }
0x2e: {  	s3 =	simm.s32 @!p0 $0x1082;
	s9 =	sld [smem:$0x3FA8]  }
0x2f: {  	lr =	sadd.s32 s0, s3;
	s0 =	sld [smem:$0x3F9F]  }
0x30: {  	s3 =	sld [smem:$0x3FA2]  }
0x31: {  	[smem:$0x3FAB] =	sst s10  }
0x32: {  	s10 =	sld [smem:$0x3FA9];
	_ =	sdelay $0x3  }
0x33: {  	p0 =	seq.s32 s10, $0x1;
	s10 =	sld [smem:$0x3FAB];
	_ =	sdelay $0x3  }
0x34: {  	[smem:$0x3FAB] =	sst s10  }
0x35: {  	s10 =	sld [smem:$0x3FAA];
	_ =	sdelay $0x3  }
0x36: {  	p1 =	seq.s32 s10, $0x1;
	s10 =	sld [smem:$0x3FAB];
	_ =	sdelay $0x3  }
0x37: {  	[smem:$0x3FAB] =	sst s10  }
0x38: {  	s10 =	sld [smem:$0x3FAC]  }
0x39: {  	_ = 	snop;
	(pc) =	sbr.ind lr, $3  }
0x3a: {  	_ = 	snop  }
0x3b: {  	_ = 	snop  }
0x3c: {  	p2 =	seq.s32 s10, $0x1;
	s10 =	sld [smem:$0x3FAB]  }
0x3d: {  	_ =	shalt  }
0x3e: {  	_ =	shalt  }
0x3f: {  	_ =	shalt  }
0x40: {  	_ =	shalt  }
0x41: {  	_ =	shalt  }
0x42: {  	_ =	shalt  }
0x43: {  	_ =	shalt  }
0x44: {  	_ =	shalt  }
0x45: {  	_ =	shalt  }
0x46: {  	_ =	shalt  }
0x47: {  	_ =	shalt  }
0x48: {  	_ =	shalt  }
0x49: {  	_ =	shalt  }
0x4a: {  	_ =	shalt  }
0x4b: {  	_ =	shalt  }
0x4c: {  	_ =	shalt  }
0x4d: {  	_ =	shalt  }
0x4e: {  	_ =	shalt  }
0x4f: {  	_ =	shalt  }
0x50: {  	_ =	shalt  }
0x51: {  	_ =	shalt  }
0x52: {  	_ =	shalt  }
0x53: {  	_ =	shalt  }
0x54: {  	_ =	shalt  }
0x55: {  	_ =	shalt  }
0x56: {  	_ =	shalt  }
0x57: {  	_ =	shalt  }
0x58: {  	_ =	shalt  }
0x59: {  	_ =	shalt  }
0x5a: {  	_ =	shalt  }
0x5b: {  	_ =	shalt  }
0x5c: {  	_ =	shalt  }
0x5d: {  	_ =	shalt  }
0x5e: {  	_ =	shalt  }
0x5f: {  	_ =	shalt  }
0x60: {  	_ =	shalt  }
0x61: {  	_ =	shalt  }
0x62: {  	_ =	shalt  }
0x63: {  	_ =	shalt  }
0x64: {  	_ =	shalt  }
0x65: {  	_ =	shalt  }
0x66: {  	_ =	shalt  }
0x67: {  	_ =	shalt  }
0x68: {  	_ =	shalt  }
0x69: {  	_ =	shalt  }
0x6a: {  	_ =	shalt  }
0x6b: {  	_ =	shalt  }
0x6c: {  	_ =	shalt  }
0x6d: {  	_ =	shalt  }
0x6e: {  	_ =	shalt  }
0x6f: {  	_ =	shalt  }
0x70: {  	_ =	shalt  }
0x71: {  	_ =	shalt  }
0x72: {  	_ =	shalt  }
0x73: {  	_ =	shalt  }
0x74: {  	_ =	shalt  }
0x75: {  	_ =	shalt  }
0x76: {  	_ =	shalt  }
0x77: {  	_ =	shalt  }
0x78: {  	_ =	shalt  }
0x79: {  	_ =	shalt  }
0x7a: {  	_ =	shalt  }
0x7b: {  	_ =	shalt  }
0x7c: {  	_ =	shalt  }
0x7d: {  	_ =	shalt  }
0x7e: {  	_ =	shalt  }
0x7f: {  	_ =	shalt  }
0x80: {  	_ =	shalt  }
0x81: {  	_ =	shalt  }
0x82: {  	_ =	shalt  }
0x83: {  	_ =	shalt  }
0x84: {  	_ =	shalt  }
0x85: {  	_ =	shalt  }
0x86: {  	_ =	shalt  }
0x87: {  	_ =	shalt  }
.Lfunc_end0:
.L_simem_size_0:
called_computation.1_lowered:
.L_overlay_start_0:
0x88: {  	s2 =	sld [smem:$0x3FD9]  }
0x89: {  	s3 =	sld [smem:$0x3FFE];
	_ =	sdelay $0x1  }
0x8a: {  	s1 =	srdreg.scid  }
0x8b: {  	s0 =	sand.u32 $0x1, s1  }
0x8c: {  	s14 =	sshll.u32 s0, $0xA;
	s2 =	sadd.s32 s3, s2  }
0x8d: {  	s2 =	sadd.s32 s2, s14  }
0x8e: {  	[smem:$0x3FB7] =	sst s2  }
0x8f: {  	_ = 	snop  }
0x90: {  	s2 =	sld [smem:$0x3FD0];
	_ =	sdelay $0x2  }
0x91: {  	s15 =	simm.s32 $0xA;
	s4 =	simm.s32 $0x10  }
0x92: {  	[smem:s4], [sflag:s15] =	dma.local [hbm:s2], $0x1  }
0x93: {  	_ =	swait.eq [sflag:s15], $0x1  }
0x94: {  	[sflag:s15] =	ssyncset.done $0x0  }
0x95: {  	[sflag:s15] =	ssyncadd.s32 $0xFFFFFFFF  }
0x96: {  	s16 =	sld [smem:$0x12];
	(tm) =	ssettm $0x1  }
0x97: {  	s17 =	sld [smem:$0x3FFB];
	_ =	sdelay $0x3  }
0x98: {  	_ =	strace s17  }
0x99: {  	s3 =	sld [smem:$0x3FFC];
	_ =	sdelay $0x3  }
0x9a: {  	_ =	strace s3  }
0x9b: {  	s3 =	sld [smem:$0x3FFD];
	_ =	sdelay $0x3  }
0x9c: {  	_ =	strace s3  }
0x9d: {  	_ =	strace $0x8FFFFFFF  }
0x9e: {  	s18 =	sld [smem:$0x3FDB];
	_ =	sdelay $0x1  }
0x9f: {  	s19 =	simm.s32 $_scs_section_size  }
0xa0: {  	s5 =	simm.s32 $_size__tile_overlayer_lowered;
	s6 =	simm.s32 $_tile_overlayer_lowered  }
0xa1: {  	s22 =	simm.s32 $0x1BFF;
	s21 =	sshll.u32 s6, $0x1;
	s3 =	sadd.s32 s19, s18  }
0xa2: {  	s7 =	simm.s32 $0x0;
	s20 =	sshll.u32 s5, $0x1;
	s5 =	sadd.s32 s21, s3  }
0xa3: {  	[timem:s7], [sflag:s22] =	dma.local [hbm:s5], s20  }
0xa4: {  	_ =	swait.ge [sflag:s22], s20  }
0xa5: {  	s4 =	ssub.s32 $0x0, s20;
	[sflag:s22] =	ssyncset.done $0x0  }
0xa6: {  	[sflag:s22] =	ssyncadd.s32 s4;
	_ =	sdelay $0x1  }
0xa7: {  	s23 =	simm.s32 $0x1B8B  }
0xa8: {  	_ =	swait.ge [sflag:s23], $0x1  }
0xa9: {  	[sflag:s23] =	ssyncset.done $0x0  }
0xaa: {  	s25 =	simm.s32 $0x1B8E;
	s24 =	sld [smem:$0x3FFE];
	[sflag:s23] =	ssyncadd.s32 $0xFFFFFFFF  }
0xab: {  	s26 =	simm.s32 $execute0_lowered;
	[smem:$0x3FD2] =	sst s25  }
0xac: {  	s5 =	sshll.u32 s26, $0x1;
	_ =	strace $0x80000049;
	[dreg:$0x1] =	wrdreg $0xFFFFFFFF  }
0xad: {  	s28 =	simm.s32 $_size_execute0_lowered;
	s3 =	sadd.s32 s3, s5;
	[dreg:$0x0] =	wrdreg $0x0  }
0xae: {  	s5 =	sshll.u32 s28, $0x1;
	[dreg:$0x2] =	wrdreg s3  }
0xaf: {  	[dreg:$0x3] =	wrdreg s5  }
0xb0: {  	[dreg:$0x4] =	wrdreg $0xC0  }
0xb1: {  	_ =	task [dreg:s7], $0x5FFFF  }
0xb2: {  	[dreg:$0x1] =	wrdreg $0xFFFFFFFF  }
0xb3: {  	[dreg:$0x0] =	wrdreg $0x60  }
0xb4: {  	[dreg:$0x2] =	wrdreg s24  }
0xb5: {  	[dreg:$0x3] =	wrdreg s16  }
0xb6: {  	[dreg:$0x4] =	wrdreg $0xC3000  }
0xb7: {  	[dreg:$0x5] =	wrdreg $0x9  }
0xb8: {  	_ =	task.clear_ibuf [dreg:s7], $0x6FFFF;
	_ =	strace $0x90000049  }
0xb9: {  	s29 =	simm.s32 $0x9;
	_ =	strace $0x8000004B  }
0xba: {  	_ =	swait.ge [sflag:s29], $0x1  }
0xbb: {  	[sflag:s29] =	ssyncadd.s32 $0xFFFFFFFF  }
0xbc: {  	_ =	strace $0x9000004B  }
0xbd: {  	_ =	sfence  }
0xbe: {  	s30 =	sld [smem:$0x0];
	_ =	sdelay $0x2  }
0xbf: {  	s31 =	sshll.u32 s1, $0xD;
	s1 =	sshrl.u32 s1, $0x2  }
0xc0: {  	s3 =	sand.u32 $0x4000, s31;
	s1 =	sadd.s32 s1, s30  }
0xc1: {  	s0 =	sor.u32 s3, s0;
	s1 =	sshll.u32 s1, $0x11  }
0xc2: {  	s0 =	sor.u32 s1, s0  }
0xc3: {  	s0 =	sadd.s32 $0x8F2B, s0  }
0xc4: {  	[sflag:s0] =	ssyncadd.remote.s32 $0x1  }
0xc5: {  	_ =	sfence.sel $0xFFFF  }
0xc6: {  	[dreg:$0x0] =	wrdreg $0xFFFFFFFF;
	(pc) =	sbr.abs _section_cstart, $3  }
0xc7: {  	[dreg:$0x1] =	wrdreg $0xFFFFFFFF  }
0xc8: {  	_ =	task.clear_ibuf [dreg:s7], $0x2FFFF;
	_ =	strace $0x9FFFFFFF  }
0xc9: {  	(tm) =	ssettm $0x7FFFFFFF  }
tec
execute0_lowered:
.L_overlay_start_1:
0x0: {  	(tag) =	ssettag $0x1  }
0x1: {  	s0 =	rddreg [dreg:$0x0]  }
0x2: {  	s2 =	rddreg [dreg:$0x2];
	s1 =	srdreg.scid  }
0x3: {  	s4 =	simm.s32 $0x0;
	s11 =	stileid.u32;
	s28 =	simm.s32 $0x1  }
0x4: {  	s29 =	simm.s32 $0x100;
	s30 =	simm.s32 $0x280;
	s31 =	simm.s32 $0x8300  }
0x5: {  	s1 =	sand.u32 $0x1, s1;
	[smem:$0x7FF] =	sst s4;
	s7 =	smul.u32 $0x13C00, s11  }
0x6: {  	s5 =	sadd.s32 $0x18400, s0;
	s6 =	sadd.s32 $0xE200, s0;
	s10 =	smul.u32 $0x4F000, s11  }
0x7: {  	s8 =	sshll.u32 s11, $0x1;
	s16 =	smul.u32 $0x5100, s11;
	s11 =	sshll.u32 s11, $0x6  }
0x8: {  	s3 =	smul.u32 $0x13C000, s1;
	_ =	strace $0x8000004A;
	s9 =	ssub.s32 $0x2, s1  }
0x9: {  	s8 =	sor.u32 s1, s8;
	s1 =	smul.u32 $0x2880, s1;
	s14 =	sshrl.u32 s9, $0x1  }
0xa: {  	s8 =	smul.u32 $0x2880, s8;
	s15 =	sshrl.u32 s10, $0x2;
	s10 =	simm.s32 $0x6  }
0xb: {  	s3 =	sadd.s32 s7, s3;
	s7 =	sadd.s32 $0x4000, s0;
	s1 =	sadd.s32 s1, s16  }
0xc: {  	s3 =	sshrl.u32 s3, $0x3;
	s12 =	sshrl.u32 s8, $0x3;
	s8 =	sor.u32 $0x1C07, s11  }
0xd: {  	s22 =	sadd.s32 $0x200, s1;
	s24 =	sadd.s32 $0x100, s1;
	s26 =	sadd.s32 $0x180, s1  }
0xe: {  	s1 =	simm.s32 $0x4;
	s11 =	simm.s32 $0x0;
	s0 =	sadd.s32 s3, s0  }
0xf: {  	s3 =	ssub.s32 s9, s14;
	s9 =	sadd.s32 s15, s2;
	s17 =	sadd.s32 s6, s12  }
0x10: {  	s18 =	sadd.s32 s7, s12;
	s19 =	sadd.s32 $0x10, s12;
	s23 =	sshrl.u32 s22, $0x3  }
0x11: {  	s25 =	sshrl.u32 s24, $0x3;
	[dreg:$0xa] =	wrdreg s26;
	s22 =	simm.s32 $0x180  }
0x12: {  	s24 =	simm.s32 $0x300;
	s26 =	simm.s32 $0x4300;
	[dreg:$0x4] =	wrdreg s17  }
0x13: {  	[dreg:$0x5] =	wrdreg s18;
	s20 =	sadd.s32 s6, s19;
	s21 =	sadd.s32 s7, s19  }
0x14: {  	s0 =	sadd.s32 $0x66800, s0;
	s3 =	smax.u32 s3, $0x1;
	s15 =	sadd.s32 s23, s7  }
.Ltmp0:
0x15: {  	s16 =	sadd.s32 s23, s6;
	[dreg:$0x6] =	wrdreg s20;
	(pc) =	sbr.rel .LBB2_1-.Ltmp0, $4  }
0x16: {  	s18 =	sadd.s32 s25, s7;
	s19 =	sadd.s32 s25, s6;
	[dreg:$0x7] =	wrdreg s21  }
0x17: {  	s23 =	simm.s32 $0x80;
	s25 =	simm.s32 $0x200;
	[dreg:$0x8] =	wrdreg s0  }
0x18: {  	[dreg:$0x9] =	wrdreg s3;
	s20 =	sshrl.u32 s9, $0x3;
	s21 =	simm.s32 $0x7  }
0x19: {  	s0 =	simm.s32 $0x2;
	s3 =	simm.s32 $0x3;
	s9 =	simm.s32 $0x5  }
.LBB2_4:
0x1a: {  	_ =	swait.ge [sflag:s3], $0x4000  }
0x1b: {  	[sflag:s3] =	ssyncset.done $0x0  }
0x1c: {  	[sflag:s3] =	ssyncadd.s32 $0xFFFFC000  }
0x1d: {  	[spmem:s2] =	stream.indirect.scatter.add.f32 [tilespmem:s31], [sflag:$0x6], $0x80, s30, s23, $0xb8;
	[tilespmem:$0x1FF00] =	vst v63  }
0x1e: {  	_ =	swait.ge [sflag:s1], $0x4000  }
0x1f: {  	[sflag:s1] =	ssyncset.done $0x0  }
0x20: {  	[sflag:s1] =	ssyncadd.s32 $0xFFFFC000  }
0x21: {  	_ =	swait.ge [sflag:s9], $0x4000  }
0x22: {  	[sflag:s9] =	ssyncset.done $0x0  }
0x23: {  	[sflag:s9] =	ssyncadd.s32 $0xFFFFC000  }
0x24: {  	_ =	swait.ge [sflag:s10], $0x4000  }
0x25: {  	[sflag:s10] =	ssyncset.done $0x0  }
0x26: {  	[sflag:s10] =	ssyncadd.s32 $0xFFFFC000  }
0x27: {  	[bflag:$0x0] =	sbarrier.arrive $0xFFFF  }
0x28: {  	s12 =	rddreg [dreg:$0x8]  }
0x29: {  	[hbm:s12], [sflag:s8] =	dma.local [spmem:s20], $0x2780  }
0x2a: {  	_ =	swait.ge [sflag:s21], $0x2780  }
0x2b: {  	s11 =	sadd.s32 $0x1, s11;
	s17 =	rddreg [dreg:$0x9]  }
0x2c: {  	p0 =	sne.s32 s11, s17  }
.Ltmp1:
0x2d: {  	_ = 	snop;
	(pc) =	sbr.rel @!p0 .LBB2_5-.Ltmp1, $3  }
0x2e: {  	_ =	sdelay $0x1  }
0x2f: {  	[sflag:s21] =	ssyncset.done $0x0  }
0x30: {  	[sflag:s21] =	ssyncadd.s32 $0xFFFFD880  }
.LBB2_1:
0x31: {  	s12 =	rddreg [dreg:$0x1]  }
0x32: {  	[spmem:s20], [sflag:s8] =	dma.local [hbm:s12], $0x2780  }
0x33: {  	_ =	swait.ge [sflag:s21], $0x2780  }
0x34: {  	[sflag:s21] =	ssyncset.done $0x0  }
0x35: {  	[sflag:s21] =	ssyncadd.s32 $0xFFFFD880  }
0x36: {  	[bflag:$0x0] =	sbarrier.arrive $0xFFFF  }
0x37: {  	s17 =	rddreg [dreg:$0x4]  }
0x38: {  	[tilespmem:s4], [sflag:$0x7] =	stream.linear.gather [hbm4b:s17+s4], $0x80, $0x38;
	[tilespmem:$0x1FF00] =	vst v63  }
0x39: {  	_ =	swait.ge [sflag:s21], $0x80  }
0x3a: {  	[sflag:s21] =	ssyncset.done $0x0  }
0x3b: {  	s13 =	rddreg [dreg:$0x5];
	[sflag:s21] =	ssyncadd.s32 $0xFFFFFF80  }
0x3c: {  	[tilespmem:s22], [sflag:$0x7] =	stream.linear.gather [hbm4b:s13+s4], $0x80, $0x38;
	[tilespmem:$0x1FF00] =	vst v63  }
0x3d: {  	_ =	swait.ge [sflag:s21], $0x80  }
0x3e: {  	[sflag:s21] =	ssyncset.done $0x0  }
0x3f: {  	[sflag:s21] =	ssyncadd.s32 $0xFFFFFF80  }
0x40: {  	[tilespmem:s24], [sflag:$0x1] =	stream.indirect.gather [hbm4b:s5+s23], $0x80, s4, s23, $0xb8;
	[tilespmem:$0x1FF00] =	vst v63  }
0x41: {  	s14 =	rddreg [dreg:$0x6]  }
0x42: {  	[tilespmem:s23], [sflag:$0x7] =	stream.linear.gather [hbm4b:s14+s4], $0x80, $0x38;
	[tilespmem:$0x1FF00] =	vst v63  }
0x43: {  	_ =	swait.ge [sflag:s21], $0x80  }
0x44: {  	[sflag:s21] =	ssyncset.done $0x0  }
0x45: {  	s17 =	rddreg [dreg:$0x7];
	[sflag:s21] =	ssyncadd.s32 $0xFFFFFF80  }
0x46: {  	[tilespmem:s25], [sflag:$0x7] =	stream.linear.gather [hbm4b:s17+s4], $0x80, $0x38;
	[tilespmem:$0x1FF00] =	vst v63  }
0x47: {  	_ =	swait.ge [sflag:s21], $0x80  }
0x48: {  	[sflag:s21] =	ssyncset.done $0x0  }
0x49: {  	s13 =	simm.s32 $0x0;
	s17 =	rddreg [dreg:$0xa];
	[sflag:s21] =	ssyncadd.s32 $0xFFFFFF80  }
0x4a: {  	[tilespmem:s26], [sflag:$0x2] =	stream.indirect.gather [hbm4b:s5+s23], $0x80, s23, s23, $0xb8;
	[tilespmem:$0x1FF00] =	vst v63  }
.LBB2_2:
0x4b: {  	_ =	swait.ge [sflag:s28], $0x4000  }
0x4c: {  	p0 =	seq.s32 s13, $0x0;
	[sflag:s28] =	ssyncset.done $0x0  }
0x4d: {  	s14 =	simm.s32 @!p0 $0x6;
	[sflag:s28] =	ssyncadd.s32 $0xFFFFC000  }
0x4e: {  	[spmem:s2] =	stream.indirect.scatter.add.f32 [tilespmem:s24], [sflag:$0x4], $0x80, s22, s23, $0xb8;
	[tilespmem:$0x1FF00] =	vst v63  }
0x4f: {  	_ =	swait.ge @!p0 [sflag:s14], $0x4000  }
0x50: {  	[sflag:s14] =	ssyncset.done @!p0 $0x0  }
0x51: {  	s12 =	sadd.s32 s13, s19;
	[sflag:s14] =	ssyncadd.s32 @!p0 $0xFFFFC000  }
0x52: {  	[tilespmem:s29], [sflag:$0x7] =	stream.linear.gather [hbm4b:s12+s4], $0x80, $0x38;
	[tilespmem:$0x1FF00] =	vst v63  }
0x53: {  	_ =	swait.ge [sflag:s21], $0x80  }
0x54: {  	[sflag:s21] =	ssyncset.done $0x0  }
0x55: {  	s12 =	sadd.s32 s13, s18;
	[sflag:s21] =	ssyncadd.s32 $0xFFFFFF80  }
0x56: {  	[tilespmem:s30], [sflag:$0x7] =	stream.linear.gather [hbm4b:s12+s4], $0x80, $0x38;
	[tilespmem:$0x1FF00] =	vst v63  }
0x57: {  	_ =	swait.ge [sflag:s21], $0x80  }
0x58: {  	[sflag:s21] =	ssyncset.done $0x0  }
0x59: {  	p0 =	seq.s32 s13, $0x4E0;
	[sflag:s21] =	ssyncadd.s32 $0xFFFFFF80  }
0x5a: {  	[tilespmem:s31], [sflag:$0x3] =	stream.indirect.gather [hbm4b:s5+s23], $0x80, s29, s23, $0xb8;
	[tilespmem:$0x1FF00] =	vst v63  }
.Ltmp2:
0x5b: {  	_ = 	snop;
	(pc) =	sbr.rel @p0 .LBB2_4-.Ltmp2, $4  }
0x5c: {  	_ =	swait.ge [sflag:s0], $0x4000  }
0x5d: {  	[sflag:s0] =	ssyncset.done $0x0  }
0x5e: {  	[sflag:s0] =	ssyncadd.s32 $0xFFFFC000  }
0x5f: {  	[spmem:s2] =	stream.indirect.scatter.add.f32 [tilespmem:s26], [sflag:$0x5], $0x80, s25, s23, $0xb8;
	[tilespmem:$0x1FF00] =	vst v63  }
0x60: {  	_ =	swait.ge [sflag:s1], $0x4000  }
0x61: {  	s14 =	sshrl.u32 s17, $0x3;
	[sflag:s1] =	ssyncset.done $0x0  }
0x62: {  	s12 =	sadd.s32 s6, s14;
	[sflag:s1] =	ssyncadd.s32 $0xFFFFC000  }
0x63: {  	[tilespmem:s4], [sflag:$0x7] =	stream.linear.gather [hbm4b:s12+s4], $0x80, $0x38;
	[tilespmem:$0x1FF00] =	vst v63  }
0x64: {  	_ =	swait.ge [sflag:s21], $0x80  }
0x65: {  	[sflag:s21] =	ssyncset.done $0x0  }
0x66: {  	s14 =	sadd.s32 s7, s14;
	[sflag:s21] =	ssyncadd.s32 $0xFFFFFF80  }
0x67: {  	[tilespmem:s22], [sflag:$0x7] =	stream.linear.gather [hbm4b:s14+s4], $0x80, $0x38;
	[tilespmem:$0x1FF00] =	vst v63  }
0x68: {  	_ =	swait.ge [sflag:s21], $0x80  }
0x69: {  	[sflag:s21] =	ssyncset.done $0x0  }
0x6a: {  	[sflag:s21] =	ssyncadd.s32 $0xFFFFFF80  }
0x6b: {  	[tilespmem:s24], [sflag:$0x1] =	stream.indirect.gather [hbm4b:s5+s23], $0x80, s4, s23, $0xb8;
	[tilespmem:$0x1FF00] =	vst v63  }
0x6c: {  	_ =	swait.ge [sflag:s3], $0x4000  }
0x6d: {  	[sflag:s3] =	ssyncset.done $0x0  }
0x6e: {  	[sflag:s3] =	ssyncadd.s32 $0xFFFFC000  }
0x6f: {  	[spmem:s2] =	stream.indirect.scatter.add.f32 [tilespmem:s31], [sflag:$0x6], $0x80, s30, s23, $0xb8;
	[tilespmem:$0x1FF00] =	vst v63  }
0x70: {  	_ =	swait.ge [sflag:s9], $0x4000  }
0x71: {  	[sflag:s9] =	ssyncset.done $0x0  }
0x72: {  	s14 =	sadd.s32 s13, s16;
	[sflag:s9] =	ssyncadd.s32 $0xFFFFC000  }
0x73: {  	[tilespmem:s23], [sflag:$0x7] =	stream.linear.gather [hbm4b:s14+s4], $0x80, $0x38;
	[tilespmem:$0x1FF00] =	vst v63  }
0x74: {  	_ =	swait.ge [sflag:s21], $0x80  }
0x75: {  	[sflag:s21] =	ssyncset.done $0x0  }
0x76: {  	s14 =	sadd.s32 s13, s15;
	[sflag:s21] =	ssyncadd.s32 $0xFFFFFF80  }
0x77: {  	[tilespmem:s25], [sflag:$0x7] =	stream.linear.gather [hbm4b:s14+s4], $0x80, $0x38;
	[tilespmem:$0x1FF00] =	vst v63  }
.Ltmp3:
0x78: {  	_ = 	snop;
	(pc) =	sbr.rel .LBB2_2-.Ltmp3, $4  }
0x79: {  	_ =	swait.ge [sflag:s21], $0x80  }
0x7a: {  	[sflag:s21] =	ssyncset.done $0x0  }
0x7b: {  	s17 =	sadd.s32 $0x180, s17;
	s13 =	sadd.s32 $0x30, s13;
	[sflag:s21] =	ssyncadd.s32 $0xFFFFFF80  }
0x7c: {  	[tilespmem:s26], [sflag:$0x2] =	stream.indirect.gather [hbm4b:s5+s23], $0x80, s23, s23, $0xb8;
	[tilespmem:$0x1FF00] =	vst v63  }
.LBB2_5:
0x7d: {  	_ =	sfence.sel $0x180000  }
0x7e: {  	[bflag:$0x0] =	sbarrier.arrive $0xFFFF  }
0x7f: {  	_ =	strace $0x9000004A  }
0x80: {  	s0 =	stileid.u32;
	[bflag:$0x2] =	sbarrier.arrive $0xFFFF  }
0x81: {  	p0 =	sne.s32 s0, $0x0;
	s0 =	rddreg [dreg:$0x3]  }
0x82: {  	s0 =	sadd.s32 @!p0 $0x100000, s0  }
0x83: {  	[sflag:s0] =	ssyncadd.tile.s32 @!p0 $0x1;
	_ =	shalt  }
.Lfunc_end2:
_tile_overlayer_lowered:
.L_overlay_start_2:
0x84: {  	(tag) =	ssettag $0x2  }
0x85: {  	s0 =	rddreg [dreg:$0x0];
	s2 =	stileid.u32  }
0x86: {  	s1 =	rddreg [dreg:$0x1];
	p0 =	sne.s32 s2, $0x0  }
0x87: {  	s3 =	rddreg [dreg:$0x2];
	[bflag:$0x3] =	sbarrier.arrive $0xFFFF;
	s2 =	simm.s32 @!p0 $0x1C07  }
0x88: {  	[timem:s3], [sflag:s2] =	dma.local @!p0 [hbm:s0], s1  }
0x89: {  	s0 =	simm.s32 @!p0 $0x7  }
0x8a: {  	_ =	swait.ge @!p0 [sflag:s0], s1  }
0x8b: {  	s1 =	ssub.s32 @!p0 $0x0, s1;
	[sflag:s0] =	ssyncset.done @!p0 $0x0  }
0x8c: {  	[sflag:s0] =	ssyncadd.s32 @!p0 s1  }
0x8d: {  	[bflag:$0x3] =	sbarrier.arrive $0xFFFF  }
0x8e: {  	_ =	shalt  }

// kernel: kernel.16.cloned.1.call-start
scs
__scs_entry_jumppad:
0x0: {  	(pc) =	sbr.rel $0x88, $3  }
0x1: {  	(tag) =	ssettag $0x0;
	lr =	simm.s32 $0x1  }
0x2: {  	[smem:$0x3F90] =	sst lr;
	_ =	strace $0xD0000000  }
0x3: {  	_ = 	snop  }
0x4: {  	_ = 	snop  }
0x5: {  	_ = 	snop  }
0x6: {  	_ = 	snop  }
0x7: {  	_ = 	snop  }
__scs_overlays_trampoline_lowered:
0x8: {  	[smem:$0x3F9F] =	sst s0  }
0x9: {  	[smem:$0x3FA0] =	sst s1  }
0xa: {  	[smem:$0x3FA1] =	sst s2  }
0xb: {  	[smem:$0x3FA2] =	sst s3  }
0xc: {  	[smem:$0x3FA3] =	sst s4  }
0xd: {  	[smem:$0x3FA4] =	sst s5  }
0xe: {  	[smem:$0x3FA5] =	sst s6  }
0xf: {  	[smem:$0x3FA6] =	sst s7  }
0x10: {  	[smem:$0x3FA7] =	sst s8  }
0x11: {  	[smem:$0x3FA8] =	sst s9;
	s0 =	simm.s32 @!p0 $0x0  }
0x12: {  	s1 =	sld [smem:$0x3F8E];
	s0 =	simm.s32 @p0 $0x1  }
0x13: {  	[smem:$0x3FA9] =	sst s0;
	s0 =	simm.s32 @!p1 $0x0  }
0x14: {  	s2 =	sld [smem:$0x3F8D];
	s0 =	simm.s32 @p1 $0x1  }
0x15: {  	[smem:$0x3FAA] =	sst s0;
	s0 =	simm.s32 @!p2 $0x0  }
0x16: {  	s3 =	sld [smem:$0x3FDB];
	s0 =	simm.s32 @p2 $0x1  }
0x17: {  	s4 =	simm.s32 $0x1BF5;
	[smem:$0x3FAC] =	sst s0  }
0x18: {  	s0 =	sld [smem:$0x3F8F];
	_ =	swait.ge [sflag:s4], $0x0  }
0x19: {  	s7 =	sld [smem:$0x3F90]  }
0x1a: {  	s8 =	sadd.s32 $0xFFFFE003, lr  }
0x1b: {  	s9 =	sadd.s32 $0xFFFFFEF7, lr;
	s5 =	simm.s32 $0xFFFFFFFF;
	p2 =	slt.u32 s8, $0xFFFFF086  }
0x1c: {  	p1 =	slt.u32 s9, $0xF7A;
	s5 =	simm.s32 @!p2 $0x0  }
0x1d: {  	s5 =	simm.s32 @p1 $0x1;
	p0 =	seq.s32 s7, s2  }
0x1e: {  	s7 =	smul.u32 @!p0 $0xF7A, s2;
	p2 =	seq.s32 @!p0 s5, $0x0  }
0x1f: {  	s9 =	smul.u32 $0xF7A, s1;
	s8 =	simm.s32 @!p0 $0x1BF5;
	p2 =	por !p2, p0  }
0x20: {  	[sflag:s8] =	ssyncset.s32 @!p0 $0xFFFFF086;
	s6 =	sadd.s32 @!p0 s3, s7;
	s7 =	simm.s32 @!p0 $0x108  }
0x21: {  	s3 =	sadd.s32 s3, s9;
	s6 =	sadd.s32 @!p0 $0x88, s6;
	s7 =	simm.s32 @p2 $0x1082  }
0x22: {  	[simem:s7], [sflag:s8] =	dma.local @!p0 [hbm:s6], $0xF7A  }
0x23: {  	s9 =	sor.u32 $0xD0000000, s2;
	s6 =	simm.s32 $0x108;
	_ =	swait.ge @!p0 [sflag:s8], $0x0  }
0x24: {  	s3 =	sadd.s32 $0x88, s3;
	s6 =	simm.s32 @!p1 $0x1082;
	[sflag:s4] =	ssyncset.s32 $0xFFFFF086  }
0x25: {  	[simem:s6], [sflag:s4] =	dma.local [hbm:s3], $0xF7A  }
0x26: {  	[smem:$0x3F90] =	sst s1;
	(tag) =	ssettag s2;
	_ =	strace s9  }
0x27: {  	s1 =	sld [smem:$0x3FA0]  }
0x28: {  	s2 =	sld [smem:$0x3FA1]  }
0x29: {  	s4 =	sld [smem:$0x3FA3]  }
0x2a: {  	p0 =	seq.s32 s5, $0x0;
	s5 =	sld [smem:$0x3FA4]  }
0x2b: {  	s6 =	sld [smem:$0x3FA5]  }
0x2c: {  	s7 =	sld [smem:$0x3FA6]  }
0x2d: {  	s3 =	simm.s32 $0x108;
	s8 =	sld [smem:$0x3FA7]  }
0x2e: {  	s3 =	simm.s32 @!p0 $0x1082;
	s9 =	sld [smem:$0x3FA8]  }
0x2f: {  	lr =	sadd.s32 s0, s3;
	s0 =	sld [smem:$0x3F9F]  }
0x30: {  	s3 =	sld [smem:$0x3FA2]  }
0x31: {  	[smem:$0x3FAB] =	sst s10  }
0x32: {  	s10 =	sld [smem:$0x3FA9];
	_ =	sdelay $0x3  }
0x33: {  	p0 =	seq.s32 s10, $0x1;
	s10 =	sld [smem:$0x3FAB];
	_ =	sdelay $0x3  }
0x34: {  	[smem:$0x3FAB] =	sst s10  }
0x35: {  	s10 =	sld [smem:$0x3FAA];
	_ =	sdelay $0x3  }
0x36: {  	p1 =	seq.s32 s10, $0x1;
	s10 =	sld [smem:$0x3FAB];
	_ =	sdelay $0x3  }
0x37: {  	[smem:$0x3FAB] =	sst s10  }
0x38: {  	s10 =	sld [smem:$0x3FAC]  }
0x39: {  	_ = 	snop;
	(pc) =	sbr.ind lr, $3  }
0x3a: {  	_ = 	snop  }
0x3b: {  	_ = 	snop  }
0x3c: {  	p2 =	seq.s32 s10, $0x1;
	s10 =	sld [smem:$0x3FAB]  }
0x3d: {  	_ =	shalt  }
0x3e: {  	_ =	shalt  }
0x3f: {  	_ =	shalt  }
0x40: {  	_ =	shalt  }
0x41: {  	_ =	shalt  }
0x42: {  	_ =	shalt  }
0x43: {  	_ =	shalt  }
0x44: {  	_ =	shalt  }
0x45: {  	_ =	shalt  }
0x46: {  	_ =	shalt  }
0x47: {  	_ =	shalt  }
0x48: {  	_ =	shalt  }
0x49: {  	_ =	shalt  }
0x4a: {  	_ =	shalt  }
0x4b: {  	_ =	shalt  }
0x4c: {  	_ =	shalt  }
0x4d: {  	_ =	shalt  }
0x4e: {  	_ =	shalt  }
0x4f: {  	_ =	shalt  }
0x50: {  	_ =	shalt  }
0x51: {  	_ =	shalt  }
0x52: {  	_ =	shalt  }
0x53: {  	_ =	shalt  }
0x54: {  	_ =	shalt  }
0x55: {  	_ =	shalt  }
0x56: {  	_ =	shalt  }
0x57: {  	_ =	shalt  }
0x58: {  	_ =	shalt  }
0x59: {  	_ =	shalt  }
0x5a: {  	_ =	shalt  }
0x5b: {  	_ =	shalt  }
0x5c: {  	_ =	shalt  }
0x5d: {  	_ =	shalt  }
0x5e: {  	_ =	shalt  }
0x5f: {  	_ =	shalt  }
0x60: {  	_ =	shalt  }
0x61: {  	_ =	shalt  }
0x62: {  	_ =	shalt  }
0x63: {  	_ =	shalt  }
0x64: {  	_ =	shalt  }
0x65: {  	_ =	shalt  }
0x66: {  	_ =	shalt  }
0x67: {  	_ =	shalt  }
0x68: {  	_ =	shalt  }
0x69: {  	_ =	shalt  }
0x6a: {  	_ =	shalt  }
0x6b: {  	_ =	shalt  }
0x6c: {  	_ =	shalt  }
0x6d: {  	_ =	shalt  }
0x6e: {  	_ =	shalt  }
0x6f: {  	_ =	shalt  }
0x70: {  	_ =	shalt  }
0x71: {  	_ =	shalt  }
0x72: {  	_ =	shalt  }
0x73: {  	_ =	shalt  }
0x74: {  	_ =	shalt  }
0x75: {  	_ =	shalt  }
0x76: {  	_ =	shalt  }
0x77: {  	_ =	shalt  }
0x78: {  	_ =	shalt  }
0x79: {  	_ =	shalt  }
0x7a: {  	_ =	shalt  }
0x7b: {  	_ =	shalt  }
0x7c: {  	_ =	shalt  }
0x7d: {  	_ =	shalt  }
0x7e: {  	_ =	shalt  }
0x7f: {  	_ =	shalt  }
0x80: {  	_ =	shalt  }
0x81: {  	_ =	shalt  }
0x82: {  	_ =	shalt  }
0x83: {  	_ =	shalt  }
0x84: {  	_ =	shalt  }
0x85: {  	_ =	shalt  }
0x86: {  	_ =	shalt  }
0x87: {  	_ =	shalt  }
.Lfunc_end0:
.L_simem_size_0:
called_computation.2_lowered:
.L_overlay_start_0:
0x88: {  	s2 =	sld [smem:$0x3FD9]  }
0x89: {  	s3 =	sld [smem:$0x3FFE];
	_ =	sdelay $0x1  }
0x8a: {  	s1 =	srdreg.scid  }
0x8b: {  	s0 =	sand.u32 $0x1, s1  }
0x8c: {  	s14 =	sshll.u32 s0, $0xA;
	s2 =	sadd.s32 s3, s2  }
0x8d: {  	s2 =	sadd.s32 s2, s14  }
0x8e: {  	[smem:$0x3FB7] =	sst s2  }
0x8f: {  	_ = 	snop  }
0x90: {  	s2 =	sld [smem:$0x3FD0];
	_ =	sdelay $0x2  }
0x91: {  	s15 =	simm.s32 $0xA;
	s4 =	simm.s32 $0x10  }
0x92: {  	[smem:s4], [sflag:s15] =	dma.local [hbm:s2], $0x1  }
0x93: {  	_ =	swait.eq [sflag:s15], $0x1  }
0x94: {  	[sflag:s15] =	ssyncset.done $0x0  }
0x95: {  	[sflag:s15] =	ssyncadd.s32 $0xFFFFFFFF  }
0x96: {  	s16 =	sld [smem:$0x12];
	(tm) =	ssettm $0x1  }
0x97: {  	s17 =	sld [smem:$0x3FFB];
	_ =	sdelay $0x3  }
0x98: {  	_ =	strace s17  }
0x99: {  	s3 =	sld [smem:$0x3FFC];
	_ =	sdelay $0x3  }
0x9a: {  	_ =	strace s3  }
0x9b: {  	s3 =	sld [smem:$0x3FFD];
	_ =	sdelay $0x3  }
0x9c: {  	_ =	strace s3  }
0x9d: {  	_ =	strace $0x8FFFFFFF  }
0x9e: {  	s18 =	sld [smem:$0x3FDB];
	_ =	sdelay $0x1  }
0x9f: {  	s19 =	simm.s32 $_scs_section_size  }
0xa0: {  	s5 =	simm.s32 $_size__tile_overlayer_lowered;
	s6 =	simm.s32 $_tile_overlayer_lowered  }
0xa1: {  	s22 =	simm.s32 $0x1BFF;
	s21 =	sshll.u32 s6, $0x1;
	s3 =	sadd.s32 s19, s18  }
0xa2: {  	s7 =	simm.s32 $0x0;
	s20 =	sshll.u32 s5, $0x1;
	s5 =	sadd.s32 s21, s3  }
0xa3: {  	[timem:s7], [sflag:s22] =	dma.local [hbm:s5], s20  }
0xa4: {  	_ =	swait.ge [sflag:s22], s20  }
0xa5: {  	s4 =	ssub.s32 $0x0, s20;
	[sflag:s22] =	ssyncset.done $0x0  }
0xa6: {  	[sflag:s22] =	ssyncadd.s32 s4;
	_ =	sdelay $0x1  }
0xa7: {  	s23 =	simm.s32 $0x1B8B  }
0xa8: {  	_ =	swait.ge [sflag:s23], $0x1  }
0xa9: {  	[sflag:s23] =	ssyncset.done $0x0  }
0xaa: {  	s25 =	simm.s32 $0x1B8E;
	s24 =	sld [smem:$0x3FFE];
	[sflag:s23] =	ssyncadd.s32 $0xFFFFFFFF  }
0xab: {  	s26 =	simm.s32 $execute0_lowered;
	[smem:$0x3FD2] =	sst s25  }
0xac: {  	s5 =	sshll.u32 s26, $0x1;
	_ =	strace $0x8000004C;
	[dreg:$0x1] =	wrdreg $0xFFFFFFFF  }
0xad: {  	s28 =	simm.s32 $_size_execute0_lowered;
	s3 =	sadd.s32 s3, s5;
	[dreg:$0x0] =	wrdreg $0x0  }
0xae: {  	s5 =	sshll.u32 s28, $0x1;
	[dreg:$0x2] =	wrdreg s3  }
0xaf: {  	[dreg:$0x3] =	wrdreg s5  }
0xb0: {  	[dreg:$0x4] =	wrdreg $0xC0  }
0xb1: {  	_ =	task [dreg:s7], $0x5FFFF  }
0xb2: {  	[dreg:$0x1] =	wrdreg $0xFFFFFFFF  }
0xb3: {  	[dreg:$0x0] =	wrdreg $0x60  }
0xb4: {  	[dreg:$0x2] =	wrdreg s24  }
0xb5: {  	[dreg:$0x3] =	wrdreg s16  }
0xb6: {  	[dreg:$0x4] =	wrdreg $0xC3000  }
0xb7: {  	[dreg:$0x5] =	wrdreg $0x9  }
0xb8: {  	_ =	task.clear_ibuf [dreg:s7], $0x6FFFF;
	_ =	strace $0x9000004C  }
0xb9: {  	s29 =	simm.s32 $0x9;
	_ =	strace $0x8000004E  }
0xba: {  	_ =	swait.ge [sflag:s29], $0x1  }
0xbb: {  	[sflag:s29] =	ssyncadd.s32 $0xFFFFFFFF  }
0xbc: {  	_ =	strace $0x9000004E  }
0xbd: {  	_ =	sfence  }
0xbe: {  	s30 =	sld [smem:$0x0];
	_ =	sdelay $0x2  }
0xbf: {  	s31 =	sshll.u32 s1, $0xD;
	s1 =	sshrl.u32 s1, $0x2  }
0xc0: {  	s3 =	sand.u32 $0x4000, s31;
	s1 =	sadd.s32 s1, s30  }
0xc1: {  	s0 =	sor.u32 s3, s0;
	s1 =	sshll.u32 s1, $0x11  }
0xc2: {  	s0 =	sor.u32 s1, s0  }
0xc3: {  	s0 =	sadd.s32 $0x8F2B, s0  }
0xc4: {  	[sflag:s0] =	ssyncadd.remote.s32 $0x1  }
0xc5: {  	_ =	sfence.sel $0xFFFF  }
0xc6: {  	[dreg:$0x0] =	wrdreg $0xFFFFFFFF;
	(pc) =	sbr.abs _section_cstart, $3  }
0xc7: {  	[dreg:$0x1] =	wrdreg $0xFFFFFFFF  }
0xc8: {  	_ =	task.clear_ibuf [dreg:s7], $0x2FFFF;
	_ =	strace $0x9FFFFFFF  }
0xc9: {  	(tm) =	ssettm $0x7FFFFFFF  }
tec
execute0_lowered:
.L_overlay_start_1:
0x0: {  	(tag) =	ssettag $0x1  }
0x1: {  	s0 =	rddreg [dreg:$0x0]  }
0x2: {  	s2 =	rddreg [dreg:$0x2];
	s1 =	srdreg.scid  }
0x3: {  	s4 =	simm.s32 $0x0;
	s11 =	stileid.u32;
	s28 =	simm.s32 $0x1  }
0x4: {  	s29 =	simm.s32 $0x100;
	s30 =	simm.s32 $0x280;
	s31 =	simm.s32 $0x8300  }
0x5: {  	s1 =	sand.u32 $0x1, s1;
	[smem:$0x7FF] =	sst s4;
	s7 =	smul.u32 $0x13C00, s11  }
0x6: {  	s5 =	sadd.s32 $0x18400, s0;
	s6 =	sadd.s32 $0xE200, s0;
	s10 =	smul.u32 $0x4F000, s11  }
0x7: {  	s8 =	sshll.u32 s11, $0x1;
	s16 =	smul.u32 $0x5100, s11;
	s11 =	sshll.u32 s11, $0x6  }
0x8: {  	s3 =	smul.u32 $0x13C000, s1;
	_ =	strace $0x8000004D;
	s9 =	ssub.s32 $0x2, s1  }
0x9: {  	s8 =	sor.u32 s1, s8;
	s1 =	smul.u32 $0x2880, s1;
	s14 =	sshrl.u32 s9, $0x1  }
0xa: {  	s8 =	smul.u32 $0x2880, s8;
	s15 =	sshrl.u32 s10, $0x2;
	s10 =	simm.s32 $0x6  }
0xb: {  	s3 =	sadd.s32 s7, s3;
	s7 =	sadd.s32 $0x4000, s0;
	s1 =	sadd.s32 s1, s16  }
0xc: {  	s3 =	sshrl.u32 s3, $0x3;
	s12 =	sshrl.u32 s8, $0x3;
	s8 =	sor.u32 $0x1C07, s11  }
0xd: {  	s22 =	sadd.s32 $0x200, s1;
	s24 =	sadd.s32 $0x100, s1;
	s26 =	sadd.s32 $0x180, s1  }
0xe: {  	s1 =	simm.s32 $0x4;
	s11 =	simm.s32 $0x0;
	s0 =	sadd.s32 s3, s0  }
0xf: {  	s3 =	ssub.s32 s9, s14;
	s9 =	sadd.s32 s15, s2;
	s17 =	sadd.s32 s6, s12  }
0x10: {  	s18 =	sadd.s32 s7, s12;
	s19 =	sadd.s32 $0x10, s12;
	s23 =	sshrl.u32 s22, $0x3  }
0x11: {  	s25 =	sshrl.u32 s24, $0x3;
	[dreg:$0xa] =	wrdreg s26;
	s22 =	simm.s32 $0x180  }
0x12: {  	s24 =	simm.s32 $0x300;
	s26 =	simm.s32 $0x4300;
	[dreg:$0x4] =	wrdreg s17  }
0x13: {  	[dreg:$0x5] =	wrdreg s18;
	s20 =	sadd.s32 s6, s19;
	s21 =	sadd.s32 s7, s19  }
0x14: {  	s0 =	sadd.s32 $0x8DA00, s0;
	s3 =	smax.u32 s3, $0x1;
	s15 =	sadd.s32 s23, s7  }
.Ltmp0:
0x15: {  	s16 =	sadd.s32 s23, s6;
	[dreg:$0x6] =	wrdreg s20;
	(pc) =	sbr.rel .LBB2_1-.Ltmp0, $4  }
0x16: {  	s18 =	sadd.s32 s25, s7;
	s19 =	sadd.s32 s25, s6;
	[dreg:$0x7] =	wrdreg s21  }
0x17: {  	s23 =	simm.s32 $0x80;
	s25 =	simm.s32 $0x200;
	[dreg:$0x8] =	wrdreg s0  }
0x18: {  	[dreg:$0x9] =	wrdreg s3;
	s20 =	sshrl.u32 s9, $0x3;
	s21 =	simm.s32 $0x7  }
0x19: {  	s0 =	simm.s32 $0x2;
	s3 =	simm.s32 $0x3;
	s9 =	simm.s32 $0x5  }
.LBB2_4:
0x1a: {  	_ =	swait.ge [sflag:s3], $0x4000  }
0x1b: {  	[sflag:s3] =	ssyncset.done $0x0  }
0x1c: {  	[sflag:s3] =	ssyncadd.s32 $0xFFFFC000  }
0x1d: {  	[spmem:s2] =	stream.indirect.scatter.add.f32 [tilespmem:s31], [sflag:$0x6], $0x80, s30, s23, $0xb8;
	[tilespmem:$0x1FF00] =	vst v63  }
0x1e: {  	_ =	swait.ge [sflag:s1], $0x4000  }
0x1f: {  	[sflag:s1] =	ssyncset.done $0x0  }
0x20: {  	[sflag:s1] =	ssyncadd.s32 $0xFFFFC000  }
0x21: {  	_ =	swait.ge [sflag:s9], $0x4000  }
0x22: {  	[sflag:s9] =	ssyncset.done $0x0  }
0x23: {  	[sflag:s9] =	ssyncadd.s32 $0xFFFFC000  }
0x24: {  	_ =	swait.ge [sflag:s10], $0x4000  }
0x25: {  	[sflag:s10] =	ssyncset.done $0x0  }
0x26: {  	[sflag:s10] =	ssyncadd.s32 $0xFFFFC000  }
0x27: {  	[bflag:$0x0] =	sbarrier.arrive $0xFFFF  }
0x28: {  	s12 =	rddreg [dreg:$0x8]  }
0x29: {  	[hbm:s12], [sflag:s8] =	dma.local [spmem:s20], $0x2780  }
0x2a: {  	_ =	swait.ge [sflag:s21], $0x2780  }
0x2b: {  	s11 =	sadd.s32 $0x1, s11;
	s17 =	rddreg [dreg:$0x9]  }
0x2c: {  	p0 =	sne.s32 s11, s17  }
.Ltmp1:
0x2d: {  	_ = 	snop;
	(pc) =	sbr.rel @!p0 .LBB2_5-.Ltmp1, $3  }
0x2e: {  	_ =	sdelay $0x1  }
0x2f: {  	[sflag:s21] =	ssyncset.done $0x0  }
0x30: {  	[sflag:s21] =	ssyncadd.s32 $0xFFFFD880  }
.LBB2_1:
0x31: {  	s12 =	rddreg [dreg:$0x1]  }
0x32: {  	[spmem:s20], [sflag:s8] =	dma.local [hbm:s12], $0x2780  }
0x33: {  	_ =	swait.ge [sflag:s21], $0x2780  }
0x34: {  	[sflag:s21] =	ssyncset.done $0x0  }
0x35: {  	[sflag:s21] =	ssyncadd.s32 $0xFFFFD880  }
0x36: {  	[bflag:$0x0] =	sbarrier.arrive $0xFFFF  }
0x37: {  	s17 =	rddreg [dreg:$0x4]  }
0x38: {  	[tilespmem:s4], [sflag:$0x7] =	stream.linear.gather [hbm4b:s17+s4], $0x80, $0x38;
	[tilespmem:$0x1FF00] =	vst v63  }
0x39: {  	_ =	swait.ge [sflag:s21], $0x80  }
0x3a: {  	[sflag:s21] =	ssyncset.done $0x0  }
0x3b: {  	s13 =	rddreg [dreg:$0x5];
	[sflag:s21] =	ssyncadd.s32 $0xFFFFFF80  }
0x3c: {  	[tilespmem:s22], [sflag:$0x7] =	stream.linear.gather [hbm4b:s13+s4], $0x80, $0x38;
	[tilespmem:$0x1FF00] =	vst v63  }
0x3d: {  	_ =	swait.ge [sflag:s21], $0x80  }
0x3e: {  	[sflag:s21] =	ssyncset.done $0x0  }
0x3f: {  	[sflag:s21] =	ssyncadd.s32 $0xFFFFFF80  }
0x40: {  	[tilespmem:s24], [sflag:$0x1] =	stream.indirect.gather [hbm4b:s5+s23], $0x80, s4, s23, $0xb8;
	[tilespmem:$0x1FF00] =	vst v63  }
0x41: {  	s14 =	rddreg [dreg:$0x6]  }
0x42: {  	[tilespmem:s23], [sflag:$0x7] =	stream.linear.gather [hbm4b:s14+s4], $0x80, $0x38;
	[tilespmem:$0x1FF00] =	vst v63  }
0x43: {  	_ =	swait.ge [sflag:s21], $0x80  }
0x44: {  	[sflag:s21] =	ssyncset.done $0x0  }
0x45: {  	s17 =	rddreg [dreg:$0x7];
	[sflag:s21] =	ssyncadd.s32 $0xFFFFFF80  }
0x46: {  	[tilespmem:s25], [sflag:$0x7] =	stream.linear.gather [hbm4b:s17+s4], $0x80, $0x38;
	[tilespmem:$0x1FF00] =	vst v63  }
0x47: {  	_ =	swait.ge [sflag:s21], $0x80  }
0x48: {  	[sflag:s21] =	ssyncset.done $0x0  }
0x49: {  	s13 =	simm.s32 $0x0;
	s17 =	rddreg [dreg:$0xa];
	[sflag:s21] =	ssyncadd.s32 $0xFFFFFF80  }
0x4a: {  	[tilespmem:s26], [sflag:$0x2] =	stream.indirect.gather [hbm4b:s5+s23], $0x80, s23, s23, $0xb8;
	[tilespmem:$0x1FF00] =	vst v63  }
.LBB2_2:
0x4b: {  	_ =	swait.ge [sflag:s28], $0x4000  }
0x4c: {  	p0 =	seq.s32 s13, $0x0;
	[sflag:s28] =	ssyncset.done $0x0  }
0x4d: {  	s14 =	simm.s32 @!p0 $0x6;
	[sflag:s28] =	ssyncadd.s32 $0xFFFFC000  }
0x4e: {  	[spmem:s2] =	stream.indirect.scatter.add.f32 [tilespmem:s24], [sflag:$0x4], $0x80, s22, s23, $0xb8;
	[tilespmem:$0x1FF00] =	vst v63  }
0x4f: {  	_ =	swait.ge @!p0 [sflag:s14], $0x4000  }
0x50: {  	[sflag:s14] =	ssyncset.done @!p0 $0x0  }
0x51: {  	s12 =	sadd.s32 s13, s19;
	[sflag:s14] =	ssyncadd.s32 @!p0 $0xFFFFC000  }
0x52: {  	[tilespmem:s29], [sflag:$0x7] =	stream.linear.gather [hbm4b:s12+s4], $0x80, $0x38;
	[tilespmem:$0x1FF00] =	vst v63  }
0x53: {  	_ =	swait.ge [sflag:s21], $0x80  }
0x54: {  	[sflag:s21] =	ssyncset.done $0x0  }
0x55: {  	s12 =	sadd.s32 s13, s18;
	[sflag:s21] =	ssyncadd.s32 $0xFFFFFF80  }
0x56: {  	[tilespmem:s30], [sflag:$0x7] =	stream.linear.gather [hbm4b:s12+s4], $0x80, $0x38;
	[tilespmem:$0x1FF00] =	vst v63  }
0x57: {  	_ =	swait.ge [sflag:s21], $0x80  }
0x58: {  	[sflag:s21] =	ssyncset.done $0x0  }
0x59: {  	p0 =	seq.s32 s13, $0x4E0;
	[sflag:s21] =	ssyncadd.s32 $0xFFFFFF80  }
0x5a: {  	[tilespmem:s31], [sflag:$0x3] =	stream.indirect.gather [hbm4b:s5+s23], $0x80, s29, s23, $0xb8;
	[tilespmem:$0x1FF00] =	vst v63  }
.Ltmp2:
0x5b: {  	_ = 	snop;
	(pc) =	sbr.rel @p0 .LBB2_4-.Ltmp2, $4  }
0x5c: {  	_ =	swait.ge [sflag:s0], $0x4000  }
0x5d: {  	[sflag:s0] =	ssyncset.done $0x0  }
0x5e: {  	[sflag:s0] =	ssyncadd.s32 $0xFFFFC000  }
0x5f: {  	[spmem:s2] =	stream.indirect.scatter.add.f32 [tilespmem:s26], [sflag:$0x5], $0x80, s25, s23, $0xb8;
	[tilespmem:$0x1FF00] =	vst v63  }
0x60: {  	_ =	swait.ge [sflag:s1], $0x4000  }
0x61: {  	s14 =	sshrl.u32 s17, $0x3;
	[sflag:s1] =	ssyncset.done $0x0  }
0x62: {  	s12 =	sadd.s32 s6, s14;
	[sflag:s1] =	ssyncadd.s32 $0xFFFFC000  }
0x63: {  	[tilespmem:s4], [sflag:$0x7] =	stream.linear.gather [hbm4b:s12+s4], $0x80, $0x38;
	[tilespmem:$0x1FF00] =	vst v63  }
0x64: {  	_ =	swait.ge [sflag:s21], $0x80  }
0x65: {  	[sflag:s21] =	ssyncset.done $0x0  }
0x66: {  	s14 =	sadd.s32 s7, s14;
	[sflag:s21] =	ssyncadd.s32 $0xFFFFFF80  }
0x67: {  	[tilespmem:s22], [sflag:$0x7] =	stream.linear.gather [hbm4b:s14+s4], $0x80, $0x38;
	[tilespmem:$0x1FF00] =	vst v63  }
0x68: {  	_ =	swait.ge [sflag:s21], $0x80  }
0x69: {  	[sflag:s21] =	ssyncset.done $0x0  }
0x6a: {  	[sflag:s21] =	ssyncadd.s32 $0xFFFFFF80  }
0x6b: {  	[tilespmem:s24], [sflag:$0x1] =	stream.indirect.gather [hbm4b:s5+s23], $0x80, s4, s23, $0xb8;
	[tilespmem:$0x1FF00] =	vst v63  }
0x6c: {  	_ =	swait.ge [sflag:s3], $0x4000  }
0x6d: {  	[sflag:s3] =	ssyncset.done $0x0  }
0x6e: {  	[sflag:s3] =	ssyncadd.s32 $0xFFFFC000  }
0x6f: {  	[spmem:s2] =	stream.indirect.scatter.add.f32 [tilespmem:s31], [sflag:$0x6], $0x80, s30, s23, $0xb8;
	[tilespmem:$0x1FF00] =	vst v63  }
0x70: {  	_ =	swait.ge [sflag:s9], $0x4000  }
0x71: {  	[sflag:s9] =	ssyncset.done $0x0  }
0x72: {  	s14 =	sadd.s32 s13, s16;
	[sflag:s9] =	ssyncadd.s32 $0xFFFFC000  }
0x73: {  	[tilespmem:s23], [sflag:$0x7] =	stream.linear.gather [hbm4b:s14+s4], $0x80, $0x38;
	[tilespmem:$0x1FF00] =	vst v63  }
0x74: {  	_ =	swait.ge [sflag:s21], $0x80  }
0x75: {  	[sflag:s21] =	ssyncset.done $0x0  }
0x76: {  	s14 =	sadd.s32 s13, s15;
	[sflag:s21] =	ssyncadd.s32 $0xFFFFFF80  }
0x77: {  	[tilespmem:s25], [sflag:$0x7] =	stream.linear.gather [hbm4b:s14+s4], $0x80, $0x38;
	[tilespmem:$0x1FF00] =	vst v63  }
.Ltmp3:
0x78: {  	_ = 	snop;
	(pc) =	sbr.rel .LBB2_2-.Ltmp3, $4  }
0x79: {  	_ =	swait.ge [sflag:s21], $0x80  }
0x7a: {  	[sflag:s21] =	ssyncset.done $0x0  }
0x7b: {  	s17 =	sadd.s32 $0x180, s17;
	s13 =	sadd.s32 $0x30, s13;
	[sflag:s21] =	ssyncadd.s32 $0xFFFFFF80  }
0x7c: {  	[tilespmem:s26], [sflag:$0x2] =	stream.indirect.gather [hbm4b:s5+s23], $0x80, s23, s23, $0xb8;
	[tilespmem:$0x1FF00] =	vst v63  }
.LBB2_5:
0x7d: {  	_ =	sfence.sel $0x180000  }
0x7e: {  	[bflag:$0x0] =	sbarrier.arrive $0xFFFF  }
0x7f: {  	_ =	strace $0x9000004D  }
0x80: {  	s0 =	stileid.u32;
	[bflag:$0x2] =	sbarrier.arrive $0xFFFF  }
0x81: {  	p0 =	sne.s32 s0, $0x0;
	s0 =	rddreg [dreg:$0x3]  }
0x82: {  	s0 =	sadd.s32 @!p0 $0x100000, s0  }
0x83: {  	[sflag:s0] =	ssyncadd.tile.s32 @!p0 $0x1;
	_ =	shalt  }
.Lfunc_end2:
_tile_overlayer_lowered:
.L_overlay_start_2:
0x84: {  	(tag) =	ssettag $0x2  }
0x85: {  	s0 =	rddreg [dreg:$0x0];
	s2 =	stileid.u32  }
0x86: {  	s1 =	rddreg [dreg:$0x1];
	p0 =	sne.s32 s2, $0x0  }
0x87: {  	s3 =	rddreg [dreg:$0x2];
	[bflag:$0x3] =	sbarrier.arrive $0xFFFF;
	s2 =	simm.s32 @!p0 $0x1C07  }
0x88: {  	[timem:s3], [sflag:s2] =	dma.local @!p0 [hbm:s0], s1  }
0x89: {  	s0 =	simm.s32 @!p0 $0x7  }
0x8a: {  	_ =	swait.ge @!p0 [sflag:s0], s1  }
0x8b: {  	s1 =	ssub.s32 @!p0 $0x0, s1;
	[sflag:s0] =	ssyncset.done @!p0 $0x0  }
0x8c: {  	[sflag:s0] =	ssyncadd.s32 @!p0 s1  }
0x8d: {  	[bflag:$0x3] =	sbarrier.arrive $0xFFFF  }
0x8e: {  	_ =	shalt  }

// kernel: kernel.19.cloned.1.call-start
scs
__scs_entry_jumppad:
0x0: {  	(pc) =	sbr.rel $0x88, $3  }
0x1: {  	(tag) =	ssettag $0x0;
	lr =	simm.s32 $0x1  }
0x2: {  	[smem:$0x3F90] =	sst lr;
	_ =	strace $0xD0000000  }
0x3: {  	_ = 	snop  }
0x4: {  	_ = 	snop  }
0x5: {  	_ = 	snop  }
0x6: {  	_ = 	snop  }
0x7: {  	_ = 	snop  }
__scs_overlays_trampoline_lowered:
0x8: {  	[smem:$0x3F9F] =	sst s0  }
0x9: {  	[smem:$0x3FA0] =	sst s1  }
0xa: {  	[smem:$0x3FA1] =	sst s2  }
0xb: {  	[smem:$0x3FA2] =	sst s3  }
0xc: {  	[smem:$0x3FA3] =	sst s4  }
0xd: {  	[smem:$0x3FA4] =	sst s5  }
0xe: {  	[smem:$0x3FA5] =	sst s6  }
0xf: {  	[smem:$0x3FA6] =	sst s7  }
0x10: {  	[smem:$0x3FA7] =	sst s8  }
0x11: {  	[smem:$0x3FA8] =	sst s9;
	s0 =	simm.s32 @!p0 $0x0  }
0x12: {  	s1 =	sld [smem:$0x3F8E];
	s0 =	simm.s32 @p0 $0x1  }
0x13: {  	[smem:$0x3FA9] =	sst s0;
	s0 =	simm.s32 @!p1 $0x0  }
0x14: {  	s2 =	sld [smem:$0x3F8D];
	s0 =	simm.s32 @p1 $0x1  }
0x15: {  	[smem:$0x3FAA] =	sst s0;
	s0 =	simm.s32 @!p2 $0x0  }
0x16: {  	s3 =	sld [smem:$0x3FDB];
	s0 =	simm.s32 @p2 $0x1  }
0x17: {  	s4 =	simm.s32 $0x1BF5;
	[smem:$0x3FAC] =	sst s0  }
0x18: {  	s0 =	sld [smem:$0x3F8F];
	_ =	swait.ge [sflag:s4], $0x0  }
0x19: {  	s7 =	sld [smem:$0x3F90]  }
0x1a: {  	s8 =	sadd.s32 $0xFFFFE003, lr  }
0x1b: {  	s9 =	sadd.s32 $0xFFFFFEF7, lr;
	s5 =	simm.s32 $0xFFFFFFFF;
	p2 =	slt.u32 s8, $0xFFFFF086  }
0x1c: {  	p1 =	slt.u32 s9, $0xF7A;
	s5 =	simm.s32 @!p2 $0x0  }
0x1d: {  	s5 =	simm.s32 @p1 $0x1;
	p0 =	seq.s32 s7, s2  }
0x1e: {  	s7 =	smul.u32 @!p0 $0xF7A, s2;
	p2 =	seq.s32 @!p0 s5, $0x0  }
0x1f: {  	s9 =	smul.u32 $0xF7A, s1;
	s8 =	simm.s32 @!p0 $0x1BF5;
	p2 =	por !p2, p0  }
0x20: {  	[sflag:s8] =	ssyncset.s32 @!p0 $0xFFFFF086;
	s6 =	sadd.s32 @!p0 s3, s7;
	s7 =	simm.s32 @!p0 $0x108  }
0x21: {  	s3 =	sadd.s32 s3, s9;
	s6 =	sadd.s32 @!p0 $0x88, s6;
	s7 =	simm.s32 @p2 $0x1082  }
0x22: {  	[simem:s7], [sflag:s8] =	dma.local @!p0 [hbm:s6], $0xF7A  }
0x23: {  	s9 =	sor.u32 $0xD0000000, s2;
	s6 =	simm.s32 $0x108;
	_ =	swait.ge @!p0 [sflag:s8], $0x0  }
0x24: {  	s3 =	sadd.s32 $0x88, s3;
	s6 =	simm.s32 @!p1 $0x1082;
	[sflag:s4] =	ssyncset.s32 $0xFFFFF086  }
0x25: {  	[simem:s6], [sflag:s4] =	dma.local [hbm:s3], $0xF7A  }
0x26: {  	[smem:$0x3F90] =	sst s1;
	(tag) =	ssettag s2;
	_ =	strace s9  }
0x27: {  	s1 =	sld [smem:$0x3FA0]  }
0x28: {  	s2 =	sld [smem:$0x3FA1]  }
0x29: {  	s4 =	sld [smem:$0x3FA3]  }
0x2a: {  	p0 =	seq.s32 s5, $0x0;
	s5 =	sld [smem:$0x3FA4]  }
0x2b: {  	s6 =	sld [smem:$0x3FA5]  }
0x2c: {  	s7 =	sld [smem:$0x3FA6]  }
0x2d: {  	s3 =	simm.s32 $0x108;
	s8 =	sld [smem:$0x3FA7]  }
0x2e: {  	s3 =	simm.s32 @!p0 $0x1082;
	s9 =	sld [smem:$0x3FA8]  }
0x2f: {  	lr =	sadd.s32 s0, s3;
	s0 =	sld [smem:$0x3F9F]  }
0x30: {  	s3 =	sld [smem:$0x3FA2]  }
0x31: {  	[smem:$0x3FAB] =	sst s10  }
0x32: {  	s10 =	sld [smem:$0x3FA9];
	_ =	sdelay $0x3  }
0x33: {  	p0 =	seq.s32 s10, $0x1;
	s10 =	sld [smem:$0x3FAB];
	_ =	sdelay $0x3  }
0x34: {  	[smem:$0x3FAB] =	sst s10  }
0x35: {  	s10 =	sld [smem:$0x3FAA];
	_ =	sdelay $0x3  }
0x36: {  	p1 =	seq.s32 s10, $0x1;
	s10 =	sld [smem:$0x3FAB];
	_ =	sdelay $0x3  }
0x37: {  	[smem:$0x3FAB] =	sst s10  }
0x38: {  	s10 =	sld [smem:$0x3FAC]  }
0x39: {  	_ = 	snop;
	(pc) =	sbr.ind lr, $3  }
0x3a: {  	_ = 	snop  }
0x3b: {  	_ = 	snop  }
0x3c: {  	p2 =	seq.s32 s10, $0x1;
	s10 =	sld [smem:$0x3FAB]  }
0x3d: {  	_ =	shalt  }
0x3e: {  	_ =	shalt  }
0x3f: {  	_ =	shalt  }
0x40: {  	_ =	shalt  }
0x41: {  	_ =	shalt  }
0x42: {  	_ =	shalt  }
0x43: {  	_ =	shalt  }
0x44: {  	_ =	shalt  }
0x45: {  	_ =	shalt  }
0x46: {  	_ =	shalt  }
0x47: {  	_ =	shalt  }
0x48: {  	_ =	shalt  }
0x49: {  	_ =	shalt  }
0x4a: {  	_ =	shalt  }
0x4b: {  	_ =	shalt  }
0x4c: {  	_ =	shalt  }
0x4d: {  	_ =	shalt  }
0x4e: {  	_ =	shalt  }
0x4f: {  	_ =	shalt  }
0x50: {  	_ =	shalt  }
0x51: {  	_ =	shalt  }
0x52: {  	_ =	shalt  }
0x53: {  	_ =	shalt  }
0x54: {  	_ =	shalt  }
0x55: {  	_ =	shalt  }
0x56: {  	_ =	shalt  }
0x57: {  	_ =	shalt  }
0x58: {  	_ =	shalt  }
0x59: {  	_ =	shalt  }
0x5a: {  	_ =	shalt  }
0x5b: {  	_ =	shalt  }
0x5c: {  	_ =	shalt  }
0x5d: {  	_ =	shalt  }
0x5e: {  	_ =	shalt  }
0x5f: {  	_ =	shalt  }
0x60: {  	_ =	shalt  }
0x61: {  	_ =	shalt  }
0x62: {  	_ =	shalt  }
0x63: {  	_ =	shalt  }
0x64: {  	_ =	shalt  }
0x65: {  	_ =	shalt  }
0x66: {  	_ =	shalt  }
0x67: {  	_ =	shalt  }
0x68: {  	_ =	shalt  }
0x69: {  	_ =	shalt  }
0x6a: {  	_ =	shalt  }
0x6b: {  	_ =	shalt  }
0x6c: {  	_ =	shalt  }
0x6d: {  	_ =	shalt  }
0x6e: {  	_ =	shalt  }
0x6f: {  	_ =	shalt  }
0x70: {  	_ =	shalt  }
0x71: {  	_ =	shalt  }
0x72: {  	_ =	shalt  }
0x73: {  	_ =	shalt  }
0x74: {  	_ =	shalt  }
0x75: {  	_ =	shalt  }
0x76: {  	_ =	shalt  }
0x77: {  	_ =	shalt  }
0x78: {  	_ =	shalt  }
0x79: {  	_ =	shalt  }
0x7a: {  	_ =	shalt  }
0x7b: {  	_ =	shalt  }
0x7c: {  	_ =	shalt  }
0x7d: {  	_ =	shalt  }
0x7e: {  	_ =	shalt  }
0x7f: {  	_ =	shalt  }
0x80: {  	_ =	shalt  }
0x81: {  	_ =	shalt  }
0x82: {  	_ =	shalt  }
0x83: {  	_ =	shalt  }
0x84: {  	_ =	shalt  }
0x85: {  	_ =	shalt  }
0x86: {  	_ =	shalt  }
0x87: {  	_ =	shalt  }
.Lfunc_end0:
.L_simem_size_0:
called_computation.3_lowered:
.L_overlay_start_0:
0x88: {  	s2 =	sld [smem:$0x3FD9]  }
0x89: {  	s3 =	sld [smem:$0x3FFE];
	_ =	sdelay $0x1  }
0x8a: {  	s1 =	srdreg.scid  }
0x8b: {  	s0 =	sand.u32 $0x1, s1  }
0x8c: {  	s14 =	sshll.u32 s0, $0xA;
	s2 =	sadd.s32 s3, s2  }
0x8d: {  	s2 =	sadd.s32 s2, s14  }
0x8e: {  	[smem:$0x3FB7] =	sst s2  }
0x8f: {  	_ = 	snop  }
0x90: {  	s2 =	sld [smem:$0x3FD0];
	_ =	sdelay $0x2  }
0x91: {  	s15 =	simm.s32 $0xA;
	s4 =	simm.s32 $0x10  }
0x92: {  	[smem:s4], [sflag:s15] =	dma.local [hbm:s2], $0x1  }
0x93: {  	_ =	swait.eq [sflag:s15], $0x1  }
0x94: {  	[sflag:s15] =	ssyncset.done $0x0  }
0x95: {  	[sflag:s15] =	ssyncadd.s32 $0xFFFFFFFF  }
0x96: {  	s16 =	sld [smem:$0x12];
	(tm) =	ssettm $0x1  }
0x97: {  	s17 =	sld [smem:$0x3FFB];
	_ =	sdelay $0x3  }
0x98: {  	_ =	strace s17  }
0x99: {  	s3 =	sld [smem:$0x3FFC];
	_ =	sdelay $0x3  }
0x9a: {  	_ =	strace s3  }
0x9b: {  	s3 =	sld [smem:$0x3FFD];
	_ =	sdelay $0x3  }
0x9c: {  	_ =	strace s3  }
0x9d: {  	_ =	strace $0x8FFFFFFF  }
0x9e: {  	s18 =	sld [smem:$0x3FDB];
	_ =	sdelay $0x1  }
0x9f: {  	s19 =	simm.s32 $_scs_section_size  }
0xa0: {  	s5 =	simm.s32 $_size__tile_overlayer_lowered;
	s6 =	simm.s32 $_tile_overlayer_lowered  }
0xa1: {  	s22 =	simm.s32 $0x1BFF;
	s21 =	sshll.u32 s6, $0x1;
	s3 =	sadd.s32 s19, s18  }
0xa2: {  	s7 =	simm.s32 $0x0;
	s20 =	sshll.u32 s5, $0x1;
	s5 =	sadd.s32 s21, s3  }
0xa3: {  	[timem:s7], [sflag:s22] =	dma.local [hbm:s5], s20  }
0xa4: {  	_ =	swait.ge [sflag:s22], s20  }
0xa5: {  	s4 =	ssub.s32 $0x0, s20;
	[sflag:s22] =	ssyncset.done $0x0  }
0xa6: {  	[sflag:s22] =	ssyncadd.s32 s4;
	_ =	sdelay $0x1  }
0xa7: {  	s23 =	simm.s32 $0x1B8B  }
0xa8: {  	_ =	swait.ge [sflag:s23], $0x1  }
0xa9: {  	[sflag:s23] =	ssyncset.done $0x0  }
0xaa: {  	s25 =	simm.s32 $0x1B8E;
	s24 =	sld [smem:$0x3FFE];
	[sflag:s23] =	ssyncadd.s32 $0xFFFFFFFF  }
0xab: {  	s26 =	simm.s32 $execute0_lowered;
	[smem:$0x3FD2] =	sst s25  }
0xac: {  	s5 =	sshll.u32 s26, $0x1;
	_ =	strace $0x8000004F;
	[dreg:$0x1] =	wrdreg $0xFFFFFFFF  }
0xad: {  	s28 =	simm.s32 $_size_execute0_lowered;
	s3 =	sadd.s32 s3, s5;
	[dreg:$0x0] =	wrdreg $0x0  }
0xae: {  	s5 =	sshll.u32 s28, $0x1;
	[dreg:$0x2] =	wrdreg s3  }
0xaf: {  	[dreg:$0x3] =	wrdreg s5  }
0xb0: {  	[dreg:$0x4] =	wrdreg $0xC0  }
0xb1: {  	_ =	task [dreg:s7], $0x5FFFF  }
0xb2: {  	[dreg:$0x1] =	wrdreg $0xFFFFFFFF  }
0xb3: {  	[dreg:$0x0] =	wrdreg $0x60  }
0xb4: {  	[dreg:$0x2] =	wrdreg s24  }
0xb5: {  	[dreg:$0x3] =	wrdreg s16  }
0xb6: {  	[dreg:$0x4] =	wrdreg $0xC3000  }
0xb7: {  	[dreg:$0x5] =	wrdreg $0x9  }
0xb8: {  	_ =	task.clear_ibuf [dreg:s7], $0x6FFFF;
	_ =	strace $0x9000004F  }
0xb9: {  	s29 =	simm.s32 $0x9;
	_ =	strace $0x80000051  }
0xba: {  	_ =	swait.ge [sflag:s29], $0x1  }
0xbb: {  	[sflag:s29] =	ssyncadd.s32 $0xFFFFFFFF  }
0xbc: {  	_ =	strace $0x90000051  }
0xbd: {  	_ =	sfence  }
0xbe: {  	s30 =	sld [smem:$0x0];
	_ =	sdelay $0x2  }
0xbf: {  	s31 =	sshll.u32 s1, $0xD;
	s1 =	sshrl.u32 s1, $0x2  }
0xc0: {  	s3 =	sand.u32 $0x4000, s31;
	s1 =	sadd.s32 s1, s30  }
0xc1: {  	s0 =	sor.u32 s3, s0;
	s1 =	sshll.u32 s1, $0x11  }
0xc2: {  	s0 =	sor.u32 s1, s0  }
0xc3: {  	s0 =	sadd.s32 $0x8F2B, s0  }
0xc4: {  	[sflag:s0] =	ssyncadd.remote.s32 $0x1  }
0xc5: {  	_ =	sfence.sel $0xFFFF  }
0xc6: {  	[dreg:$0x0] =	wrdreg $0xFFFFFFFF;
	(pc) =	sbr.abs _section_cstart, $3  }
0xc7: {  	[dreg:$0x1] =	wrdreg $0xFFFFFFFF  }
0xc8: {  	_ =	task.clear_ibuf [dreg:s7], $0x2FFFF;
	_ =	strace $0x9FFFFFFF  }
0xc9: {  	(tm) =	ssettm $0x7FFFFFFF  }
tec
execute0_lowered:
.L_overlay_start_1:
0x0: {  	(tag) =	ssettag $0x1  }
0x1: {  	s0 =	rddreg [dreg:$0x0]  }
0x2: {  	s2 =	rddreg [dreg:$0x2];
	s1 =	srdreg.scid  }
0x3: {  	s4 =	simm.s32 $0x0;
	s11 =	stileid.u32;
	s28 =	simm.s32 $0x1  }
0x4: {  	s29 =	simm.s32 $0x100;
	s30 =	simm.s32 $0x280;
	s31 =	simm.s32 $0x8300  }
0x5: {  	s1 =	sand.u32 $0x1, s1;
	[smem:$0x7FF] =	sst s4;
	s7 =	smul.u32 $0x13C00, s11  }
0x6: {  	s5 =	sadd.s32 $0x18400, s0;
	s6 =	sadd.s32 $0xE200, s0;
	s10 =	smul.u32 $0x4F000, s11  }
0x7: {  	s8 =	sshll.u32 s11, $0x1;
	s16 =	smul.u32 $0x5100, s11;
	s11 =	sshll.u32 s11, $0x6  }
0x8: {  	s3 =	smul.u32 $0x13C000, s1;
	_ =	strace $0x80000050;
	s9 =	ssub.s32 $0x2, s1  }
0x9: {  	s8 =	sor.u32 s1, s8;
	s1 =	smul.u32 $0x2880, s1;
	s14 =	sshrl.u32 s9, $0x1  }
0xa: {  	s8 =	smul.u32 $0x2880, s8;
	s15 =	sshrl.u32 s10, $0x2;
	s10 =	simm.s32 $0x6  }
0xb: {  	s3 =	sadd.s32 s7, s3;
	s7 =	sadd.s32 $0x4000, s0;
	s1 =	sadd.s32 s1, s16  }
0xc: {  	s3 =	sshrl.u32 s3, $0x3;
	s12 =	sshrl.u32 s8, $0x3;
	s8 =	sor.u32 $0x1C07, s11  }
0xd: {  	s22 =	sadd.s32 $0x200, s1;
	s24 =	sadd.s32 $0x100, s1;
	s26 =	sadd.s32 $0x180, s1  }
0xe: {  	s1 =	simm.s32 $0x4;
	s11 =	simm.s32 $0x0;
	s0 =	sadd.s32 s3, s0  }
0xf: {  	s3 =	ssub.s32 s9, s14;
	s9 =	sadd.s32 s15, s2;
	s17 =	sadd.s32 s6, s12  }
0x10: {  	s18 =	sadd.s32 s7, s12;
	s19 =	sadd.s32 $0x10, s12;
	s23 =	sshrl.u32 s22, $0x3  }
0x11: {  	s25 =	sshrl.u32 s24, $0x3;
	[dreg:$0xa] =	wrdreg s26;
	s22 =	simm.s32 $0x180  }
0x12: {  	s24 =	simm.s32 $0x300;
	s26 =	simm.s32 $0x4300;
	[dreg:$0x4] =	wrdreg s17  }
0x13: {  	[dreg:$0x5] =	wrdreg s18;
	s20 =	sadd.s32 s6, s19;
	s21 =	sadd.s32 s7, s19  }
0x14: {  	s0 =	sadd.s32 $0x66800, s0;
	s3 =	smax.u32 s3, $0x1;
	s15 =	sadd.s32 s23, s7  }
.Ltmp0:
0x15: {  	s16 =	sadd.s32 s23, s6;
	[dreg:$0x6] =	wrdreg s20;
	(pc) =	sbr.rel .LBB2_1-.Ltmp0, $4  }
0x16: {  	s18 =	sadd.s32 s25, s7;
	s19 =	sadd.s32 s25, s6;
	[dreg:$0x7] =	wrdreg s21  }
0x17: {  	s23 =	simm.s32 $0x80;
	s25 =	simm.s32 $0x200;
	[dreg:$0x8] =	wrdreg s0  }
0x18: {  	[dreg:$0x9] =	wrdreg s3;
	s20 =	sshrl.u32 s9, $0x3;
	s21 =	simm.s32 $0x7  }
0x19: {  	s0 =	simm.s32 $0x2;
	s3 =	simm.s32 $0x3;
	s9 =	simm.s32 $0x5  }
.LBB2_4:
0x1a: {  	_ =	swait.ge [sflag:s3], $0x4000  }
0x1b: {  	[sflag:s3] =	ssyncset.done $0x0  }
0x1c: {  	[sflag:s3] =	ssyncadd.s32 $0xFFFFC000  }
0x1d: {  	[spmem:s2] =	stream.indirect.scatter.add.f32 [tilespmem:s31], [sflag:$0x6], $0x80, s30, s23, $0xb8;
	[tilespmem:$0x1FF00] =	vst v63  }
0x1e: {  	_ =	swait.ge [sflag:s1], $0x4000  }
0x1f: {  	[sflag:s1] =	ssyncset.done $0x0  }
0x20: {  	[sflag:s1] =	ssyncadd.s32 $0xFFFFC000  }
0x21: {  	_ =	swait.ge [sflag:s9], $0x4000  }
0x22: {  	[sflag:s9] =	ssyncset.done $0x0  }
0x23: {  	[sflag:s9] =	ssyncadd.s32 $0xFFFFC000  }
0x24: {  	_ =	swait.ge [sflag:s10], $0x4000  }
0x25: {  	[sflag:s10] =	ssyncset.done $0x0  }
0x26: {  	[sflag:s10] =	ssyncadd.s32 $0xFFFFC000  }
0x27: {  	[bflag:$0x0] =	sbarrier.arrive $0xFFFF  }
0x28: {  	s12 =	rddreg [dreg:$0x8]  }
0x29: {  	[hbm:s12], [sflag:s8] =	dma.local [spmem:s20], $0x2780  }
0x2a: {  	_ =	swait.ge [sflag:s21], $0x2780  }
0x2b: {  	s11 =	sadd.s32 $0x1, s11;
	s17 =	rddreg [dreg:$0x9]  }
0x2c: {  	p0 =	sne.s32 s11, s17  }
.Ltmp1:
0x2d: {  	_ = 	snop;
	(pc) =	sbr.rel @!p0 .LBB2_5-.Ltmp1, $3  }
0x2e: {  	_ =	sdelay $0x1  }
0x2f: {  	[sflag:s21] =	ssyncset.done $0x0  }
0x30: {  	[sflag:s21] =	ssyncadd.s32 $0xFFFFD880  }
.LBB2_1:
0x31: {  	s12 =	rddreg [dreg:$0x1]  }
0x32: {  	[spmem:s20], [sflag:s8] =	dma.local [hbm:s12], $0x2780  }
0x33: {  	_ =	swait.ge [sflag:s21], $0x2780  }
0x34: {  	[sflag:s21] =	ssyncset.done $0x0  }
0x35: {  	[sflag:s21] =	ssyncadd.s32 $0xFFFFD880  }
0x36: {  	[bflag:$0x0] =	sbarrier.arrive $0xFFFF  }
0x37: {  	s17 =	rddreg [dreg:$0x4]  }
0x38: {  	[tilespmem:s4], [sflag:$0x7] =	stream.linear.gather [hbm4b:s17+s4], $0x80, $0x38;
	[tilespmem:$0x1FF00] =	vst v63  }
0x39: {  	_ =	swait.ge [sflag:s21], $0x80  }
0x3a: {  	[sflag:s21] =	ssyncset.done $0x0  }
0x3b: {  	s13 =	rddreg [dreg:$0x5];
	[sflag:s21] =	ssyncadd.s32 $0xFFFFFF80  }
0x3c: {  	[tilespmem:s22], [sflag:$0x7] =	stream.linear.gather [hbm4b:s13+s4], $0x80, $0x38;
	[tilespmem:$0x1FF00] =	vst v63  }
0x3d: {  	_ =	swait.ge [sflag:s21], $0x80  }
0x3e: {  	[sflag:s21] =	ssyncset.done $0x0  }
0x3f: {  	[sflag:s21] =	ssyncadd.s32 $0xFFFFFF80  }
0x40: {  	[tilespmem:s24], [sflag:$0x1] =	stream.indirect.gather [hbm4b:s5+s23], $0x80, s4, s23, $0xb8;
	[tilespmem:$0x1FF00] =	vst v63  }
0x41: {  	s14 =	rddreg [dreg:$0x6]  }
0x42: {  	[tilespmem:s23], [sflag:$0x7] =	stream.linear.gather [hbm4b:s14+s4], $0x80, $0x38;
	[tilespmem:$0x1FF00] =	vst v63  }
0x43: {  	_ =	swait.ge [sflag:s21], $0x80  }
0x44: {  	[sflag:s21] =	ssyncset.done $0x0  }
0x45: {  	s17 =	rddreg [dreg:$0x7];
	[sflag:s21] =	ssyncadd.s32 $0xFFFFFF80  }
0x46: {  	[tilespmem:s25], [sflag:$0x7] =	stream.linear.gather [hbm4b:s17+s4], $0x80, $0x38;
	[tilespmem:$0x1FF00] =	vst v63  }
0x47: {  	_ =	swait.ge [sflag:s21], $0x80  }
0x48: {  	[sflag:s21] =	ssyncset.done $0x0  }
0x49: {  	s13 =	simm.s32 $0x0;
	s17 =	rddreg [dreg:$0xa];
	[sflag:s21] =	ssyncadd.s32 $0xFFFFFF80  }
0x4a: {  	[tilespmem:s26], [sflag:$0x2] =	stream.indirect.gather [hbm4b:s5+s23], $0x80, s23, s23, $0xb8;
	[tilespmem:$0x1FF00] =	vst v63  }
.LBB2_2:
0x4b: {  	_ =	swait.ge [sflag:s28], $0x4000  }
0x4c: {  	p0 =	seq.s32 s13, $0x0;
	[sflag:s28] =	ssyncset.done $0x0  }
0x4d: {  	s14 =	simm.s32 @!p0 $0x6;
	[sflag:s28] =	ssyncadd.s32 $0xFFFFC000  }
0x4e: {  	[spmem:s2] =	stream.indirect.scatter.add.f32 [tilespmem:s24], [sflag:$0x4], $0x80, s22, s23, $0xb8;
	[tilespmem:$0x1FF00] =	vst v63  }
0x4f: {  	_ =	swait.ge @!p0 [sflag:s14], $0x4000  }
0x50: {  	[sflag:s14] =	ssyncset.done @!p0 $0x0  }
0x51: {  	s12 =	sadd.s32 s13, s19;
	[sflag:s14] =	ssyncadd.s32 @!p0 $0xFFFFC000  }
0x52: {  	[tilespmem:s29], [sflag:$0x7] =	stream.linear.gather [hbm4b:s12+s4], $0x80, $0x38;
	[tilespmem:$0x1FF00] =	vst v63  }
0x53: {  	_ =	swait.ge [sflag:s21], $0x80  }
0x54: {  	[sflag:s21] =	ssyncset.done $0x0  }
0x55: {  	s12 =	sadd.s32 s13, s18;
	[sflag:s21] =	ssyncadd.s32 $0xFFFFFF80  }
0x56: {  	[tilespmem:s30], [sflag:$0x7] =	stream.linear.gather [hbm4b:s12+s4], $0x80, $0x38;
	[tilespmem:$0x1FF00] =	vst v63  }
0x57: {  	_ =	swait.ge [sflag:s21], $0x80  }
0x58: {  	[sflag:s21] =	ssyncset.done $0x0  }
0x59: {  	p0 =	seq.s32 s13, $0x4E0;
	[sflag:s21] =	ssyncadd.s32 $0xFFFFFF80  }
0x5a: {  	[tilespmem:s31], [sflag:$0x3] =	stream.indirect.gather [hbm4b:s5+s23], $0x80, s29, s23, $0xb8;
	[tilespmem:$0x1FF00] =	vst v63  }
.Ltmp2:
0x5b: {  	_ = 	snop;
	(pc) =	sbr.rel @p0 .LBB2_4-.Ltmp2, $4  }
0x5c: {  	_ =	swait.ge [sflag:s0], $0x4000  }
0x5d: {  	[sflag:s0] =	ssyncset.done $0x0  }
0x5e: {  	[sflag:s0] =	ssyncadd.s32 $0xFFFFC000  }
0x5f: {  	[spmem:s2] =	stream.indirect.scatter.add.f32 [tilespmem:s26], [sflag:$0x5], $0x80, s25, s23, $0xb8;
	[tilespmem:$0x1FF00] =	vst v63  }
0x60: {  	_ =	swait.ge [sflag:s1], $0x4000  }
0x61: {  	s14 =	sshrl.u32 s17, $0x3;
	[sflag:s1] =	ssyncset.done $0x0  }
0x62: {  	s12 =	sadd.s32 s6, s14;
	[sflag:s1] =	ssyncadd.s32 $0xFFFFC000  }
0x63: {  	[tilespmem:s4], [sflag:$0x7] =	stream.linear.gather [hbm4b:s12+s4], $0x80, $0x38;
	[tilespmem:$0x1FF00] =	vst v63  }
0x64: {  	_ =	swait.ge [sflag:s21], $0x80  }
0x65: {  	[sflag:s21] =	ssyncset.done $0x0  }
0x66: {  	s14 =	sadd.s32 s7, s14;
	[sflag:s21] =	ssyncadd.s32 $0xFFFFFF80  }
0x67: {  	[tilespmem:s22], [sflag:$0x7] =	stream.linear.gather [hbm4b:s14+s4], $0x80, $0x38;
	[tilespmem:$0x1FF00] =	vst v63  }
0x68: {  	_ =	swait.ge [sflag:s21], $0x80  }
0x69: {  	[sflag:s21] =	ssyncset.done $0x0  }
0x6a: {  	[sflag:s21] =	ssyncadd.s32 $0xFFFFFF80  }
0x6b: {  	[tilespmem:s24], [sflag:$0x1] =	stream.indirect.gather [hbm4b:s5+s23], $0x80, s4, s23, $0xb8;
	[tilespmem:$0x1FF00] =	vst v63  }
0x6c: {  	_ =	swait.ge [sflag:s3], $0x4000  }
0x6d: {  	[sflag:s3] =	ssyncset.done $0x0  }
0x6e: {  	[sflag:s3] =	ssyncadd.s32 $0xFFFFC000  }
0x6f: {  	[spmem:s2] =	stream.indirect.scatter.add.f32 [tilespmem:s31], [sflag:$0x6], $0x80, s30, s23, $0xb8;
	[tilespmem:$0x1FF00] =	vst v63  }
0x70: {  	_ =	swait.ge [sflag:s9], $0x4000  }
0x71: {  	[sflag:s9] =	ssyncset.done $0x0  }
0x72: {  	s14 =	sadd.s32 s13, s16;
	[sflag:s9] =	ssyncadd.s32 $0xFFFFC000  }
0x73: {  	[tilespmem:s23], [sflag:$0x7] =	stream.linear.gather [hbm4b:s14+s4], $0x80, $0x38;
	[tilespmem:$0x1FF00] =	vst v63  }
0x74: {  	_ =	swait.ge [sflag:s21], $0x80  }
0x75: {  	[sflag:s21] =	ssyncset.done $0x0  }
0x76: {  	s14 =	sadd.s32 s13, s15;
	[sflag:s21] =	ssyncadd.s32 $0xFFFFFF80  }
0x77: {  	[tilespmem:s25], [sflag:$0x7] =	stream.linear.gather [hbm4b:s14+s4], $0x80, $0x38;
	[tilespmem:$0x1FF00] =	vst v63  }
.Ltmp3:
0x78: {  	_ = 	snop;
	(pc) =	sbr.rel .LBB2_2-.Ltmp3, $4  }
0x79: {  	_ =	swait.ge [sflag:s21], $0x80  }
0x7a: {  	[sflag:s21] =	ssyncset.done $0x0  }
0x7b: {  	s17 =	sadd.s32 $0x180, s17;
	s13 =	sadd.s32 $0x30, s13;
	[sflag:s21] =	ssyncadd.s32 $0xFFFFFF80  }
0x7c: {  	[tilespmem:s26], [sflag:$0x2] =	stream.indirect.gather [hbm4b:s5+s23], $0x80, s23, s23, $0xb8;
	[tilespmem:$0x1FF00] =	vst v63  }
.LBB2_5:
0x7d: {  	_ =	sfence.sel $0x180000  }
0x7e: {  	[bflag:$0x0] =	sbarrier.arrive $0xFFFF  }
0x7f: {  	_ =	strace $0x90000050  }
0x80: {  	s0 =	stileid.u32;
	[bflag:$0x2] =	sbarrier.arrive $0xFFFF  }
0x81: {  	p0 =	sne.s32 s0, $0x0;
	s0 =	rddreg [dreg:$0x3]  }
0x82: {  	s0 =	sadd.s32 @!p0 $0x100000, s0  }
0x83: {  	[sflag:s0] =	ssyncadd.tile.s32 @!p0 $0x1;
	_ =	shalt  }
.Lfunc_end2:
_tile_overlayer_lowered:
.L_overlay_start_2:
0x84: {  	(tag) =	ssettag $0x2  }
0x85: {  	s0 =	rddreg [dreg:$0x0];
	s2 =	stileid.u32  }
0x86: {  	s1 =	rddreg [dreg:$0x1];
	p0 =	sne.s32 s2, $0x0  }
0x87: {  	s3 =	rddreg [dreg:$0x2];
	[bflag:$0x3] =	sbarrier.arrive $0xFFFF;
	s2 =	simm.s32 @!p0 $0x1C07  }
0x88: {  	[timem:s3], [sflag:s2] =	dma.local @!p0 [hbm:s0], s1  }
0x89: {  	s0 =	simm.s32 @!p0 $0x7  }
0x8a: {  	_ =	swait.ge @!p0 [sflag:s0], s1  }
0x8b: {  	s1 =	ssub.s32 @!p0 $0x0, s1;
	[sflag:s0] =	ssyncset.done @!p0 $0x0  }
0x8c: {  	[sflag:s0] =	ssyncadd.s32 @!p0 s1  }
0x8d: {  	[bflag:$0x3] =	sbarrier.arrive $0xFFFF  }
0x8e: {  	_ =	shalt  }

</sc_bundles>
